<compile_context>
chip_gen: v7x
topology: tpu7x:2x2x1
jax: 0.10.2.dev20260603
libtpu: 0.0.44.dev20260713+nightly
codegen_flags: <defaults>
</compile_context>

<pallas_src>
import functools

import jax
import jax.numpy as jnp
from jax import lax
from jax.experimental import pallas as pl
from jax.experimental.pallas import tpu as pltpu
from jax.experimental.pallas import tpu_sc as plsc

NC = 2
NS = 16
NW = NC * NS
CH = 256
CE = 512
NB = 128


def _sc_mesh():
    return plsc.VectorSubcoreMesh(
        core_axis_name="c", subcore_axis_name="s", num_cores=NC, num_subcores=NS
    )


def _gather_sorted(table, idx):
    e_pad = idx.shape[0]
    d = table.shape[1]
    cpw = e_pad // (CH * NW)

    assert cpw % 2 == 0

    def body(table_hbm, idx_hbm, out_hbm,
             idx_a, rows_a, sia, sga, swa, idx_b, rows_b, sib, sgb, swb):
        c = lax.axis_index("c")
        s = lax.axis_index("s")
        wid = s * NC + c

        def base_of(t):
            return (t * NW + wid) * CH

        def fetch(t, idx_v, si):
            pltpu.async_copy(idx_hbm.at[pl.ds(base_of(t), CH)], idx_v, si)

        def fire(t, idx_v, rows_v, si, sg):
            pltpu.make_async_copy(idx_hbm.at[pl.ds(base_of(t), CH)],
                                  idx_v, si).wait()
            pltpu.async_copy(table_hbm.at[idx_v], rows_v, sg)

        def half(t, idx_s, rows_s, si_s, sg_s, sw_s,
                 idx_o, rows_o, si_o, sg_o, sw_o):
            @pl.when(t + 1 < cpw)
            def _():
                @pl.when(t >= 1)
                def _():
                    pltpu.make_async_copy(
                        rows_o, out_hbm.at[pl.ds(base_of(t - 1), CH)],
                        sw_o).wait()
                fire(t + 1, idx_o, rows_o, si_o, sg_o)

            pltpu.make_async_copy(table_hbm.at[idx_s], rows_s, sg_s).wait()

            @pl.when(t + 2 < cpw)
            def _():
                fetch(t + 2, idx_s, si_s)

            pltpu.async_copy(rows_s, out_hbm.at[pl.ds(base_of(t), CH)], sw_s)

        fetch(0, idx_a, sia)
        fetch(1, idx_b, sib)
        fire(0, idx_a, rows_a, sia, sga)

        def pair(tt, _):
            t0 = tt * 2
            half(t0, idx_a, rows_a, sia, sga, swa,
                 idx_b, rows_b, sib, sgb, swb)
            half(t0 + 1, idx_b, rows_b, sib, sgb, swb,
                 idx_a, rows_a, sia, sga, swa)
            return 0
        lax.fori_loop(0, cpw // 2, pair, 0)

        pltpu.make_async_copy(
            rows_a, out_hbm.at[pl.ds(base_of(cpw - 2), CH)], swa).wait()
        pltpu.make_async_copy(
            rows_b, out_hbm.at[pl.ds(base_of(cpw - 1), CH)], swb).wait()

    k = pl.kernel(
        body,
        out_type=jax.ShapeDtypeStruct((e_pad, d), jnp.float32),
        mesh=_sc_mesh(),
        scratch_types=[
            pltpu.VMEM((CH,), jnp.int32),
            pltpu.VMEM((CH, d), jnp.float32),
            pltpu.SemaphoreType.DMA,
            pltpu.SemaphoreType.DMA,
            pltpu.SemaphoreType.DMA,
            pltpu.VMEM((CH,), jnp.int32),
            pltpu.VMEM((CH, d), jnp.float32),
            pltpu.SemaphoreType.DMA,
            pltpu.SemaphoreType.DMA,
            pltpu.SemaphoreType.DMA,
        ],
    )
    return k(table, idx)


def _segred(msg, eas, dsts2d, clo, chi, nblocks, with_deg):
    d = msg.shape[1]

    def body(clo_ref, chi_ref, msg_ref, eas_ref, dst_ref, *rest):
        if with_deg:
            agg_ref, deg_ref, msg_v, ea_v, dst_v, sem_m, sem_e, sem_d = rest
        else:
            agg_ref, msg_v, ea_v, dst_v, sem_m, sem_e, sem_d = rest
        b = pl.program_id(0)
        lo = clo_ref[b]
        hi = chi_ref[b]
        agg_ref[...] = jnp.zeros((NB, d), jnp.float32)
        row0 = b * NB
        iota = lax.broadcasted_iota(jnp.int32, (NB, 1), 0) + row0

        def start(t, slot):
            pltpu.make_async_copy(msg_ref.at[pl.ds(t * CE, CE)],
                                  msg_v.at[slot], sem_m.at[slot]).start()
            pltpu.make_async_copy(eas_ref.at[pl.ds(t * CE, CE)],
                                  ea_v.at[slot], sem_e.at[slot]).start()
            pltpu.make_async_copy(dst_ref.at[t], dst_v.at[slot],
                                  sem_d.at[slot]).start()

        @pl.when(lo < hi)
        def _():
            start(lo, 0)

        def step(t, deg):
            slot = lax.rem(t - lo, 2)

            @pl.when(t + 1 < hi)
            def _():
                start(t + 1, 1 - slot)

            pltpu.make_async_copy(msg_ref.at[pl.ds(t * CE, CE)],
                                  msg_v.at[slot], sem_m.at[slot]).wait()
            pltpu.make_async_copy(eas_ref.at[pl.ds(t * CE, CE)],
                                  ea_v.at[slot], sem_e.at[slot]).wait()
            pltpu.make_async_copy(dst_ref.at[t], dst_v.at[slot],
                                  sem_d.at[slot]).wait()
            dchunk = dst_v[slot]
            oh = (dchunk[None, :] == iota).astype(jnp.float32)
            m = msg_v[slot] + ea_v[slot]
            agg_ref[...] += jnp.dot(oh, m, preferred_element_type=jnp.float32)
            return deg + jnp.sum(oh, axis=1)

        deg = lax.fori_loop(lo, hi, step, jnp.zeros((NB,), jnp.float32),
                            unroll=False)
        if with_deg:
            deg_ref[...] = deg[:, None] + jnp.zeros((NB, d), jnp.float32)

    out_shape = [jax.ShapeDtypeStruct((nblocks * NB, d), jnp.float32)]
    out_specs = [pl.BlockSpec((NB, d), lambda b: (b, 0))]
    if with_deg:
        out_shape.append(jax.ShapeDtypeStruct((nblocks * NB, d), jnp.float32))
        out_specs.append(pl.BlockSpec((NB, d), lambda b: (b, 0)))

    res = pl.pallas_call(
        body,
        grid=(nblocks,),
        in_specs=[
            pl.BlockSpec(memory_space=pltpu.SMEM),
            pl.BlockSpec(memory_space=pltpu.SMEM),
            pl.BlockSpec(memory_space=pltpu.HBM),
            pl.BlockSpec(memory_space=pltpu.HBM),
            pl.BlockSpec(memory_space=pltpu.HBM),
        ],
        out_specs=out_specs,
        out_shape=out_shape,
        scratch_shapes=[
            pltpu.VMEM((2, CE, d), jnp.float32),
            pltpu.VMEM((2, CE, d), jnp.float32),
            pltpu.VMEM((2, CE), jnp.int32),
            pltpu.SemaphoreType.DMA((2,)),
            pltpu.SemaphoreType.DMA((2,)),
            pltpu.SemaphoreType.DMA((2,)),
        ],
    )(clo, chi, msg, eas, dsts2d)
    return res if with_deg else (res[0], None)


def _node_transform(x, w, blk):
    n, kdim = x.shape
    m = w.shape[1]

    def body(x_ref, w_ref, o_ref):
        o_ref[...] = jnp.dot(x_ref[...], w_ref[...],
                             preferred_element_type=jnp.float32)

    return pl.pallas_call(
        body,
        grid=(n // blk,),
        in_specs=[
            pl.BlockSpec((blk, kdim), lambda i: (i, 0)),
            pl.BlockSpec((kdim, m), lambda i: (0, 0)),
        ],
        out_specs=pl.BlockSpec((blk, m), lambda i: (i, 0)),
        out_shape=jax.ShapeDtypeStruct((n, m), jnp.float32),
    )(x, w)


def _combine(agg, deg, hs, b, wnext, bnext, relu, blk):
    n, d = hs.shape
    m = wnext.shape[1]

    def body(agg_ref, deg_ref, hs_ref, b_ref, wn_ref, bn_ref, o_ref):
        degc = jnp.maximum(deg_ref[...][:, 0:1], 1.0)
        h = agg_ref[...] / degc + hs_ref[...] + b_ref[...]
        if relu:
            h = jnp.maximum(h, 0.0)
        o_ref[...] = jnp.dot(h, wn_ref[...],
                             preferred_element_type=jnp.float32) + bn_ref[...]

    return pl.pallas_call(
        body,
        grid=(n // blk,),
        in_specs=[
            pl.BlockSpec((blk, d), lambda i: (i, 0)),
            pl.BlockSpec((blk, d), lambda i: (i, 0)),
            pl.BlockSpec((blk, d), lambda i: (i, 0)),
            pl.BlockSpec((1, d), lambda i: (0, 0)),
            pl.BlockSpec((d, m), lambda i: (0, 0)),
            pl.BlockSpec((1, m), lambda i: (0, 0)),
        ],
        out_specs=pl.BlockSpec((blk, m), lambda i: (i, 0)),
        out_shape=jax.ShapeDtypeStruct((n, m), jnp.float32),
    )(agg, deg, hs, b, wnext, bnext)


def kernel(x, edge_index, edge_attr, Wm0, Ws0, We0, b0, Wm1, Ws1, We1, b1,
           Went, bent, Wrel, brel):
    n, d = x.shape
    e = edge_index.shape[1]
    n_ent = Went.shape[1]
    n_rel = Wrel.shape[1]

    src = edge_index[0].astype(jnp.int32)
    dst = edge_index[1].astype(jnp.int32)
    perm = jnp.argsort(dst).astype(jnp.int32)
    dsts = dst[perm]
    srcp = src[perm]

    e_pad = -(-e // (CH * NW)) * (CH * NW)
    pad = e_pad - e
    srcp = jnp.concatenate([srcp, jnp.zeros((pad,), jnp.int32)])
    permp = jnp.concatenate([perm, jnp.zeros((pad,), jnp.int32)])
    dsts = jnp.concatenate([dsts, jnp.full((pad,), n, jnp.int32)])

    nblocks = -(-n // NB)
    bnd = jnp.searchsorted(dsts, jnp.arange(nblocks + 1, dtype=jnp.int32) * NB
                           ).astype(jnp.int32)
    nch = e_pad // CE
    clo = bnd[:-1] // CE
    chi = jnp.minimum(-(-bnd[1:] // CE), nch)
    dsts2d = dsts.reshape(nch, CE)

    blk = 1000 if n % 1000 == 0 else 500

    ea_blk = 2000 if e % 2000 == 0 else 1000
    eaw0 = _node_transform(edge_attr, We0, ea_blk)
    eaw1 = _node_transform(edge_attr, We1, ea_blk)
    eaw0s = _gather_sorted(eaw0, permp)
    eaw1s = _gather_sorted(eaw1, permp)

    xw = _node_transform(x, jnp.concatenate([Wm0, Ws0], axis=1), blk)
    hm0 = xw[:, :d]
    hs0 = xw[:, d:]
    msg0 = _gather_sorted(hm0, srcp)
    agg0, deg = _segred(msg0, eaw0s, dsts2d, clo, chi, nblocks, with_deg=True)
    h1w = _combine(agg0[:n], deg[:n], hs0, b0.reshape(1, d),
                   jnp.concatenate([Wm1, Ws1], axis=1),
                   jnp.zeros((1, 2 * d), jnp.float32), relu=True, blk=blk)
    hm1 = h1w[:, :d]
    hs1 = h1w[:, d:]

    msg1 = _gather_sorted(hm1, srcp)
    agg1, _ = _segred(msg1, eaw1s, dsts2d, clo, chi, nblocks, with_deg=False)
    wout = jnp.concatenate([Went, Wrel], axis=1)
    bout = jnp.concatenate([bent, brel]).reshape(1, n_ent + n_rel)
    logits = _combine(agg1[:n], deg[:n], hs1, b1.reshape(1, d),
                      wout, bout, relu=False, blk=blk)
    return (logits[:, :n_ent], logits[:, n_ent:])

# --- scband reference (transcript-rebuilt; emitter-appended) ---
"""Pipeline reference for scband-maint-iellmgnnhybrid-66305705115724 (READ-ONLY COPY).

The authoritative reference and input builder live on the scoring server;
editing this copy changes nothing except your own understanding.
"""

import jax, jax.numpy as jnp
import numpy as np

N_NODES = 10000
N_EDGES = 320000
D_FEAT = 128
D_EDGE = 16
HIDDEN = 128
N_ENT = 16
N_REL = 8
NUM_LAYERS = 2


def setup_inputs(seed: int = 0) -> dict:
    key = jax.random.key(seed)
    ks = jax.random.split(key, 20)
    inp = {}
    inp['x'] = jax.random.normal(ks[0], (N_NODES, D_FEAT), dtype=jnp.float32)
    inp['edge_index'] = jax.random.randint(ks[1], (2, N_EDGES), 0, N_NODES, dtype=jnp.int64)
    inp['edge_attr'] = jax.random.normal(ks[2], (N_EDGES, D_EDGE), dtype=jnp.float32)
    # GNN layer 0 params (in=D_FEAT, out=HIDDEN)
    inp['Wm0'] = jax.random.normal(ks[3], (D_FEAT, HIDDEN), dtype=jnp.float32) * 0.05
    inp['Ws0'] = jax.random.normal(ks[4], (D_FEAT, HIDDEN), dtype=jnp.float32) * 0.05
    inp['We0'] = jax.random.normal(ks[5], (D_EDGE, HIDDEN), dtype=jnp.float32) * 0.05
    inp['b0'] = jnp.zeros((HIDDEN,), dtype=jnp.float32)
    # GNN layer 1 params (hidden -> output_dim=hidden)
    inp['Wm1'] = jax.random.normal(ks[6], (HIDDEN, HIDDEN), dtype=jnp.float32) * 0.05
    inp['Ws1'] = jax.random.normal(ks[7], (HIDDEN, HIDDEN), dtype=jnp.float32) * 0.05
    inp['We1'] = jax.random.normal(ks[8], (D_EDGE, HIDDEN), dtype=jnp.float32) * 0.05
    inp['b1'] = jnp.zeros((HIDDEN,), dtype=jnp.float32)
    # output heads
    inp['Went'] = jax.random.normal(ks[9], (HIDDEN, N_ENT), dtype=jnp.float32) * 0.05
    inp['bent'] = jnp.zeros((N_ENT,), dtype=jnp.float32)
    inp['Wrel'] = jax.random.normal(ks[10], (HIDDEN, N_REL), dtype=jnp.float32) * 0.05
    inp['brel'] = jnp.zeros((N_REL,), dtype=jnp.float32)
    return inp


def _gnn_layer(h, edge_index, edge_attr, Wm, Ws, We, b, apply_relu):
    src = edge_index[0]
    dst = edge_index[1]
    # transform nodes first, then gather (same math as gathering then matmul)
    h_msg = h @ Wm                      # [N, out]
    msg = h_msg[src] + edge_attr @ We   # gather + edge feature contribution [E, out]
    agg = jax.ops.segment_sum(msg, dst, num_segments=h.shape[0])
    deg = jax.ops.segment_sum(jnp.ones((dst.shape[0],), dtype=h.dtype), dst,
                              num_segments=h.shape[0])
    deg = jnp.clip(deg, 1.0, None)[:, None]
    out = agg / deg + h @ Ws + b
    if apply_relu:
        out = jax.nn.relu(out)
    return out


def reference(x, edge_index, edge_attr, Wm0, Ws0, We0, b0, Wm1, Ws1, We1, b1,
              Went, bent, Wrel, brel):
    h = _gnn_layer(x, edge_index, edge_attr, Wm0, Ws0, We0, b0, apply_relu=True)
    h = _gnn_layer(h, edge_index, edge_attr, Wm1, Ws1, We1, b1, apply_relu=False)
    entity_logits = h @ Went + bent
    relation_logits = h @ Wrel + brel
    return (entity_logits, relation_logits)

if __name__ == "__main__":
    import jax
    _d = setup_inputs()
    print(jax.jit(kernel)(*tuple(_d.values())))

</pallas_src>

<mosaic_0001>
#map = affine_map<(d0, d1) -> (0, 0)>
#map1 = affine_map<(d0, d1) -> (0)>
module attributes {stable_mosaic.version = 14 : i64} {
  func.func @body(%arg0: i32, %arg1: i32, %arg2: memref<10000x128xf32, #tpu.memory_space<hbm>>, %arg3: memref<327680xi32, #tpu.memory_space<hbm>>, %arg4: memref<327680x128xf32, #tpu.memory_space<hbm>>, %arg5: memref<256xi32, #tpu.memory_space<vmem>>, %arg6: memref<256x128xf32, #tpu.memory_space<vmem>>, %arg7: memref<!tpu.dma_semaphore, #tpu.memory_space<semaphore_mem>>, %arg8: memref<!tpu.dma_semaphore, #tpu.memory_space<semaphore_mem>>, %arg9: memref<!tpu.dma_semaphore, #tpu.memory_space<semaphore_mem>>, %arg10: memref<256xi32, #tpu.memory_space<vmem>>, %arg11: memref<256x128xf32, #tpu.memory_space<vmem>>, %arg12: memref<!tpu.dma_semaphore, #tpu.memory_space<semaphore_mem>>, %arg13: memref<!tpu.dma_semaphore, #tpu.memory_space<semaphore_mem>>, %arg14: memref<!tpu.dma_semaphore, #tpu.memory_space<semaphore_mem>>) attributes {dimension_semantics = [#tpu.dimension_semantics<core_parallel>, #tpu.dimension_semantics<subcore_parallel>], iteration_bounds = array<i64: 2, 16>, scalar_prefetch = 0 : i64, scratch_operands = 10 : i64, tpu.core_type = #tpu.core_type<sc_vector_subcore>, window_params = [{transform_indices = #map}, {transform_indices = #map1}, {transform_indices = #map}]} {
    %mul3A = arith.constant 2 : i32
    %mul3A_0 = arith.muli %arg1, %mul3A : i32
    %add3A = arith.addi %mul3A_0, %arg0 : i32
    %add3A_1 = arith.constant 0 : i32
    %add3A_2 = arith.addi %add3A_1, %add3A : i32
    %mul3A_3 = arith.constant 256 : i32
    %mul3A_4 = arith.muli %add3A_2, %mul3A_3 : i32
    %dma_start3A = tpu.memref_slice %arg3[%mul3A_4] : memref<327680xi32, #tpu.memory_space<hbm>> -> memref<256xi32, #tpu.memory_space<hbm>>
    %dma_start3A_5 = tpu.memref_slice %arg3[%mul3A_4] : memref<327680xi32, #tpu.memory_space<hbm>> -> memref<256xi32, #tpu.memory_space<hbm>>
    tpu.enqueue_dma source(%dma_start3A_5 : memref<256xi32, #tpu.memory_space<hbm>>) target(%arg5 : memref<256xi32, #tpu.memory_space<vmem>>) target_semaphore(%arg7 : memref<!tpu.dma_semaphore, #tpu.memory_space<semaphore_mem>>)
    %add3A_6 = arith.constant 32 : i32
    %add3A_7 = arith.addi %add3A_6, %add3A : i32
    %mul3A_8 = arith.constant 256 : i32
    %mul3A_9 = arith.muli %add3A_7, %mul3A_8 : i32
    %dma_start3A_10 = tpu.memref_slice %arg3[%mul3A_9] : memref<327680xi32, #tpu.memory_space<hbm>> -> memref<256xi32, #tpu.memory_space<hbm>>
    %dma_start3A_11 = tpu.memref_slice %arg3[%mul3A_9] : memref<327680xi32, #tpu.memory_space<hbm>> -> memref<256xi32, #tpu.memory_space<hbm>>
    tpu.enqueue_dma source(%dma_start3A_11 : memref<256xi32, #tpu.memory_space<hbm>>) target(%arg10 : memref<256xi32, #tpu.memory_space<vmem>>) target_semaphore(%arg12 : memref<!tpu.dma_semaphore, #tpu.memory_space<semaphore_mem>>)
    %add3A_12 = arith.constant 0 : i32
    %add3A_13 = arith.addi %add3A_12, %add3A : i32
    %mul3A_14 = arith.constant 256 : i32
    %mul3A_15 = arith.muli %add3A_13, %mul3A_14 : i32
    %dma_wait3A = tpu.memref_slice %arg3[%mul3A_15] : memref<327680xi32, #tpu.memory_space<hbm>> -> memref<256xi32, #tpu.memory_space<hbm>>
    %dma_wait3A_16 = tpu.memref_slice %arg3[%mul3A_15] : memref<327680xi32, #tpu.memory_space<hbm>> -> memref<256xi32, #tpu.memory_space<hbm>>
    tpu.wait_dma2 semaphore(%arg7 : memref<!tpu.dma_semaphore, #tpu.memory_space<semaphore_mem>>) src(%dma_wait3A_16 : memref<256xi32, #tpu.memory_space<hbm>>) dst(%arg5 : memref<256xi32, #tpu.memory_space<vmem>>)
    %dma_start3A_17 = arith.constant 0 : i32
    %dma_start3A_18 = arith.constant 0 : i32
    %dma_start3A_19 = tpu.memref_slice %arg2[%dma_start3A_17, %dma_start3A_18] : memref<10000x128xf32, #tpu.memory_space<hbm>> -> memref<10000x128xf32, #tpu.memory_space<hbm>>
    tpu.enqueue_indirect_dma source(%dma_start3A_19 : memref<10000x128xf32, #tpu.memory_space<hbm>>) target(%arg6 : memref<256x128xf32, #tpu.memory_space<vmem>>) offsets(%arg5 : memref<256xi32, #tpu.memory_space<vmem>>) semaphore(%arg8 : memref<!tpu.dma_semaphore, #tpu.memory_space<semaphore_mem>>)
    %scan3A = arith.constant 0 : i32
    %scan3A_20 = arith.constant 0 : i32
    %scan3A_21 = arith.constant 20 : i32
    %scan3A_22 = arith.addi %scan3A_20, %scan3A_21 : i32
    %scan3A_23 = arith.constant 1 : i32
    %scan3A_24 = scf.for %scan3A_42 = %scan3A_20 to %scan3A_22 step %scan3A_23 iter_args(%scan3A_43 = %scan3A) -> (i32)  : i32 {
      %mul3A_44 = arith.constant 2 : i32
      %mul3A_45 = arith.muli %scan3A_42, %mul3A_44 : i32
      %add3A_46 = arith.constant 1 : i32
      %add3A_47 = arith.addi %mul3A_45, %add3A_46 : i32
      %lt3A = arith.constant 40 : i32
      %lt3A_48 = arith.cmpi slt, %add3A_47, %lt3A : i32
      %convert_element_type3A = arith.extui %lt3A_48 : i1 to i32
      %cond3A = arith.constant 0 : i32
      %cond3A_49 = arith.cmpi ne, %convert_element_type3A, %cond3A : i32
      scf.if %cond3A_49 {
        %ge3A = arith.constant 1 : i32
        %ge3A_98 = arith.cmpi sge, %mul3A_45, %ge3A : i32
        %convert_element_type3A_99 = arith.extui %ge3A_98 : i1 to i32
        %cond3A_100 = arith.constant 0 : i32
        %cond3A_101 = arith.cmpi ne, %convert_element_type3A_99, %cond3A_100 : i32
        scf.if %cond3A_101 {
          %sub3A = arith.constant 1 : i32
          %sub3A_114 = arith.subi %mul3A_45, %sub3A : i32
          %mul3A_115 = arith.constant 32 : i32
          %mul3A_116 = arith.muli %sub3A_114, %mul3A_115 : i32
          %add3A_117 = arith.addi %mul3A_116, %add3A : i32
          %mul3A_118 = arith.constant 256 : i32
          %mul3A_119 = arith.muli %add3A_117, %mul3A_118 : i32
          %dma_wait3A_120 = arith.constant 0 : i32
          %dma_wait3A_121 = tpu.memref_slice %arg4[%mul3A_119, %dma_wait3A_120] : memref<327680x128xf32, #tpu.memory_space<hbm>> -> memref<256x128xf32, #tpu.memory_space<hbm>>
          %dma_wait3A_122 = arith.constant 0 : i32
          %dma_wait3A_123 = tpu.memref_slice %arg4[%mul3A_119, %dma_wait3A_122] : memref<327680x128xf32, #tpu.memory_space<hbm>> -> memref<256x128xf32, #tpu.memory_space<hbm>>
          tpu.wait_dma2 semaphore(%arg14 : memref<!tpu.dma_semaphore, #tpu.memory_space<semaphore_mem>>) src(%arg11 : memref<256x128xf32, #tpu.memory_space<vmem>>) dst(%dma_wait3A_123 : memref<256x128xf32, #tpu.memory_space<hbm>>)
        } else {
        }
        %add3A_102 = arith.constant 1 : i32
        %add3A_103 = arith.addi %mul3A_45, %add3A_102 : i32
        %mul3A_104 = arith.constant 32 : i32
        %mul3A_105 = arith.muli %add3A_103, %mul3A_104 : i32
        %add3A_106 = arith.addi %mul3A_105, %add3A : i32
        %mul3A_107 = arith.constant 256 : i32
        %mul3A_108 = arith.muli %add3A_106, %mul3A_107 : i32
        %dma_wait3A_109 = tpu.memref_slice %arg3[%mul3A_108] : memref<327680xi32, #tpu.memory_space<hbm>> -> memref<256xi32, #tpu.memory_space<hbm>>
        %dma_wait3A_110 = tpu.memref_slice %arg3[%mul3A_108] : memref<327680xi32, #tpu.memory_space<hbm>> -> memref<256xi32, #tpu.memory_space<hbm>>
        tpu.wait_dma2 semaphore(%arg12 : memref<!tpu.dma_semaphore, #tpu.memory_space<semaphore_mem>>) src(%dma_wait3A_110 : memref<256xi32, #tpu.memory_space<hbm>>) dst(%arg10 : memref<256xi32, #tpu.memory_space<vmem>>)
        %dma_start3A_111 = arith.constant 0 : i32
        %dma_start3A_112 = arith.constant 0 : i32
        %dma_start3A_113 = tpu.memref_slice %arg2[%dma_start3A_111, %dma_start3A_112] : memref<10000x128xf32, #tpu.memory_space<hbm>> -> memref<10000x128xf32, #tpu.memory_space<hbm>>
        tpu.enqueue_indirect_dma source(%dma_start3A_113 : memref<10000x128xf32, #tpu.memory_space<hbm>>) target(%arg11 : memref<256x128xf32, #tpu.memory_space<vmem>>) offsets(%arg10 : memref<256xi32, #tpu.memory_space<vmem>>) semaphore(%arg13 : memref<!tpu.dma_semaphore, #tpu.memory_space<semaphore_mem>>)
      } else {
      }
      %dma_wait3A_50 = arith.constant 0 : i32
      %dma_wait3A_51 = arith.constant 0 : i32
      %dma_wait3A_52 = tpu.memref_slice %arg2[%dma_wait3A_50, %dma_wait3A_51] : memref<10000x128xf32, #tpu.memory_space<hbm>> -> memref<10000x128xf32, #tpu.memory_space<hbm>>
      tpu.wait_indirect_dma semaphore(%arg8 : memref<!tpu.dma_semaphore, #tpu.memory_space<semaphore_mem>>) src(%dma_wait3A_52 : memref<10000x128xf32, #tpu.memory_space<hbm>>) dst(%arg6 : memref<256x128xf32, #tpu.memory_space<vmem>>)
      %add3A_53 = arith.constant 2 : i32
      %add3A_54 = arith.addi %mul3A_45, %add3A_53 : i32
      %lt3A_55 = arith.constant 40 : i32
      %lt3A_56 = arith.cmpi slt, %add3A_54, %lt3A_55 : i32
      %convert_element_type3A_57 = arith.extui %lt3A_56 : i1 to i32
      %cond3A_58 = arith.constant 0 : i32
      %cond3A_59 = arith.cmpi ne, %convert_element_type3A_57, %cond3A_58 : i32
      scf.if %cond3A_59 {
        %add3A_98 = arith.constant 2 : i32
        %add3A_99 = arith.addi %mul3A_45, %add3A_98 : i32
        %mul3A_100 = arith.constant 32 : i32
        %mul3A_101 = arith.muli %add3A_99, %mul3A_100 : i32
        %add3A_102 = arith.addi %mul3A_101, %add3A : i32
        %mul3A_103 = arith.constant 256 : i32
        %mul3A_104 = arith.muli %add3A_102, %mul3A_103 : i32
        %dma_start3A_105 = tpu.memref_slice %arg3[%mul3A_104] : memref<327680xi32, #tpu.memory_space<hbm>> -> memref<256xi32, #tpu.memory_space<hbm>>
        %dma_start3A_106 = tpu.memref_slice %arg3[%mul3A_104] : memref<327680xi32, #tpu.memory_space<hbm>> -> memref<256xi32, #tpu.memory_space<hbm>>
        tpu.enqueue_dma source(%dma_start3A_106 : memref<256xi32, #tpu.memory_space<hbm>>) target(%arg5 : memref<256xi32, #tpu.memory_space<vmem>>) target_semaphore(%arg7 : memref<!tpu.dma_semaphore, #tpu.memory_space<semaphore_mem>>)
      } else {
      }
      %mul3A_60 = arith.constant 32 : i32
      %mul3A_61 = arith.muli %mul3A_45, %mul3A_60 : i32
      %add3A_62 = arith.addi %mul3A_61, %add3A : i32
      %mul3A_63 = arith.constant 256 : i32
      %mul3A_64 = arith.muli %add3A_62, %mul3A_63 : i32
      %dma_start3A_65 = arith.constant 0 : i32
      %dma_start3A_66 = tpu.memref_slice %arg4[%mul3A_64, %dma_start3A_65] : memref<327680x128xf32, #tpu.memory_space<hbm>> -> memref<256x128xf32, #tpu.memory_space<hbm>>
      %dma_start3A_67 = arith.constant 0 : i32
      %dma_start3A_68 = tpu.memref_slice %arg4[%mul3A_64, %dma_start3A_67] : memref<327680x128xf32, #tpu.memory_space<hbm>> -> memref<256x128xf32, #tpu.memory_space<hbm>>
      tpu.enqueue_dma source(%arg6 : memref<256x128xf32, #tpu.memory_space<vmem>>) target(%dma_start3A_68 : memref<256x128xf32, #tpu.memory_space<hbm>>) target_semaphore(%arg9 : memref<!tpu.dma_semaphore, #tpu.memory_space<semaphore_mem>>)
      %add3A_69 = arith.constant 1 : i32
      %add3A_70 = arith.addi %mul3A_45, %add3A_69 : i32
      %add3A_71 = arith.constant 1 : i32
      %add3A_72 = arith.addi %add3A_70, %add3A_71 : i32
      %lt3A_73 = arith.constant 40 : i32
      %lt3A_74 = arith.cmpi slt, %add3A_72, %lt3A_73 : i32
      %convert_element_type3A_75 = arith.extui %lt3A_74 : i1 to i32
      %cond3A_76 = arith.constant 0 : i32
      %cond3A_77 = arith.cmpi ne, %convert_element_type3A_75, %cond3A_76 : i32
      scf.if %cond3A_77 {
        %ge3A = arith.constant 1 : i32
        %ge3A_98 = arith.cmpi sge, %add3A_70, %ge3A : i32
        %convert_element_type3A_99 = arith.extui %ge3A_98 : i1 to i32
        %cond3A_100 = arith.constant 0 : i32
        %cond3A_101 = arith.cmpi ne, %convert_element_type3A_99, %cond3A_100 : i32
        scf.if %cond3A_101 {
          %sub3A = arith.constant 1 : i32
          %sub3A_114 = arith.subi %add3A_70, %sub3A : i32
          %mul3A_115 = arith.constant 32 : i32
          %mul3A_116 = arith.muli %sub3A_114, %mul3A_115 : i32
          %add3A_117 = arith.addi %mul3A_116, %add3A : i32
          %mul3A_118 = arith.constant 256 : i32
          %mul3A_119 = arith.muli %add3A_117, %mul3A_118 : i32
          %dma_wait3A_120 = arith.constant 0 : i32
          %dma_wait3A_121 = tpu.memref_slice %arg4[%mul3A_119, %dma_wait3A_120] : memref<327680x128xf32, #tpu.memory_space<hbm>> -> memref<256x128xf32, #tpu.memory_space<hbm>>
          %dma_wait3A_122 = arith.constant 0 : i32
          %dma_wait3A_123 = tpu.memref_slice %arg4[%mul3A_119, %dma_wait3A_122] : memref<327680x128xf32, #tpu.memory_space<hbm>> -> memref<256x128xf32, #tpu.memory_space<hbm>>
          tpu.wait_dma2 semaphore(%arg9 : memref<!tpu.dma_semaphore, #tpu.memory_space<semaphore_mem>>) src(%arg6 : memref<256x128xf32, #tpu.memory_space<vmem>>) dst(%dma_wait3A_123 : memref<256x128xf32, #tpu.memory_space<hbm>>)
        } else {
        }
        %add3A_102 = arith.constant 1 : i32
        %add3A_103 = arith.addi %add3A_70, %add3A_102 : i32
        %mul3A_104 = arith.constant 32 : i32
        %mul3A_105 = arith.muli %add3A_103, %mul3A_104 : i32
        %add3A_106 = arith.addi %mul3A_105, %add3A : i32
        %mul3A_107 = arith.constant 256 : i32
        %mul3A_108 = arith.muli %add3A_106, %mul3A_107 : i32
        %dma_wait3A_109 = tpu.memref_slice %arg3[%mul3A_108] : memref<327680xi32, #tpu.memory_space<hbm>> -> memref<256xi32, #tpu.memory_space<hbm>>
        %dma_wait3A_110 = tpu.memref_slice %arg3[%mul3A_108] : memref<327680xi32, #tpu.memory_space<hbm>> -> memref<256xi32, #tpu.memory_space<hbm>>
        tpu.wait_dma2 semaphore(%arg7 : memref<!tpu.dma_semaphore, #tpu.memory_space<semaphore_mem>>) src(%dma_wait3A_110 : memref<256xi32, #tpu.memory_space<hbm>>) dst(%arg5 : memref<256xi32, #tpu.memory_space<vmem>>)
        %dma_start3A_111 = arith.constant 0 : i32
        %dma_start3A_112 = arith.constant 0 : i32
        %dma_start3A_113 = tpu.memref_slice %arg2[%dma_start3A_111, %dma_start3A_112] : memref<10000x128xf32, #tpu.memory_space<hbm>> -> memref<10000x128xf32, #tpu.memory_space<hbm>>
        tpu.enqueue_indirect_dma source(%dma_start3A_113 : memref<10000x128xf32, #tpu.memory_space<hbm>>) target(%arg6 : memref<256x128xf32, #tpu.memory_space<vmem>>) offsets(%arg5 : memref<256xi32, #tpu.memory_space<vmem>>) semaphore(%arg8 : memref<!tpu.dma_semaphore, #tpu.memory_space<semaphore_mem>>)
      } else {
      }
      %dma_wait3A_78 = arith.constant 0 : i32
      %dma_wait3A_79 = arith.constant 0 : i32
      %dma_wait3A_80 = tpu.memref_slice %arg2[%dma_wait3A_78, %dma_wait3A_79] : memref<10000x128xf32, #tpu.memory_space<hbm>> -> memref<10000x128xf32, #tpu.memory_space<hbm>>
      tpu.wait_indirect_dma semaphore(%arg13 : memref<!tpu.dma_semaphore, #tpu.memory_space<semaphore_mem>>) src(%dma_wait3A_80 : memref<10000x128xf32, #tpu.memory_space<hbm>>) dst(%arg11 : memref<256x128xf32, #tpu.memory_space<vmem>>)
      %add3A_81 = arith.constant 2 : i32
      %add3A_82 = arith.addi %add3A_70, %add3A_81 : i32
      %lt3A_83 = arith.constant 40 : i32
      %lt3A_84 = arith.cmpi slt, %add3A_82, %lt3A_83 : i32
      %convert_element_type3A_85 = arith.extui %lt3A_84 : i1 to i32
      %cond3A_86 = arith.constant 0 : i32
      %cond3A_87 = arith.cmpi ne, %convert_element_type3A_85, %cond3A_86 : i32
      scf.if %cond3A_87 {
        %add3A_98 = arith.constant 2 : i32
        %add3A_99 = arith.addi %add3A_70, %add3A_98 : i32
        %mul3A_100 = arith.constant 32 : i32
        %mul3A_101 = arith.muli %add3A_99, %mul3A_100 : i32
        %add3A_102 = arith.addi %mul3A_101, %add3A : i32
        %mul3A_103 = arith.constant 256 : i32
        %mul3A_104 = arith.muli %add3A_102, %mul3A_103 : i32
        %dma_start3A_105 = tpu.memref_slice %arg3[%mul3A_104] : memref<327680xi32, #tpu.memory_space<hbm>> -> memref<256xi32, #tpu.memory_space<hbm>>
        %dma_start3A_106 = tpu.memref_slice %arg3[%mul3A_104] : memref<327680xi32, #tpu.memory_space<hbm>> -> memref<256xi32, #tpu.memory_space<hbm>>
        tpu.enqueue_dma source(%dma_start3A_106 : memref<256xi32, #tpu.memory_space<hbm>>) target(%arg10 : memref<256xi32, #tpu.memory_space<vmem>>) target_semaphore(%arg12 : memref<!tpu.dma_semaphore, #tpu.memory_space<semaphore_mem>>)
      } else {
      }
      %mul3A_88 = arith.constant 32 : i32
      %mul3A_89 = arith.muli %add3A_70, %mul3A_88 : i32
      %add3A_90 = arith.addi %mul3A_89, %add3A : i32
      %mul3A_91 = arith.constant 256 : i32
      %mul3A_92 = arith.muli %add3A_90, %mul3A_91 : i32
      %dma_start3A_93 = arith.constant 0 : i32
      %dma_start3A_94 = tpu.memref_slice %arg4[%mul3A_92, %dma_start3A_93] : memref<327680x128xf32, #tpu.memory_space<hbm>> -> memref<256x128xf32, #tpu.memory_space<hbm>>
      %dma_start3A_95 = arith.constant 0 : i32
      %dma_start3A_96 = tpu.memref_slice %arg4[%mul3A_92, %dma_start3A_95] : memref<327680x128xf32, #tpu.memory_space<hbm>> -> memref<256x128xf32, #tpu.memory_space<hbm>>
      tpu.enqueue_dma source(%arg11 : memref<256x128xf32, #tpu.memory_space<vmem>>) target(%dma_start3A_96 : memref<256x128xf32, #tpu.memory_space<hbm>>) target_semaphore(%arg14 : memref<!tpu.dma_semaphore, #tpu.memory_space<semaphore_mem>>)
      %scan3A_97 = arith.constant 0 : i32
      scf.yield %scan3A_97 : i32
    }
    %scan3A_25 = arith.constant 20 : i32
    %add3A_26 = arith.constant 1216 : i32
    %add3A_27 = arith.addi %add3A_26, %add3A : i32
    %mul3A_28 = arith.constant 256 : i32
    %mul3A_29 = arith.muli %add3A_27, %mul3A_28 : i32
    %dma_wait3A_30 = arith.constant 0 : i32
    %dma_wait3A_31 = tpu.memref_slice %arg4[%mul3A_29, %dma_wait3A_30] : memref<327680x128xf32, #tpu.memory_space<hbm>> -> memref<256x128xf32, #tpu.memory_space<hbm>>
    %dma_wait3A_32 = arith.constant 0 : i32
    %dma_wait3A_33 = tpu.memref_slice %arg4[%mul3A_29, %dma_wait3A_32] : memref<327680x128xf32, #tpu.memory_space<hbm>> -> memref<256x128xf32, #tpu.memory_space<hbm>>
    tpu.wait_dma2 semaphore(%arg9 : memref<!tpu.dma_semaphore, #tpu.memory_space<semaphore_mem>>) src(%arg6 : memref<256x128xf32, #tpu.memory_space<vmem>>) dst(%dma_wait3A_33 : memref<256x128xf32, #tpu.memory_space<hbm>>)
    %add3A_34 = arith.constant 1248 : i32
    %add3A_35 = arith.addi %add3A_34, %add3A : i32
    %mul3A_36 = arith.constant 256 : i32
    %mul3A_37 = arith.muli %add3A_35, %mul3A_36 : i32
    %dma_wait3A_38 = arith.constant 0 : i32
    %dma_wait3A_39 = tpu.memref_slice %arg4[%mul3A_37, %dma_wait3A_38] : memref<327680x128xf32, #tpu.memory_space<hbm>> -> memref<256x128xf32, #tpu.memory_space<hbm>>
    %dma_wait3A_40 = arith.constant 0 : i32
    %dma_wait3A_41 = tpu.memref_slice %arg4[%mul3A_37, %dma_wait3A_40] : memref<327680x128xf32, #tpu.memory_space<hbm>> -> memref<256x128xf32, #tpu.memory_space<hbm>>
    tpu.wait_dma2 semaphore(%arg14 : memref<!tpu.dma_semaphore, #tpu.memory_space<semaphore_mem>>) src(%arg11 : memref<256x128xf32, #tpu.memory_space<vmem>>) dst(%dma_wait3A_41 : memref<256x128xf32, #tpu.memory_space<hbm>>)
    return
  }
}

#map = affine_map<(d0, d1) -> (0, 0)>
#map1 = affine_map<(d0, d1) -> (0)>
module attributes {stable_mosaic.version = 14 : i64} {
  func.func @body(%arg0: i32, %arg1: i32, %arg2: memref<320000x128xf32, #tpu.memory_space<hbm>>, %arg3: memref<327680xi32, #tpu.memory_space<hbm>>, %arg4: memref<327680x128xf32, #tpu.memory_space<hbm>>, %arg5: memref<256xi32, #tpu.memory_space<vmem>>, %arg6: memref<256x128xf32, #tpu.memory_space<vmem>>, %arg7: memref<!tpu.dma_semaphore, #tpu.memory_space<semaphore_mem>>, %arg8: memref<!tpu.dma_semaphore, #tpu.memory_space<semaphore_mem>>, %arg9: memref<!tpu.dma_semaphore, #tpu.memory_space<semaphore_mem>>, %arg10: memref<256xi32, #tpu.memory_space<vmem>>, %arg11: memref<256x128xf32, #tpu.memory_space<vmem>>, %arg12: memref<!tpu.dma_semaphore, #tpu.memory_space<semaphore_mem>>, %arg13: memref<!tpu.dma_semaphore, #tpu.memory_space<semaphore_mem>>, %arg14: memref<!tpu.dma_semaphore, #tpu.memory_space<semaphore_mem>>) attributes {dimension_semantics = [#tpu.dimension_semantics<core_parallel>, #tpu.dimension_semantics<subcore_parallel>], iteration_bounds = array<i64: 2, 16>, scalar_prefetch = 0 : i64, scratch_operands = 10 : i64, tpu.core_type = #tpu.core_type<sc_vector_subcore>, window_params = [{transform_indices = #map}, {transform_indices = #map1}, {transform_indices = #map}]} {
    %mul3A = arith.constant 2 : i32
    %mul3A_0 = arith.muli %arg1, %mul3A : i32
    %add3A = arith.addi %mul3A_0, %arg0 : i32
    %add3A_1 = arith.constant 0 : i32
    %add3A_2 = arith.addi %add3A_1, %add3A : i32
    %mul3A_3 = arith.constant 256 : i32
    %mul3A_4 = arith.muli %add3A_2, %mul3A_3 : i32
    %dma_start3A = tpu.memref_slice %arg3[%mul3A_4] : memref<327680xi32, #tpu.memory_space<hbm>> -> memref<256xi32, #tpu.memory_space<hbm>>
    %dma_start3A_5 = tpu.memref_slice %arg3[%mul3A_4] : memref<327680xi32, #tpu.memory_space<hbm>> -> memref<256xi32, #tpu.memory_space<hbm>>
    tpu.enqueue_dma source(%dma_start3A_5 : memref<256xi32, #tpu.memory_space<hbm>>) target(%arg5 : memref<256xi32, #tpu.memory_space<vmem>>) target_semaphore(%arg7 : memref<!tpu.dma_semaphore, #tpu.memory_space<semaphore_mem>>)
    %add3A_6 = arith.constant 32 : i32
    %add3A_7 = arith.addi %add3A_6, %add3A : i32
    %mul3A_8 = arith.constant 256 : i32
    %mul3A_9 = arith.muli %add3A_7, %mul3A_8 : i32
    %dma_start3A_10 = tpu.memref_slice %arg3[%mul3A_9] : memref<327680xi32, #tpu.memory_space<hbm>> -> memref<256xi32, #tpu.memory_space<hbm>>
    %dma_start3A_11 = tpu.memref_slice %arg3[%mul3A_9] : memref<327680xi32, #tpu.memory_space<hbm>> -> memref<256xi32, #tpu.memory_space<hbm>>
    tpu.enqueue_dma source(%dma_start3A_11 : memref<256xi32, #tpu.memory_space<hbm>>) target(%arg10 : memref<256xi32, #tpu.memory_space<vmem>>) target_semaphore(%arg12 : memref<!tpu.dma_semaphore, #tpu.memory_space<semaphore_mem>>)
    %add3A_12 = arith.constant 0 : i32
    %add3A_13 = arith.addi %add3A_12, %add3A : i32
    %mul3A_14 = arith.constant 256 : i32
    %mul3A_15 = arith.muli %add3A_13, %mul3A_14 : i32
    %dma_wait3A = tpu.memref_slice %arg3[%mul3A_15] : memref<327680xi32, #tpu.memory_space<hbm>> -> memref<256xi32, #tpu.memory_space<hbm>>
    %dma_wait3A_16 = tpu.memref_slice %arg3[%mul3A_15] : memref<327680xi32, #tpu.memory_space<hbm>> -> memref<256xi32, #tpu.memory_space<hbm>>
    tpu.wait_dma2 semaphore(%arg7 : memref<!tpu.dma_semaphore, #tpu.memory_space<semaphore_mem>>) src(%dma_wait3A_16 : memref<256xi32, #tpu.memory_space<hbm>>) dst(%arg5 : memref<256xi32, #tpu.memory_space<vmem>>)
    %dma_start3A_17 = arith.constant 0 : i32
    %dma_start3A_18 = arith.constant 0 : i32
    %dma_start3A_19 = tpu.memref_slice %arg2[%dma_start3A_17, %dma_start3A_18] : memref<320000x128xf32, #tpu.memory_space<hbm>> -> memref<320000x128xf32, #tpu.memory_space<hbm>>
    tpu.enqueue_indirect_dma source(%dma_start3A_19 : memref<320000x128xf32, #tpu.memory_space<hbm>>) target(%arg6 : memref<256x128xf32, #tpu.memory_space<vmem>>) offsets(%arg5 : memref<256xi32, #tpu.memory_space<vmem>>) semaphore(%arg8 : memref<!tpu.dma_semaphore, #tpu.memory_space<semaphore_mem>>)
    %scan3A = arith.constant 0 : i32
    %scan3A_20 = arith.constant 0 : i32
    %scan3A_21 = arith.constant 20 : i32
    %scan3A_22 = arith.addi %scan3A_20, %scan3A_21 : i32
    %scan3A_23 = arith.constant 1 : i32
    %scan3A_24 = scf.for %scan3A_42 = %scan3A_20 to %scan3A_22 step %scan3A_23 iter_args(%scan3A_43 = %scan3A) -> (i32)  : i32 {
      %mul3A_44 = arith.constant 2 : i32
      %mul3A_45 = arith.muli %scan3A_42, %mul3A_44 : i32
      %add3A_46 = arith.constant 1 : i32
      %add3A_47 = arith.addi %mul3A_45, %add3A_46 : i32
      %lt3A = arith.constant 40 : i32
      %lt3A_48 = arith.cmpi slt, %add3A_47, %lt3A : i32
      %convert_element_type3A = arith.extui %lt3A_48 : i1 to i32
      %cond3A = arith.constant 0 : i32
      %cond3A_49 = arith.cmpi ne, %convert_element_type3A, %cond3A : i32
      scf.if %cond3A_49 {
        %ge3A = arith.constant 1 : i32
        %ge3A_98 = arith.cmpi sge, %mul3A_45, %ge3A : i32
        %convert_element_type3A_99 = arith.extui %ge3A_98 : i1 to i32
        %cond3A_100 = arith.constant 0 : i32
        %cond3A_101 = arith.cmpi ne, %convert_element_type3A_99, %cond3A_100 : i32
        scf.if %cond3A_101 {
          %sub3A = arith.constant 1 : i32
          %sub3A_114 = arith.subi %mul3A_45, %sub3A : i32
          %mul3A_115 = arith.constant 32 : i32
          %mul3A_116 = arith.muli %sub3A_114, %mul3A_115 : i32
          %add3A_117 = arith.addi %mul3A_116, %add3A : i32
          %mul3A_118 = arith.constant 256 : i32
          %mul3A_119 = arith.muli %add3A_117, %mul3A_118 : i32
          %dma_wait3A_120 = arith.constant 0 : i32
          %dma_wait3A_121 = tpu.memref_slice %arg4[%mul3A_119, %dma_wait3A_120] : memref<327680x128xf32, #tpu.memory_space<hbm>> -> memref<256x128xf32, #tpu.memory_space<hbm>>
          %dma_wait3A_122 = arith.constant 0 : i32
          %dma_wait3A_123 = tpu.memref_slice %arg4[%mul3A_119, %dma_wait3A_122] : memref<327680x128xf32, #tpu.memory_space<hbm>> -> memref<256x128xf32, #tpu.memory_space<hbm>>
          tpu.wait_dma2 semaphore(%arg14 : memref<!tpu.dma_semaphore, #tpu.memory_space<semaphore_mem>>) src(%arg11 : memref<256x128xf32, #tpu.memory_space<vmem>>) dst(%dma_wait3A_123 : memref<256x128xf32, #tpu.memory_space<hbm>>)
        } else {
        }
        %add3A_102 = arith.constant 1 : i32
        %add3A_103 = arith.addi %mul3A_45, %add3A_102 : i32
        %mul3A_104 = arith.constant 32 : i32
        %mul3A_105 = arith.muli %add3A_103, %mul3A_104 : i32
        %add3A_106 = arith.addi %mul3A_105, %add3A : i32
        %mul3A_107 = arith.constant 256 : i32
        %mul3A_108 = arith.muli %add3A_106, %mul3A_107 : i32
        %dma_wait3A_109 = tpu.memref_slice %arg3[%mul3A_108] : memref<327680xi32, #tpu.memory_space<hbm>> -> memref<256xi32, #tpu.memory_space<hbm>>
        %dma_wait3A_110 = tpu.memref_slice %arg3[%mul3A_108] : memref<327680xi32, #tpu.memory_space<hbm>> -> memref<256xi32, #tpu.memory_space<hbm>>
        tpu.wait_dma2 semaphore(%arg12 : memref<!tpu.dma_semaphore, #tpu.memory_space<semaphore_mem>>) src(%dma_wait3A_110 : memref<256xi32, #tpu.memory_space<hbm>>) dst(%arg10 : memref<256xi32, #tpu.memory_space<vmem>>)
        %dma_start3A_111 = arith.constant 0 : i32
        %dma_start3A_112 = arith.constant 0 : i32
        %dma_start3A_113 = tpu.memref_slice %arg2[%dma_start3A_111, %dma_start3A_112] : memref<320000x128xf32, #tpu.memory_space<hbm>> -> memref<320000x128xf32, #tpu.memory_space<hbm>>
        tpu.enqueue_indirect_dma source(%dma_start3A_113 : memref<320000x128xf32, #tpu.memory_space<hbm>>) target(%arg11 : memref<256x128xf32, #tpu.memory_space<vmem>>) offsets(%arg10 : memref<256xi32, #tpu.memory_space<vmem>>) semaphore(%arg13 : memref<!tpu.dma_semaphore, #tpu.memory_space<semaphore_mem>>)
      } else {
      }
      %dma_wait3A_50 = arith.constant 0 : i32
      %dma_wait3A_51 = arith.constant 0 : i32
      %dma_wait3A_52 = tpu.memref_slice %arg2[%dma_wait3A_50, %dma_wait3A_51] : memref<320000x128xf32, #tpu.memory_space<hbm>> -> memref<320000x128xf32, #tpu.memory_space<hbm>>
      tpu.wait_indirect_dma semaphore(%arg8 : memref<!tpu.dma_semaphore, #tpu.memory_space<semaphore_mem>>) src(%dma_wait3A_52 : memref<320000x128xf32, #tpu.memory_space<hbm>>) dst(%arg6 : memref<256x128xf32, #tpu.memory_space<vmem>>)
      %add3A_53 = arith.constant 2 : i32
      %add3A_54 = arith.addi %mul3A_45, %add3A_53 : i32
      %lt3A_55 = arith.constant 40 : i32
      %lt3A_56 = arith.cmpi slt, %add3A_54, %lt3A_55 : i32
      %convert_element_type3A_57 = arith.extui %lt3A_56 : i1 to i32
      %cond3A_58 = arith.constant 0 : i32
      %cond3A_59 = arith.cmpi ne, %convert_element_type3A_57, %cond3A_58 : i32
      scf.if %cond3A_59 {
        %add3A_98 = arith.constant 2 : i32
        %add3A_99 = arith.addi %mul3A_45, %add3A_98 : i32
        %mul3A_100 = arith.constant 32 : i32
        %mul3A_101 = arith.muli %add3A_99, %mul3A_100 : i32
        %add3A_102 = arith.addi %mul3A_101, %add3A : i32
        %mul3A_103 = arith.constant 256 : i32
        %mul3A_104 = arith.muli %add3A_102, %mul3A_103 : i32
        %dma_start3A_105 = tpu.memref_slice %arg3[%mul3A_104] : memref<327680xi32, #tpu.memory_space<hbm>> -> memref<256xi32, #tpu.memory_space<hbm>>
        %dma_start3A_106 = tpu.memref_slice %arg3[%mul3A_104] : memref<327680xi32, #tpu.memory_space<hbm>> -> memref<256xi32, #tpu.memory_space<hbm>>
        tpu.enqueue_dma source(%dma_start3A_106 : memref<256xi32, #tpu.memory_space<hbm>>) target(%arg5 : memref<256xi32, #tpu.memory_space<vmem>>) target_semaphore(%arg7 : memref<!tpu.dma_semaphore, #tpu.memory_space<semaphore_mem>>)
      } else {
      }
      %mul3A_60 = arith.constant 32 : i32
      %mul3A_61 = arith.muli %mul3A_45, %mul3A_60 : i32
      %add3A_62 = arith.addi %mul3A_61, %add3A : i32
      %mul3A_63 = arith.constant 256 : i32
      %mul3A_64 = arith.muli %add3A_62, %mul3A_63 : i32
      %dma_start3A_65 = arith.constant 0 : i32
      %dma_start3A_66 = tpu.memref_slice %arg4[%mul3A_64, %dma_start3A_65] : memref<327680x128xf32, #tpu.memory_space<hbm>> -> memref<256x128xf32, #tpu.memory_space<hbm>>
      %dma_start3A_67 = arith.constant 0 : i32
      %dma_start3A_68 = tpu.memref_slice %arg4[%mul3A_64, %dma_start3A_67] : memref<327680x128xf32, #tpu.memory_space<hbm>> -> memref<256x128xf32, #tpu.memory_space<hbm>>
      tpu.enqueue_dma source(%arg6 : memref<256x128xf32, #tpu.memory_space<vmem>>) target(%dma_start3A_68 : memref<256x128xf32, #tpu.memory_space<hbm>>) target_semaphore(%arg9 : memref<!tpu.dma_semaphore, #tpu.memory_space<semaphore_mem>>)
      %add3A_69 = arith.constant 1 : i32
      %add3A_70 = arith.addi %mul3A_45, %add3A_69 : i32
      %add3A_71 = arith.constant 1 : i32
      %add3A_72 = arith.addi %add3A_70, %add3A_71 : i32
      %lt3A_73 = arith.constant 40 : i32
      %lt3A_74 = arith.cmpi slt, %add3A_72, %lt3A_73 : i32
      %convert_element_type3A_75 = arith.extui %lt3A_74 : i1 to i32
      %cond3A_76 = arith.constant 0 : i32
      %cond3A_77 = arith.cmpi ne, %convert_element_type3A_75, %cond3A_76 : i32
      scf.if %cond3A_77 {
        %ge3A = arith.constant 1 : i32
        %ge3A_98 = arith.cmpi sge, %add3A_70, %ge3A : i32
        %convert_element_type3A_99 = arith.extui %ge3A_98 : i1 to i32
        %cond3A_100 = arith.constant 0 : i32
        %cond3A_101 = arith.cmpi ne, %convert_element_type3A_99, %cond3A_100 : i32
        scf.if %cond3A_101 {
          %sub3A = arith.constant 1 : i32
          %sub3A_114 = arith.subi %add3A_70, %sub3A : i32
          %mul3A_115 = arith.constant 32 : i32
          %mul3A_116 = arith.muli %sub3A_114, %mul3A_115 : i32
          %add3A_117 = arith.addi %mul3A_116, %add3A : i32
          %mul3A_118 = arith.constant 256 : i32
          %mul3A_119 = arith.muli %add3A_117, %mul3A_118 : i32
          %dma_wait3A_120 = arith.constant 0 : i32
          %dma_wait3A_121 = tpu.memref_slice %arg4[%mul3A_119, %dma_wait3A_120] : memref<327680x128xf32, #tpu.memory_space<hbm>> -> memref<256x128xf32, #tpu.memory_space<hbm>>
          %dma_wait3A_122 = arith.constant 0 : i32
          %dma_wait3A_123 = tpu.memref_slice %arg4[%mul3A_119, %dma_wait3A_122] : memref<327680x128xf32, #tpu.memory_space<hbm>> -> memref<256x128xf32, #tpu.memory_space<hbm>>
          tpu.wait_dma2 semaphore(%arg9 : memref<!tpu.dma_semaphore, #tpu.memory_space<semaphore_mem>>) src(%arg6 : memref<256x128xf32, #tpu.memory_space<vmem>>) dst(%dma_wait3A_123 : memref<256x128xf32, #tpu.memory_space<hbm>>)
        } else {
        }
        %add3A_102 = arith.constant 1 : i32
        %add3A_103 = arith.addi %add3A_70, %add3A_102 : i32
        %mul3A_104 = arith.constant 32 : i32
        %mul3A_105 = arith.muli %add3A_103, %mul3A_104 : i32
        %add3A_106 = arith.addi %mul3A_105, %add3A : i32
        %mul3A_107 = arith.constant 256 : i32
        %mul3A_108 = arith.muli %add3A_106, %mul3A_107 : i32
        %dma_wait3A_109 = tpu.memref_slice %arg3[%mul3A_108] : memref<327680xi32, #tpu.memory_space<hbm>> -> memref<256xi32, #tpu.memory_space<hbm>>
        %dma_wait3A_110 = tpu.memref_slice %arg3[%mul3A_108] : memref<327680xi32, #tpu.memory_space<hbm>> -> memref<256xi32, #tpu.memory_space<hbm>>
        tpu.wait_dma2 semaphore(%arg7 : memref<!tpu.dma_semaphore, #tpu.memory_space<semaphore_mem>>) src(%dma_wait3A_110 : memref<256xi32, #tpu.memory_space<hbm>>) dst(%arg5 : memref<256xi32, #tpu.memory_space<vmem>>)
        %dma_start3A_111 = arith.constant 0 : i32
        %dma_start3A_112 = arith.constant 0 : i32
        %dma_start3A_113 = tpu.memref_slice %arg2[%dma_start3A_111, %dma_start3A_112] : memref<320000x128xf32, #tpu.memory_space<hbm>> -> memref<320000x128xf32, #tpu.memory_space<hbm>>
        tpu.enqueue_indirect_dma source(%dma_start3A_113 : memref<320000x128xf32, #tpu.memory_space<hbm>>) target(%arg6 : memref<256x128xf32, #tpu.memory_space<vmem>>) offsets(%arg5 : memref<256xi32, #tpu.memory_space<vmem>>) semaphore(%arg8 : memref<!tpu.dma_semaphore, #tpu.memory_space<semaphore_mem>>)
      } else {
      }
      %dma_wait3A_78 = arith.constant 0 : i32
      %dma_wait3A_79 = arith.constant 0 : i32
      %dma_wait3A_80 = tpu.memref_slice %arg2[%dma_wait3A_78, %dma_wait3A_79] : memref<320000x128xf32, #tpu.memory_space<hbm>> -> memref<320000x128xf32, #tpu.memory_space<hbm>>
      tpu.wait_indirect_dma semaphore(%arg13 : memref<!tpu.dma_semaphore, #tpu.memory_space<semaphore_mem>>) src(%dma_wait3A_80 : memref<320000x128xf32, #tpu.memory_space<hbm>>) dst(%arg11 : memref<256x128xf32, #tpu.memory_space<vmem>>)
      %add3A_81 = arith.constant 2 : i32
      %add3A_82 = arith.addi %add3A_70, %add3A_81 : i32
      %lt3A_83 = arith.constant 40 : i32
      %lt3A_84 = arith.cmpi slt, %add3A_82, %lt3A_83 : i32
      %convert_element_type3A_85 = arith.extui %lt3A_84 : i1 to i32
      %cond3A_86 = arith.constant 0 : i32
      %cond3A_87 = arith.cmpi ne, %convert_element_type3A_85, %cond3A_86 : i32
      scf.if %cond3A_87 {
        %add3A_98 = arith.constant 2 : i32
        %add3A_99 = arith.addi %add3A_70, %add3A_98 : i32
        %mul3A_100 = arith.constant 32 : i32
        %mul3A_101 = arith.muli %add3A_99, %mul3A_100 : i32
        %add3A_102 = arith.addi %mul3A_101, %add3A : i32
        %mul3A_103 = arith.constant 256 : i32
        %mul3A_104 = arith.muli %add3A_102, %mul3A_103 : i32
        %dma_start3A_105 = tpu.memref_slice %arg3[%mul3A_104] : memref<327680xi32, #tpu.memory_space<hbm>> -> memref<256xi32, #tpu.memory_space<hbm>>
        %dma_start3A_106 = tpu.memref_slice %arg3[%mul3A_104] : memref<327680xi32, #tpu.memory_space<hbm>> -> memref<256xi32, #tpu.memory_space<hbm>>
        tpu.enqueue_dma source(%dma_start3A_106 : memref<256xi32, #tpu.memory_space<hbm>>) target(%arg10 : memref<256xi32, #tpu.memory_space<vmem>>) target_semaphore(%arg12 : memref<!tpu.dma_semaphore, #tpu.memory_space<semaphore_mem>>)
      } else {
      }
      %mul3A_88 = arith.constant 32 : i32
      %mul3A_89 = arith.muli %add3A_70, %mul3A_88 : i32
      %add3A_90 = arith.addi %mul3A_89, %add3A : i32
      %mul3A_91 = arith.constant 256 : i32
      %mul3A_92 = arith.muli %add3A_90, %mul3A_91 : i32
      %dma_start3A_93 = arith.constant 0 : i32
      %dma_start3A_94 = tpu.memref_slice %arg4[%mul3A_92, %dma_start3A_93] : memref<327680x128xf32, #tpu.memory_space<hbm>> -> memref<256x128xf32, #tpu.memory_space<hbm>>
      %dma_start3A_95 = arith.constant 0 : i32
      %dma_start3A_96 = tpu.memref_slice %arg4[%mul3A_92, %dma_start3A_95] : memref<327680x128xf32, #tpu.memory_space<hbm>> -> memref<256x128xf32, #tpu.memory_space<hbm>>
      tpu.enqueue_dma source(%arg11 : memref<256x128xf32, #tpu.memory_space<vmem>>) target(%dma_start3A_96 : memref<256x128xf32, #tpu.memory_space<hbm>>) target_semaphore(%arg14 : memref<!tpu.dma_semaphore, #tpu.memory_space<semaphore_mem>>)
      %scan3A_97 = arith.constant 0 : i32
      scf.yield %scan3A_97 : i32
    }
    %scan3A_25 = arith.constant 20 : i32
    %add3A_26 = arith.constant 1216 : i32
    %add3A_27 = arith.addi %add3A_26, %add3A : i32
    %mul3A_28 = arith.constant 256 : i32
    %mul3A_29 = arith.muli %add3A_27, %mul3A_28 : i32
    %dma_wait3A_30 = arith.constant 0 : i32
    %dma_wait3A_31 = tpu.memref_slice %arg4[%mul3A_29, %dma_wait3A_30] : memref<327680x128xf32, #tpu.memory_space<hbm>> -> memref<256x128xf32, #tpu.memory_space<hbm>>
    %dma_wait3A_32 = arith.constant 0 : i32
    %dma_wait3A_33 = tpu.memref_slice %arg4[%mul3A_29, %dma_wait3A_32] : memref<327680x128xf32, #tpu.memory_space<hbm>> -> memref<256x128xf32, #tpu.memory_space<hbm>>
    tpu.wait_dma2 semaphore(%arg9 : memref<!tpu.dma_semaphore, #tpu.memory_space<semaphore_mem>>) src(%arg6 : memref<256x128xf32, #tpu.memory_space<vmem>>) dst(%dma_wait3A_33 : memref<256x128xf32, #tpu.memory_space<hbm>>)
    %add3A_34 = arith.constant 1248 : i32
    %add3A_35 = arith.addi %add3A_34, %add3A : i32
    %mul3A_36 = arith.constant 256 : i32
    %mul3A_37 = arith.muli %add3A_35, %mul3A_36 : i32
    %dma_wait3A_38 = arith.constant 0 : i32
    %dma_wait3A_39 = tpu.memref_slice %arg4[%mul3A_37, %dma_wait3A_38] : memref<327680x128xf32, #tpu.memory_space<hbm>> -> memref<256x128xf32, #tpu.memory_space<hbm>>
    %dma_wait3A_40 = arith.constant 0 : i32
    %dma_wait3A_41 = tpu.memref_slice %arg4[%mul3A_37, %dma_wait3A_40] : memref<327680x128xf32, #tpu.memory_space<hbm>> -> memref<256x128xf32, #tpu.memory_space<hbm>>
    tpu.wait_dma2 semaphore(%arg14 : memref<!tpu.dma_semaphore, #tpu.memory_space<semaphore_mem>>) src(%arg11 : memref<256x128xf32, #tpu.memory_space<vmem>>) dst(%dma_wait3A_41 : memref<256x128xf32, #tpu.memory_space<hbm>>)
    return
  }
}

#map = affine_map<(d0, d1) -> (0, 0)>
#map1 = affine_map<(d0, d1) -> (0)>
module attributes {stable_mosaic.version = 14 : i64} {
  func.func @body(%arg0: i32, %arg1: i32, %arg2: memref<10000x128xf32, #tpu.memory_space<hbm>>, %arg3: memref<327680xi32, #tpu.memory_space<hbm>>, %arg4: memref<327680x128xf32, #tpu.memory_space<hbm>>, %arg5: memref<256xi32, #tpu.memory_space<vmem>>, %arg6: memref<256x128xf32, #tpu.memory_space<vmem>>, %arg7: memref<!tpu.dma_semaphore, #tpu.memory_space<semaphore_mem>>, %arg8: memref<!tpu.dma_semaphore, #tpu.memory_space<semaphore_mem>>, %arg9: memref<!tpu.dma_semaphore, #tpu.memory_space<semaphore_mem>>, %arg10: memref<256xi32, #tpu.memory_space<vmem>>, %arg11: memref<256x128xf32, #tpu.memory_space<vmem>>, %arg12: memref<!tpu.dma_semaphore, #tpu.memory_space<semaphore_mem>>, %arg13: memref<!tpu.dma_semaphore, #tpu.memory_space<semaphore_mem>>, %arg14: memref<!tpu.dma_semaphore, #tpu.memory_space<semaphore_mem>>) attributes {dimension_semantics = [#tpu.dimension_semantics<core_parallel>, #tpu.dimension_semantics<subcore_parallel>], iteration_bounds = array<i64: 2, 16>, scalar_prefetch = 0 : i64, scratch_operands = 10 : i64, tpu.core_type = #tpu.core_type<sc_vector_subcore>, window_params = [{transform_indices = #map}, {transform_indices = #map1}, {transform_indices = #map}]} {
    %mul3A = arith.constant 2 : i32
    %mul3A_0 = arith.muli %arg1, %mul3A : i32
    %add3A = arith.addi %mul3A_0, %arg0 : i32
    %add3A_1 = arith.constant 0 : i32
    %add3A_2 = arith.addi %add3A_1, %add3A : i32
    %mul3A_3 = arith.constant 256 : i32
    %mul3A_4 = arith.muli %add3A_2, %mul3A_3 : i32
    %dma_start3A = tpu.memref_slice %arg3[%mul3A_4] : memref<327680xi32, #tpu.memory_space<hbm>> -> memref<256xi32, #tpu.memory_space<hbm>>
    %dma_start3A_5 = tpu.memref_slice %arg3[%mul3A_4] : memref<327680xi32, #tpu.memory_space<hbm>> -> memref<256xi32, #tpu.memory_space<hbm>>
    tpu.enqueue_dma source(%dma_start3A_5 : memref<256xi32, #tpu.memory_space<hbm>>) target(%arg5 : memref<256xi32, #tpu.memory_space<vmem>>) target_semaphore(%arg7 : memref<!tpu.dma_semaphore, #tpu.memory_space<semaphore_mem>>)
    %add3A_6 = arith.constant 32 : i32
    %add3A_7 = arith.addi %add3A_6, %add3A : i32
    %mul3A_8 = arith.constant 256 : i32
    %mul3A_9 = arith.muli %add3A_7, %mul3A_8 : i32
    %dma_start3A_10 = tpu.memref_slice %arg3[%mul3A_9] : memref<327680xi32, #tpu.memory_space<hbm>> -> memref<256xi32, #tpu.memory_space<hbm>>
    %dma_start3A_11 = tpu.memref_slice %arg3[%mul3A_9] : memref<327680xi32, #tpu.memory_space<hbm>> -> memref<256xi32, #tpu.memory_space<hbm>>
    tpu.enqueue_dma source(%dma_start3A_11 : memref<256xi32, #tpu.memory_space<hbm>>) target(%arg10 : memref<256xi32, #tpu.memory_space<vmem>>) target_semaphore(%arg12 : memref<!tpu.dma_semaphore, #tpu.memory_space<semaphore_mem>>)
    %add3A_12 = arith.constant 0 : i32
    %add3A_13 = arith.addi %add3A_12, %add3A : i32
    %mul3A_14 = arith.constant 256 : i32
    %mul3A_15 = arith.muli %add3A_13, %mul3A_14 : i32
    %dma_wait3A = tpu.memref_slice %arg3[%mul3A_15] : memref<327680xi32, #tpu.memory_space<hbm>> -> memref<256xi32, #tpu.memory_space<hbm>>
    %dma_wait3A_16 = tpu.memref_slice %arg3[%mul3A_15] : memref<327680xi32, #tpu.memory_space<hbm>> -> memref<256xi32, #tpu.memory_space<hbm>>
    tpu.wait_dma2 semaphore(%arg7 : memref<!tpu.dma_semaphore, #tpu.memory_space<semaphore_mem>>) src(%dma_wait3A_16 : memref<256xi32, #tpu.memory_space<hbm>>) dst(%arg5 : memref<256xi32, #tpu.memory_space<vmem>>)
    %dma_start3A_17 = arith.constant 0 : i32
    %dma_start3A_18 = arith.constant 0 : i32
    %dma_start3A_19 = tpu.memref_slice %arg2[%dma_start3A_17, %dma_start3A_18] : memref<10000x128xf32, #tpu.memory_space<hbm>> -> memref<10000x128xf32, #tpu.memory_space<hbm>>
    tpu.enqueue_indirect_dma source(%dma_start3A_19 : memref<10000x128xf32, #tpu.memory_space<hbm>>) target(%arg6 : memref<256x128xf32, #tpu.memory_space<vmem>>) offsets(%arg5 : memref<256xi32, #tpu.memory_space<vmem>>) semaphore(%arg8 : memref<!tpu.dma_semaphore, #tpu.memory_space<semaphore_mem>>)
    %scan3A = arith.constant 0 : i32
    %scan3A_20 = arith.constant 0 : i32
    %scan3A_21 = arith.constant 20 : i32
    %scan3A_22 = arith.addi %scan3A_20, %scan3A_21 : i32
    %scan3A_23 = arith.constant 1 : i32
    %scan3A_24 = scf.for %scan3A_42 = %scan3A_20 to %scan3A_22 step %scan3A_23 iter_args(%scan3A_43 = %scan3A) -> (i32)  : i32 {
      %mul3A_44 = arith.constant 2 : i32
      %mul3A_45 = arith.muli %scan3A_42, %mul3A_44 : i32
      %add3A_46 = arith.constant 1 : i32
      %add3A_47 = arith.addi %mul3A_45, %add3A_46 : i32
      %lt3A = arith.constant 40 : i32
      %lt3A_48 = arith.cmpi slt, %add3A_47, %lt3A : i32
      %convert_element_type3A = arith.extui %lt3A_48 : i1 to i32
      %cond3A = arith.constant 0 : i32
      %cond3A_49 = arith.cmpi ne, %convert_element_type3A, %cond3A : i32
      scf.if %cond3A_49 {
        %ge3A = arith.constant 1 : i32
        %ge3A_98 = arith.cmpi sge, %mul3A_45, %ge3A : i32
        %convert_element_type3A_99 = arith.extui %ge3A_98 : i1 to i32
        %cond3A_100 = arith.constant 0 : i32
        %cond3A_101 = arith.cmpi ne, %convert_element_type3A_99, %cond3A_100 : i32
        scf.if %cond3A_101 {
          %sub3A = arith.constant 1 : i32
          %sub3A_114 = arith.subi %mul3A_45, %sub3A : i32
          %mul3A_115 = arith.constant 32 : i32
          %mul3A_116 = arith.muli %sub3A_114, %mul3A_115 : i32
          %add3A_117 = arith.addi %mul3A_116, %add3A : i32
          %mul3A_118 = arith.constant 256 : i32
          %mul3A_119 = arith.muli %add3A_117, %mul3A_118 : i32
          %dma_wait3A_120 = arith.constant 0 : i32
          %dma_wait3A_121 = tpu.memref_slice %arg4[%mul3A_119, %dma_wait3A_120] : memref<327680x128xf32, #tpu.memory_space<hbm>> -> memref<256x128xf32, #tpu.memory_space<hbm>>
          %dma_wait3A_122 = arith.constant 0 : i32
          %dma_wait3A_123 = tpu.memref_slice %arg4[%mul3A_119, %dma_wait3A_122] : memref<327680x128xf32, #tpu.memory_space<hbm>> -> memref<256x128xf32, #tpu.memory_space<hbm>>
          tpu.wait_dma2 semaphore(%arg14 : memref<!tpu.dma_semaphore, #tpu.memory_space<semaphore_mem>>) src(%arg11 : memref<256x128xf32, #tpu.memory_space<vmem>>) dst(%dma_wait3A_123 : memref<256x128xf32, #tpu.memory_space<hbm>>)
        } else {
        }
        %add3A_102 = arith.constant 1 : i32
        %add3A_103 = arith.addi %mul3A_45, %add3A_102 : i32
        %mul3A_104 = arith.constant 32 : i32
        %mul3A_105 = arith.muli %add3A_103, %mul3A_104 : i32
        %add3A_106 = arith.addi %mul3A_105, %add3A : i32
        %mul3A_107 = arith.constant 256 : i32
        %mul3A_108 = arith.muli %add3A_106, %mul3A_107 : i32
        %dma_wait3A_109 = tpu.memref_slice %arg3[%mul3A_108] : memref<327680xi32, #tpu.memory_space<hbm>> -> memref<256xi32, #tpu.memory_space<hbm>>
        %dma_wait3A_110 = tpu.memref_slice %arg3[%mul3A_108] : memref<327680xi32, #tpu.memory_space<hbm>> -> memref<256xi32, #tpu.memory_space<hbm>>
        tpu.wait_dma2 semaphore(%arg12 : memref<!tpu.dma_semaphore, #tpu.memory_space<semaphore_mem>>) src(%dma_wait3A_110 : memref<256xi32, #tpu.memory_space<hbm>>) dst(%arg10 : memref<256xi32, #tpu.memory_space<vmem>>)
        %dma_start3A_111 = arith.constant 0 : i32
        %dma_start3A_112 = arith.constant 0 : i32
        %dma_start3A_113 = tpu.memref_slice %arg2[%dma_start3A_111, %dma_start3A_112] : memref<10000x128xf32, #tpu.memory_space<hbm>> -> memref<10000x128xf32, #tpu.memory_space<hbm>>
        tpu.enqueue_indirect_dma source(%dma_start3A_113 : memref<10000x128xf32, #tpu.memory_space<hbm>>) target(%arg11 : memref<256x128xf32, #tpu.memory_space<vmem>>) offsets(%arg10 : memref<256xi32, #tpu.memory_space<vmem>>) semaphore(%arg13 : memref<!tpu.dma_semaphore, #tpu.memory_space<semaphore_mem>>)
      } else {
      }
      %dma_wait3A_50 = arith.constant 0 : i32
      %dma_wait3A_51 = arith.constant 0 : i32
      %dma_wait3A_52 = tpu.memref_slice %arg2[%dma_wait3A_50, %dma_wait3A_51] : memref<10000x128xf32, #tpu.memory_space<hbm>> -> memref<10000x128xf32, #tpu.memory_space<hbm>>
      tpu.wait_indirect_dma semaphore(%arg8 : memref<!tpu.dma_semaphore, #tpu.memory_space<semaphore_mem>>) src(%dma_wait3A_52 : memref<10000x128xf32, #tpu.memory_space<hbm>>) dst(%arg6 : memref<256x128xf32, #tpu.memory_space<vmem>>)
      %add3A_53 = arith.constant 2 : i32
      %add3A_54 = arith.addi %mul3A_45, %add3A_53 : i32
      %lt3A_55 = arith.constant 40 : i32
      %lt3A_56 = arith.cmpi slt, %add3A_54, %lt3A_55 : i32
      %convert_element_type3A_57 = arith.extui %lt3A_56 : i1 to i32
      %cond3A_58 = arith.constant 0 : i32
      %cond3A_59 = arith.cmpi ne, %convert_element_type3A_57, %cond3A_58 : i32
      scf.if %cond3A_59 {
        %add3A_98 = arith.constant 2 : i32
        %add3A_99 = arith.addi %mul3A_45, %add3A_98 : i32
        %mul3A_100 = arith.constant 32 : i32
        %mul3A_101 = arith.muli %add3A_99, %mul3A_100 : i32
        %add3A_102 = arith.addi %mul3A_101, %add3A : i32
        %mul3A_103 = arith.constant 256 : i32
        %mul3A_104 = arith.muli %add3A_102, %mul3A_103 : i32
        %dma_start3A_105 = tpu.memref_slice %arg3[%mul3A_104] : memref<327680xi32, #tpu.memory_space<hbm>> -> memref<256xi32, #tpu.memory_space<hbm>>
        %dma_start3A_106 = tpu.memref_slice %arg3[%mul3A_104] : memref<327680xi32, #tpu.memory_space<hbm>> -> memref<256xi32, #tpu.memory_space<hbm>>
        tpu.enqueue_dma source(%dma_start3A_106 : memref<256xi32, #tpu.memory_space<hbm>>) target(%arg5 : memref<256xi32, #tpu.memory_space<vmem>>) target_semaphore(%arg7 : memref<!tpu.dma_semaphore, #tpu.memory_space<semaphore_mem>>)
      } else {
      }
      %mul3A_60 = arith.constant 32 : i32
      %mul3A_61 = arith.muli %mul3A_45, %mul3A_60 : i32
      %add3A_62 = arith.addi %mul3A_61, %add3A : i32
      %mul3A_63 = arith.constant 256 : i32
      %mul3A_64 = arith.muli %add3A_62, %mul3A_63 : i32
      %dma_start3A_65 = arith.constant 0 : i32
      %dma_start3A_66 = tpu.memref_slice %arg4[%mul3A_64, %dma_start3A_65] : memref<327680x128xf32, #tpu.memory_space<hbm>> -> memref<256x128xf32, #tpu.memory_space<hbm>>
      %dma_start3A_67 = arith.constant 0 : i32
      %dma_start3A_68 = tpu.memref_slice %arg4[%mul3A_64, %dma_start3A_67] : memref<327680x128xf32, #tpu.memory_space<hbm>> -> memref<256x128xf32, #tpu.memory_space<hbm>>
      tpu.enqueue_dma source(%arg6 : memref<256x128xf32, #tpu.memory_space<vmem>>) target(%dma_start3A_68 : memref<256x128xf32, #tpu.memory_space<hbm>>) target_semaphore(%arg9 : memref<!tpu.dma_semaphore, #tpu.memory_space<semaphore_mem>>)
      %add3A_69 = arith.constant 1 : i32
      %add3A_70 = arith.addi %mul3A_45, %add3A_69 : i32
      %add3A_71 = arith.constant 1 : i32
      %add3A_72 = arith.addi %add3A_70, %add3A_71 : i32
      %lt3A_73 = arith.constant 40 : i32
      %lt3A_74 = arith.cmpi slt, %add3A_72, %lt3A_73 : i32
      %convert_element_type3A_75 = arith.extui %lt3A_74 : i1 to i32
      %cond3A_76 = arith.constant 0 : i32
      %cond3A_77 = arith.cmpi ne, %convert_element_type3A_75, %cond3A_76 : i32
      scf.if %cond3A_77 {
        %ge3A = arith.constant 1 : i32
        %ge3A_98 = arith.cmpi sge, %add3A_70, %ge3A : i32
        %convert_element_type3A_99 = arith.extui %ge3A_98 : i1 to i32
        %cond3A_100 = arith.constant 0 : i32
        %cond3A_101 = arith.cmpi ne, %convert_element_type3A_99, %cond3A_100 : i32
        scf.if %cond3A_101 {
          %sub3A = arith.constant 1 : i32
          %sub3A_114 = arith.subi %add3A_70, %sub3A : i32
          %mul3A_115 = arith.constant 32 : i32
          %mul3A_116 = arith.muli %sub3A_114, %mul3A_115 : i32
          %add3A_117 = arith.addi %mul3A_116, %add3A : i32
          %mul3A_118 = arith.constant 256 : i32
          %mul3A_119 = arith.muli %add3A_117, %mul3A_118 : i32
          %dma_wait3A_120 = arith.constant 0 : i32
          %dma_wait3A_121 = tpu.memref_slice %arg4[%mul3A_119, %dma_wait3A_120] : memref<327680x128xf32, #tpu.memory_space<hbm>> -> memref<256x128xf32, #tpu.memory_space<hbm>>
          %dma_wait3A_122 = arith.constant 0 : i32
          %dma_wait3A_123 = tpu.memref_slice %arg4[%mul3A_119, %dma_wait3A_122] : memref<327680x128xf32, #tpu.memory_space<hbm>> -> memref<256x128xf32, #tpu.memory_space<hbm>>
          tpu.wait_dma2 semaphore(%arg9 : memref<!tpu.dma_semaphore, #tpu.memory_space<semaphore_mem>>) src(%arg6 : memref<256x128xf32, #tpu.memory_space<vmem>>) dst(%dma_wait3A_123 : memref<256x128xf32, #tpu.memory_space<hbm>>)
        } else {
        }
        %add3A_102 = arith.constant 1 : i32
        %add3A_103 = arith.addi %add3A_70, %add3A_102 : i32
        %mul3A_104 = arith.constant 32 : i32
        %mul3A_105 = arith.muli %add3A_103, %mul3A_104 : i32
        %add3A_106 = arith.addi %mul3A_105, %add3A : i32
        %mul3A_107 = arith.constant 256 : i32
        %mul3A_108 = arith.muli %add3A_106, %mul3A_107 : i32
        %dma_wait3A_109 = tpu.memref_slice %arg3[%mul3A_108] : memref<327680xi32, #tpu.memory_space<hbm>> -> memref<256xi32, #tpu.memory_space<hbm>>
        %dma_wait3A_110 = tpu.memref_slice %arg3[%mul3A_108] : memref<327680xi32, #tpu.memory_space<hbm>> -> memref<256xi32, #tpu.memory_space<hbm>>
        tpu.wait_dma2 semaphore(%arg7 : memref<!tpu.dma_semaphore, #tpu.memory_space<semaphore_mem>>) src(%dma_wait3A_110 : memref<256xi32, #tpu.memory_space<hbm>>) dst(%arg5 : memref<256xi32, #tpu.memory_space<vmem>>)
        %dma_start3A_111 = arith.constant 0 : i32
        %dma_start3A_112 = arith.constant 0 : i32
        %dma_start3A_113 = tpu.memref_slice %arg2[%dma_start3A_111, %dma_start3A_112] : memref<10000x128xf32, #tpu.memory_space<hbm>> -> memref<10000x128xf32, #tpu.memory_space<hbm>>
        tpu.enqueue_indirect_dma source(%dma_start3A_113 : memref<10000x128xf32, #tpu.memory_space<hbm>>) target(%arg6 : memref<256x128xf32, #tpu.memory_space<vmem>>) offsets(%arg5 : memref<256xi32, #tpu.memory_space<vmem>>) semaphore(%arg8 : memref<!tpu.dma_semaphore, #tpu.memory_space<semaphore_mem>>)
      } else {
      }
      %dma_wait3A_78 = arith.constant 0 : i32
      %dma_wait3A_79 = arith.constant 0 : i32
      %dma_wait3A_80 = tpu.memref_slice %arg2[%dma_wait3A_78, %dma_wait3A_79] : memref<10000x128xf32, #tpu.memory_space<hbm>> -> memref<10000x128xf32, #tpu.memory_space<hbm>>
      tpu.wait_indirect_dma semaphore(%arg13 : memref<!tpu.dma_semaphore, #tpu.memory_space<semaphore_mem>>) src(%dma_wait3A_80 : memref<10000x128xf32, #tpu.memory_space<hbm>>) dst(%arg11 : memref<256x128xf32, #tpu.memory_space<vmem>>)
      %add3A_81 = arith.constant 2 : i32
      %add3A_82 = arith.addi %add3A_70, %add3A_81 : i32
      %lt3A_83 = arith.constant 40 : i32
      %lt3A_84 = arith.cmpi slt, %add3A_82, %lt3A_83 : i32
      %convert_element_type3A_85 = arith.extui %lt3A_84 : i1 to i32
      %cond3A_86 = arith.constant 0 : i32
      %cond3A_87 = arith.cmpi ne, %convert_element_type3A_85, %cond3A_86 : i32
      scf.if %cond3A_87 {
        %add3A_98 = arith.constant 2 : i32
        %add3A_99 = arith.addi %add3A_70, %add3A_98 : i32
        %mul3A_100 = arith.constant 32 : i32
        %mul3A_101 = arith.muli %add3A_99, %mul3A_100 : i32
        %add3A_102 = arith.addi %mul3A_101, %add3A : i32
        %mul3A_103 = arith.constant 256 : i32
        %mul3A_104 = arith.muli %add3A_102, %mul3A_103 : i32
        %dma_start3A_105 = tpu.memref_slice %arg3[%mul3A_104] : memref<327680xi32, #tpu.memory_space<hbm>> -> memref<256xi32, #tpu.memory_space<hbm>>
        %dma_start3A_106 = tpu.memref_slice %arg3[%mul3A_104] : memref<327680xi32, #tpu.memory_space<hbm>> -> memref<256xi32, #tpu.memory_space<hbm>>
        tpu.enqueue_dma source(%dma_start3A_106 : memref<256xi32, #tpu.memory_space<hbm>>) target(%arg10 : memref<256xi32, #tpu.memory_space<vmem>>) target_semaphore(%arg12 : memref<!tpu.dma_semaphore, #tpu.memory_space<semaphore_mem>>)
      } else {
      }
      %mul3A_88 = arith.constant 32 : i32
      %mul3A_89 = arith.muli %add3A_70, %mul3A_88 : i32
      %add3A_90 = arith.addi %mul3A_89, %add3A : i32
      %mul3A_91 = arith.constant 256 : i32
      %mul3A_92 = arith.muli %add3A_90, %mul3A_91 : i32
      %dma_start3A_93 = arith.constant 0 : i32
      %dma_start3A_94 = tpu.memref_slice %arg4[%mul3A_92, %dma_start3A_93] : memref<327680x128xf32, #tpu.memory_space<hbm>> -> memref<256x128xf32, #tpu.memory_space<hbm>>
      %dma_start3A_95 = arith.constant 0 : i32
      %dma_start3A_96 = tpu.memref_slice %arg4[%mul3A_92, %dma_start3A_95] : memref<327680x128xf32, #tpu.memory_space<hbm>> -> memref<256x128xf32, #tpu.memory_space<hbm>>
      tpu.enqueue_dma source(%arg11 : memref<256x128xf32, #tpu.memory_space<vmem>>) target(%dma_start3A_96 : memref<256x128xf32, #tpu.memory_space<hbm>>) target_semaphore(%arg14 : memref<!tpu.dma_semaphore, #tpu.memory_space<semaphore_mem>>)
      %scan3A_97 = arith.constant 0 : i32
      scf.yield %scan3A_97 : i32
    }
    %scan3A_25 = arith.constant 20 : i32
    %add3A_26 = arith.constant 1216 : i32
    %add3A_27 = arith.addi %add3A_26, %add3A : i32
    %mul3A_28 = arith.constant 256 : i32
    %mul3A_29 = arith.muli %add3A_27, %mul3A_28 : i32
    %dma_wait3A_30 = arith.constant 0 : i32
    %dma_wait3A_31 = tpu.memref_slice %arg4[%mul3A_29, %dma_wait3A_30] : memref<327680x128xf32, #tpu.memory_space<hbm>> -> memref<256x128xf32, #tpu.memory_space<hbm>>
    %dma_wait3A_32 = arith.constant 0 : i32
    %dma_wait3A_33 = tpu.memref_slice %arg4[%mul3A_29, %dma_wait3A_32] : memref<327680x128xf32, #tpu.memory_space<hbm>> -> memref<256x128xf32, #tpu.memory_space<hbm>>
    tpu.wait_dma2 semaphore(%arg9 : memref<!tpu.dma_semaphore, #tpu.memory_space<semaphore_mem>>) src(%arg6 : memref<256x128xf32, #tpu.memory_space<vmem>>) dst(%dma_wait3A_33 : memref<256x128xf32, #tpu.memory_space<hbm>>)
    %add3A_34 = arith.constant 1248 : i32
    %add3A_35 = arith.addi %add3A_34, %add3A : i32
    %mul3A_36 = arith.constant 256 : i32
    %mul3A_37 = arith.muli %add3A_35, %mul3A_36 : i32
    %dma_wait3A_38 = arith.constant 0 : i32
    %dma_wait3A_39 = tpu.memref_slice %arg4[%mul3A_37, %dma_wait3A_38] : memref<327680x128xf32, #tpu.memory_space<hbm>> -> memref<256x128xf32, #tpu.memory_space<hbm>>
    %dma_wait3A_40 = arith.constant 0 : i32
    %dma_wait3A_41 = tpu.memref_slice %arg4[%mul3A_37, %dma_wait3A_40] : memref<327680x128xf32, #tpu.memory_space<hbm>> -> memref<256x128xf32, #tpu.memory_space<hbm>>
    tpu.wait_dma2 semaphore(%arg14 : memref<!tpu.dma_semaphore, #tpu.memory_space<semaphore_mem>>) src(%arg11 : memref<256x128xf32, #tpu.memory_space<vmem>>) dst(%dma_wait3A_41 : memref<256x128xf32, #tpu.memory_space<hbm>>)
    return
  }
}

#map = affine_map<(d0, d1) -> (0, 0)>
#map1 = affine_map<(d0, d1) -> (0)>
module attributes {stable_mosaic.version = 14 : i64} {
  func.func @body(%arg0: i32, %arg1: i32, %arg2: memref<320000x128xf32, #tpu.memory_space<hbm>>, %arg3: memref<327680xi32, #tpu.memory_space<hbm>>, %arg4: memref<327680x128xf32, #tpu.memory_space<hbm>>, %arg5: memref<256xi32, #tpu.memory_space<vmem>>, %arg6: memref<256x128xf32, #tpu.memory_space<vmem>>, %arg7: memref<!tpu.dma_semaphore, #tpu.memory_space<semaphore_mem>>, %arg8: memref<!tpu.dma_semaphore, #tpu.memory_space<semaphore_mem>>, %arg9: memref<!tpu.dma_semaphore, #tpu.memory_space<semaphore_mem>>, %arg10: memref<256xi32, #tpu.memory_space<vmem>>, %arg11: memref<256x128xf32, #tpu.memory_space<vmem>>, %arg12: memref<!tpu.dma_semaphore, #tpu.memory_space<semaphore_mem>>, %arg13: memref<!tpu.dma_semaphore, #tpu.memory_space<semaphore_mem>>, %arg14: memref<!tpu.dma_semaphore, #tpu.memory_space<semaphore_mem>>) attributes {dimension_semantics = [#tpu.dimension_semantics<core_parallel>, #tpu.dimension_semantics<subcore_parallel>], iteration_bounds = array<i64: 2, 16>, scalar_prefetch = 0 : i64, scratch_operands = 10 : i64, tpu.core_type = #tpu.core_type<sc_vector_subcore>, window_params = [{transform_indices = #map}, {transform_indices = #map1}, {transform_indices = #map}]} {
    %mul3A = arith.constant 2 : i32
    %mul3A_0 = arith.muli %arg1, %mul3A : i32
    %add3A = arith.addi %mul3A_0, %arg0 : i32
    %add3A_1 = arith.constant 0 : i32
    %add3A_2 = arith.addi %add3A_1, %add3A : i32
    %mul3A_3 = arith.constant 256 : i32
    %mul3A_4 = arith.muli %add3A_2, %mul3A_3 : i32
    %dma_start3A = tpu.memref_slice %arg3[%mul3A_4] : memref<327680xi32, #tpu.memory_space<hbm>> -> memref<256xi32, #tpu.memory_space<hbm>>
    %dma_start3A_5 = tpu.memref_slice %arg3[%mul3A_4] : memref<327680xi32, #tpu.memory_space<hbm>> -> memref<256xi32, #tpu.memory_space<hbm>>
    tpu.enqueue_dma source(%dma_start3A_5 : memref<256xi32, #tpu.memory_space<hbm>>) target(%arg5 : memref<256xi32, #tpu.memory_space<vmem>>) target_semaphore(%arg7 : memref<!tpu.dma_semaphore, #tpu.memory_space<semaphore_mem>>)
    %add3A_6 = arith.constant 32 : i32
    %add3A_7 = arith.addi %add3A_6, %add3A : i32
    %mul3A_8 = arith.constant 256 : i32
    %mul3A_9 = arith.muli %add3A_7, %mul3A_8 : i32
    %dma_start3A_10 = tpu.memref_slice %arg3[%mul3A_9] : memref<327680xi32, #tpu.memory_space<hbm>> -> memref<256xi32, #tpu.memory_space<hbm>>
    %dma_start3A_11 = tpu.memref_slice %arg3[%mul3A_9] : memref<327680xi32, #tpu.memory_space<hbm>> -> memref<256xi32, #tpu.memory_space<hbm>>
    tpu.enqueue_dma source(%dma_start3A_11 : memref<256xi32, #tpu.memory_space<hbm>>) target(%arg10 : memref<256xi32, #tpu.memory_space<vmem>>) target_semaphore(%arg12 : memref<!tpu.dma_semaphore, #tpu.memory_space<semaphore_mem>>)
    %add3A_12 = arith.constant 0 : i32
    %add3A_13 = arith.addi %add3A_12, %add3A : i32
    %mul3A_14 = arith.constant 256 : i32
    %mul3A_15 = arith.muli %add3A_13, %mul3A_14 : i32
    %dma_wait3A = tpu.memref_slice %arg3[%mul3A_15] : memref<327680xi32, #tpu.memory_space<hbm>> -> memref<256xi32, #tpu.memory_space<hbm>>
    %dma_wait3A_16 = tpu.memref_slice %arg3[%mul3A_15] : memref<327680xi32, #tpu.memory_space<hbm>> -> memref<256xi32, #tpu.memory_space<hbm>>
    tpu.wait_dma2 semaphore(%arg7 : memref<!tpu.dma_semaphore, #tpu.memory_space<semaphore_mem>>) src(%dma_wait3A_16 : memref<256xi32, #tpu.memory_space<hbm>>) dst(%arg5 : memref<256xi32, #tpu.memory_space<vmem>>)
    %dma_start3A_17 = arith.constant 0 : i32
    %dma_start3A_18 = arith.constant 0 : i32
    %dma_start3A_19 = tpu.memref_slice %arg2[%dma_start3A_17, %dma_start3A_18] : memref<320000x128xf32, #tpu.memory_space<hbm>> -> memref<320000x128xf32, #tpu.memory_space<hbm>>
    tpu.enqueue_indirect_dma source(%dma_start3A_19 : memref<320000x128xf32, #tpu.memory_space<hbm>>) target(%arg6 : memref<256x128xf32, #tpu.memory_space<vmem>>) offsets(%arg5 : memref<256xi32, #tpu.memory_space<vmem>>) semaphore(%arg8 : memref<!tpu.dma_semaphore, #tpu.memory_space<semaphore_mem>>)
    %scan3A = arith.constant 0 : i32
    %scan3A_20 = arith.constant 0 : i32
    %scan3A_21 = arith.constant 20 : i32
    %scan3A_22 = arith.addi %scan3A_20, %scan3A_21 : i32
    %scan3A_23 = arith.constant 1 : i32
    %scan3A_24 = scf.for %scan3A_42 = %scan3A_20 to %scan3A_22 step %scan3A_23 iter_args(%scan3A_43 = %scan3A) -> (i32)  : i32 {
      %mul3A_44 = arith.constant 2 : i32
      %mul3A_45 = arith.muli %scan3A_42, %mul3A_44 : i32
      %add3A_46 = arith.constant 1 : i32
      %add3A_47 = arith.addi %mul3A_45, %add3A_46 : i32
      %lt3A = arith.constant 40 : i32
      %lt3A_48 = arith.cmpi slt, %add3A_47, %lt3A : i32
      %convert_element_type3A = arith.extui %lt3A_48 : i1 to i32
      %cond3A = arith.constant 0 : i32
      %cond3A_49 = arith.cmpi ne, %convert_element_type3A, %cond3A : i32
      scf.if %cond3A_49 {
        %ge3A = arith.constant 1 : i32
        %ge3A_98 = arith.cmpi sge, %mul3A_45, %ge3A : i32
        %convert_element_type3A_99 = arith.extui %ge3A_98 : i1 to i32
        %cond3A_100 = arith.constant 0 : i32
        %cond3A_101 = arith.cmpi ne, %convert_element_type3A_99, %cond3A_100 : i32
        scf.if %cond3A_101 {
          %sub3A = arith.constant 1 : i32
          %sub3A_114 = arith.subi %mul3A_45, %sub3A : i32
          %mul3A_115 = arith.constant 32 : i32
          %mul3A_116 = arith.muli %sub3A_114, %mul3A_115 : i32
          %add3A_117 = arith.addi %mul3A_116, %add3A : i32
          %mul3A_118 = arith.constant 256 : i32
          %mul3A_119 = arith.muli %add3A_117, %mul3A_118 : i32
          %dma_wait3A_120 = arith.constant 0 : i32
          %dma_wait3A_121 = tpu.memref_slice %arg4[%mul3A_119, %dma_wait3A_120] : memref<327680x128xf32, #tpu.memory_space<hbm>> -> memref<256x128xf32, #tpu.memory_space<hbm>>
          %dma_wait3A_122 = arith.constant 0 : i32
          %dma_wait3A_123 = tpu.memref_slice %arg4[%mul3A_119, %dma_wait3A_122] : memref<327680x128xf32, #tpu.memory_space<hbm>> -> memref<256x128xf32, #tpu.memory_space<hbm>>
          tpu.wait_dma2 semaphore(%arg14 : memref<!tpu.dma_semaphore, #tpu.memory_space<semaphore_mem>>) src(%arg11 : memref<256x128xf32, #tpu.memory_space<vmem>>) dst(%dma_wait3A_123 : memref<256x128xf32, #tpu.memory_space<hbm>>)
        } else {
        }
        %add3A_102 = arith.constant 1 : i32
        %add3A_103 = arith.addi %mul3A_45, %add3A_102 : i32
        %mul3A_104 = arith.constant 32 : i32
        %mul3A_105 = arith.muli %add3A_103, %mul3A_104 : i32
        %add3A_106 = arith.addi %mul3A_105, %add3A : i32
        %mul3A_107 = arith.constant 256 : i32
        %mul3A_108 = arith.muli %add3A_106, %mul3A_107 : i32
        %dma_wait3A_109 = tpu.memref_slice %arg3[%mul3A_108] : memref<327680xi32, #tpu.memory_space<hbm>> -> memref<256xi32, #tpu.memory_space<hbm>>
        %dma_wait3A_110 = tpu.memref_slice %arg3[%mul3A_108] : memref<327680xi32, #tpu.memory_space<hbm>> -> memref<256xi32, #tpu.memory_space<hbm>>
        tpu.wait_dma2 semaphore(%arg12 : memref<!tpu.dma_semaphore, #tpu.memory_space<semaphore_mem>>) src(%dma_wait3A_110 : memref<256xi32, #tpu.memory_space<hbm>>) dst(%arg10 : memref<256xi32, #tpu.memory_space<vmem>>)
        %dma_start3A_111 = arith.constant 0 : i32
        %dma_start3A_112 = arith.constant 0 : i32
        %dma_start3A_113 = tpu.memref_slice %arg2[%dma_start3A_111, %dma_start3A_112] : memref<320000x128xf32, #tpu.memory_space<hbm>> -> memref<320000x128xf32, #tpu.memory_space<hbm>>
        tpu.enqueue_indirect_dma source(%dma_start3A_113 : memref<320000x128xf32, #tpu.memory_space<hbm>>) target(%arg11 : memref<256x128xf32, #tpu.memory_space<vmem>>) offsets(%arg10 : memref<256xi32, #tpu.memory_space<vmem>>) semaphore(%arg13 : memref<!tpu.dma_semaphore, #tpu.memory_space<semaphore_mem>>)
      } else {
      }
      %dma_wait3A_50 = arith.constant 0 : i32
      %dma_wait3A_51 = arith.constant 0 : i32
      %dma_wait3A_52 = tpu.memref_slice %arg2[%dma_wait3A_50, %dma_wait3A_51] : memref<320000x128xf32, #tpu.memory_space<hbm>> -> memref<320000x128xf32, #tpu.memory_space<hbm>>
      tpu.wait_indirect_dma semaphore(%arg8 : memref<!tpu.dma_semaphore, #tpu.memory_space<semaphore_mem>>) src(%dma_wait3A_52 : memref<320000x128xf32, #tpu.memory_space<hbm>>) dst(%arg6 : memref<256x128xf32, #tpu.memory_space<vmem>>)
      %add3A_53 = arith.constant 2 : i32
      %add3A_54 = arith.addi %mul3A_45, %add3A_53 : i32
      %lt3A_55 = arith.constant 40 : i32
      %lt3A_56 = arith.cmpi slt, %add3A_54, %lt3A_55 : i32
      %convert_element_type3A_57 = arith.extui %lt3A_56 : i1 to i32
      %cond3A_58 = arith.constant 0 : i32
      %cond3A_59 = arith.cmpi ne, %convert_element_type3A_57, %cond3A_58 : i32
      scf.if %cond3A_59 {
        %add3A_98 = arith.constant 2 : i32
        %add3A_99 = arith.addi %mul3A_45, %add3A_98 : i32
        %mul3A_100 = arith.constant 32 : i32
        %mul3A_101 = arith.muli %add3A_99, %mul3A_100 : i32
        %add3A_102 = arith.addi %mul3A_101, %add3A : i32
        %mul3A_103 = arith.constant 256 : i32
        %mul3A_104 = arith.muli %add3A_102, %mul3A_103 : i32
        %dma_start3A_105 = tpu.memref_slice %arg3[%mul3A_104] : memref<327680xi32, #tpu.memory_space<hbm>> -> memref<256xi32, #tpu.memory_space<hbm>>
        %dma_start3A_106 = tpu.memref_slice %arg3[%mul3A_104] : memref<327680xi32, #tpu.memory_space<hbm>> -> memref<256xi32, #tpu.memory_space<hbm>>
        tpu.enqueue_dma source(%dma_start3A_106 : memref<256xi32, #tpu.memory_space<hbm>>) target(%arg5 : memref<256xi32, #tpu.memory_space<vmem>>) target_semaphore(%arg7 : memref<!tpu.dma_semaphore, #tpu.memory_space<semaphore_mem>>)
      } else {
      }
      %mul3A_60 = arith.constant 32 : i32
      %mul3A_61 = arith.muli %mul3A_45, %mul3A_60 : i32
      %add3A_62 = arith.addi %mul3A_61, %add3A : i32
      %mul3A_63 = arith.constant 256 : i32
      %mul3A_64 = arith.muli %add3A_62, %mul3A_63 : i32
      %dma_start3A_65 = arith.constant 0 : i32
      %dma_start3A_66 = tpu.memref_slice %arg4[%mul3A_64, %dma_start3A_65] : memref<327680x128xf32, #tpu.memory_space<hbm>> -> memref<256x128xf32, #tpu.memory_space<hbm>>
      %dma_start3A_67 = arith.constant 0 : i32
      %dma_start3A_68 = tpu.memref_slice %arg4[%mul3A_64, %dma_start3A_67] : memref<327680x128xf32, #tpu.memory_space<hbm>> -> memref<256x128xf32, #tpu.memory_space<hbm>>
      tpu.enqueue_dma source(%arg6 : memref<256x128xf32, #tpu.memory_space<vmem>>) target(%dma_start3A_68 : memref<256x128xf32, #tpu.memory_space<hbm>>) target_semaphore(%arg9 : memref<!tpu.dma_semaphore, #tpu.memory_space<semaphore_mem>>)
      %add3A_69 = arith.constant 1 : i32
      %add3A_70 = arith.addi %mul3A_45, %add3A_69 : i32
      %add3A_71 = arith.constant 1 : i32
      %add3A_72 = arith.addi %add3A_70, %add3A_71 : i32
      %lt3A_73 = arith.constant 40 : i32
      %lt3A_74 = arith.cmpi slt, %add3A_72, %lt3A_73 : i32
      %convert_element_type3A_75 = arith.extui %lt3A_74 : i1 to i32
      %cond3A_76 = arith.constant 0 : i32
      %cond3A_77 = arith.cmpi ne, %convert_element_type3A_75, %cond3A_76 : i32
      scf.if %cond3A_77 {
        %ge3A = arith.constant 1 : i32
        %ge3A_98 = arith.cmpi sge, %add3A_70, %ge3A : i32
        %convert_element_type3A_99 = arith.extui %ge3A_98 : i1 to i32
        %cond3A_100 = arith.constant 0 : i32
        %cond3A_101 = arith.cmpi ne, %convert_element_type3A_99, %cond3A_100 : i32
        scf.if %cond3A_101 {
          %sub3A = arith.constant 1 : i32
          %sub3A_114 = arith.subi %add3A_70, %sub3A : i32
          %mul3A_115 = arith.constant 32 : i32
          %mul3A_116 = arith.muli %sub3A_114, %mul3A_115 : i32
          %add3A_117 = arith.addi %mul3A_116, %add3A : i32
          %mul3A_118 = arith.constant 256 : i32
          %mul3A_119 = arith.muli %add3A_117, %mul3A_118 : i32
          %dma_wait3A_120 = arith.constant 0 : i32
          %dma_wait3A_121 = tpu.memref_slice %arg4[%mul3A_119, %dma_wait3A_120] : memref<327680x128xf32, #tpu.memory_space<hbm>> -> memref<256x128xf32, #tpu.memory_space<hbm>>
          %dma_wait3A_122 = arith.constant 0 : i32
          %dma_wait3A_123 = tpu.memref_slice %arg4[%mul3A_119, %dma_wait3A_122] : memref<327680x128xf32, #tpu.memory_space<hbm>> -> memref<256x128xf32, #tpu.memory_space<hbm>>
          tpu.wait_dma2 semaphore(%arg9 : memref<!tpu.dma_semaphore, #tpu.memory_space<semaphore_mem>>) src(%arg6 : memref<256x128xf32, #tpu.memory_space<vmem>>) dst(%dma_wait3A_123 : memref<256x128xf32, #tpu.memory_space<hbm>>)
        } else {
        }
        %add3A_102 = arith.constant 1 : i32
        %add3A_103 = arith.addi %add3A_70, %add3A_102 : i32
        %mul3A_104 = arith.constant 32 : i32
        %mul3A_105 = arith.muli %add3A_103, %mul3A_104 : i32
        %add3A_106 = arith.addi %mul3A_105, %add3A : i32
        %mul3A_107 = arith.constant 256 : i32
        %mul3A_108 = arith.muli %add3A_106, %mul3A_107 : i32
        %dma_wait3A_109 = tpu.memref_slice %arg3[%mul3A_108] : memref<327680xi32, #tpu.memory_space<hbm>> -> memref<256xi32, #tpu.memory_space<hbm>>
        %dma_wait3A_110 = tpu.memref_slice %arg3[%mul3A_108] : memref<327680xi32, #tpu.memory_space<hbm>> -> memref<256xi32, #tpu.memory_space<hbm>>
        tpu.wait_dma2 semaphore(%arg7 : memref<!tpu.dma_semaphore, #tpu.memory_space<semaphore_mem>>) src(%dma_wait3A_110 : memref<256xi32, #tpu.memory_space<hbm>>) dst(%arg5 : memref<256xi32, #tpu.memory_space<vmem>>)
        %dma_start3A_111 = arith.constant 0 : i32
        %dma_start3A_112 = arith.constant 0 : i32
        %dma_start3A_113 = tpu.memref_slice %arg2[%dma_start3A_111, %dma_start3A_112] : memref<320000x128xf32, #tpu.memory_space<hbm>> -> memref<320000x128xf32, #tpu.memory_space<hbm>>
        tpu.enqueue_indirect_dma source(%dma_start3A_113 : memref<320000x128xf32, #tpu.memory_space<hbm>>) target(%arg6 : memref<256x128xf32, #tpu.memory_space<vmem>>) offsets(%arg5 : memref<256xi32, #tpu.memory_space<vmem>>) semaphore(%arg8 : memref<!tpu.dma_semaphore, #tpu.memory_space<semaphore_mem>>)
      } else {
      }
      %dma_wait3A_78 = arith.constant 0 : i32
      %dma_wait3A_79 = arith.constant 0 : i32
      %dma_wait3A_80 = tpu.memref_slice %arg2[%dma_wait3A_78, %dma_wait3A_79] : memref<320000x128xf32, #tpu.memory_space<hbm>> -> memref<320000x128xf32, #tpu.memory_space<hbm>>
      tpu.wait_indirect_dma semaphore(%arg13 : memref<!tpu.dma_semaphore, #tpu.memory_space<semaphore_mem>>) src(%dma_wait3A_80 : memref<320000x128xf32, #tpu.memory_space<hbm>>) dst(%arg11 : memref<256x128xf32, #tpu.memory_space<vmem>>)
      %add3A_81 = arith.constant 2 : i32
      %add3A_82 = arith.addi %add3A_70, %add3A_81 : i32
      %lt3A_83 = arith.constant 40 : i32
      %lt3A_84 = arith.cmpi slt, %add3A_82, %lt3A_83 : i32
      %convert_element_type3A_85 = arith.extui %lt3A_84 : i1 to i32
      %cond3A_86 = arith.constant 0 : i32
      %cond3A_87 = arith.cmpi ne, %convert_element_type3A_85, %cond3A_86 : i32
      scf.if %cond3A_87 {
        %add3A_98 = arith.constant 2 : i32
        %add3A_99 = arith.addi %add3A_70, %add3A_98 : i32
        %mul3A_100 = arith.constant 32 : i32
        %mul3A_101 = arith.muli %add3A_99, %mul3A_100 : i32
        %add3A_102 = arith.addi %mul3A_101, %add3A : i32
        %mul3A_103 = arith.constant 256 : i32
        %mul3A_104 = arith.muli %add3A_102, %mul3A_103 : i32
        %dma_start3A_105 = tpu.memref_slice %arg3[%mul3A_104] : memref<327680xi32, #tpu.memory_space<hbm>> -> memref<256xi32, #tpu.memory_space<hbm>>
        %dma_start3A_106 = tpu.memref_slice %arg3[%mul3A_104] : memref<327680xi32, #tpu.memory_space<hbm>> -> memref<256xi32, #tpu.memory_space<hbm>>
        tpu.enqueue_dma source(%dma_start3A_106 : memref<256xi32, #tpu.memory_space<hbm>>) target(%arg10 : memref<256xi32, #tpu.memory_space<vmem>>) target_semaphore(%arg12 : memref<!tpu.dma_semaphore, #tpu.memory_space<semaphore_mem>>)
      } else {
      }
      %mul3A_88 = arith.constant 32 : i32
      %mul3A_89 = arith.muli %add3A_70, %mul3A_88 : i32
      %add3A_90 = arith.addi %mul3A_89, %add3A : i32
      %mul3A_91 = arith.constant 256 : i32
      %mul3A_92 = arith.muli %add3A_90, %mul3A_91 : i32
      %dma_start3A_93 = arith.constant 0 : i32
      %dma_start3A_94 = tpu.memref_slice %arg4[%mul3A_92, %dma_start3A_93] : memref<327680x128xf32, #tpu.memory_space<hbm>> -> memref<256x128xf32, #tpu.memory_space<hbm>>
      %dma_start3A_95 = arith.constant 0 : i32
      %dma_start3A_96 = tpu.memref_slice %arg4[%mul3A_92, %dma_start3A_95] : memref<327680x128xf32, #tpu.memory_space<hbm>> -> memref<256x128xf32, #tpu.memory_space<hbm>>
      tpu.enqueue_dma source(%arg11 : memref<256x128xf32, #tpu.memory_space<vmem>>) target(%dma_start3A_96 : memref<256x128xf32, #tpu.memory_space<hbm>>) target_semaphore(%arg14 : memref<!tpu.dma_semaphore, #tpu.memory_space<semaphore_mem>>)
      %scan3A_97 = arith.constant 0 : i32
      scf.yield %scan3A_97 : i32
    }
    %scan3A_25 = arith.constant 20 : i32
    %add3A_26 = arith.constant 1216 : i32
    %add3A_27 = arith.addi %add3A_26, %add3A : i32
    %mul3A_28 = arith.constant 256 : i32
    %mul3A_29 = arith.muli %add3A_27, %mul3A_28 : i32
    %dma_wait3A_30 = arith.constant 0 : i32
    %dma_wait3A_31 = tpu.memref_slice %arg4[%mul3A_29, %dma_wait3A_30] : memref<327680x128xf32, #tpu.memory_space<hbm>> -> memref<256x128xf32, #tpu.memory_space<hbm>>
    %dma_wait3A_32 = arith.constant 0 : i32
    %dma_wait3A_33 = tpu.memref_slice %arg4[%mul3A_29, %dma_wait3A_32] : memref<327680x128xf32, #tpu.memory_space<hbm>> -> memref<256x128xf32, #tpu.memory_space<hbm>>
    tpu.wait_dma2 semaphore(%arg9 : memref<!tpu.dma_semaphore, #tpu.memory_space<semaphore_mem>>) src(%arg6 : memref<256x128xf32, #tpu.memory_space<vmem>>) dst(%dma_wait3A_33 : memref<256x128xf32, #tpu.memory_space<hbm>>)
    %add3A_34 = arith.constant 1248 : i32
    %add3A_35 = arith.addi %add3A_34, %add3A : i32
    %mul3A_36 = arith.constant 256 : i32
    %mul3A_37 = arith.muli %add3A_35, %mul3A_36 : i32
    %dma_wait3A_38 = arith.constant 0 : i32
    %dma_wait3A_39 = tpu.memref_slice %arg4[%mul3A_37, %dma_wait3A_38] : memref<327680x128xf32, #tpu.memory_space<hbm>> -> memref<256x128xf32, #tpu.memory_space<hbm>>
    %dma_wait3A_40 = arith.constant 0 : i32
    %dma_wait3A_41 = tpu.memref_slice %arg4[%mul3A_37, %dma_wait3A_40] : memref<327680x128xf32, #tpu.memory_space<hbm>> -> memref<256x128xf32, #tpu.memory_space<hbm>>
    tpu.wait_dma2 semaphore(%arg14 : memref<!tpu.dma_semaphore, #tpu.memory_space<semaphore_mem>>) src(%arg11 : memref<256x128xf32, #tpu.memory_space<vmem>>) dst(%dma_wait3A_41 : memref<256x128xf32, #tpu.memory_space<hbm>>)
    return
  }
}

module attributes {stable_mosaic.version = 14 : i64} {
  func.func @body(%arg0: i32, %arg1: memref<2000x16xf32, #tpu.memory_space<vmem>>, %arg2: memref<16x128xf32, #tpu.memory_space<vmem>>, %arg3: memref<2000x128xf32, #tpu.memory_space<vmem>>) attributes {dimension_semantics = [#tpu.dimension_semantics<arbitrary>], iteration_bounds = array<i64: 160>, scalar_prefetch = 0 : i64, scratch_operands = 0 : i64, tpu.core_type = #tpu.core_type<tc>, window_params = [{transform_indices = @transform_0, window_bounds = array<i64: 2000, 16>}, {pipeline_mode = #tpu.pipeline_mode<synchronous>, transform_indices = @transform_1, window_bounds = array<i64: 16, 128>}, {transform_indices = @transform_2, window_bounds = array<i64: 2000, 128>}]} {
    %get3A = arith.constant 0 : index
    %get3A_0 = arith.constant 0 : index
    %get3A_1 = vector.load %arg1[%get3A, %get3A_0] : memref<2000x16xf32, #tpu.memory_space<vmem>>, vector<2000x16xf32>
    %get3A_2 = arith.constant 0 : index
    %get3A_3 = arith.constant 0 : index
    %get3A_4 = vector.load %arg2[%get3A_2, %get3A_3] : memref<16x128xf32, #tpu.memory_space<vmem>>, vector<16x128xf32>
    %dot_general3A = arith.constant dense<0.000000e+00> : vector<2000x128xf32>
    %dot_general3A_5 = tpu.matmul %get3A_1, %get3A_4, %dot_general3A {dimension_numbers = #tpu.dot_dimension_numbers<[1], [0], [0], [1], [0, 0, 1, 1], [], []>, transpose_lhs_hint = false} : vector<2000x16xf32>, vector<16x128xf32>, vector<2000x128xf32> -> vector<2000x128xf32>
    %swap3A = arith.constant 0 : index
    %swap3A_6 = arith.constant 0 : index
    %swap3A_7 = vector.load %arg3[%swap3A, %swap3A_6] : memref<2000x128xf32, #tpu.memory_space<vmem>>, vector<2000x128xf32>
    tpu.vector_store %arg3[%swap3A, %swap3A_6], %dot_general3A_5 {strides = array<i32>} : memref<2000x128xf32, #tpu.memory_space<vmem>>, vector<2000x128xf32>,
    return
  }
  func.func @transform_0(%arg0: i32) -> (i32, i32) {
    %c0_i32 = arith.constant 0 : i32
    %c0_i32_0 = arith.constant 0 : i32
    return %arg0, %c0_i32 : i32, i32
  }
  func.func @transform_1(%arg0: i32) -> (i32, i32) {
    %c0_i32 = arith.constant 0 : i32
    %c0_i32_0 = arith.constant 0 : i32
    %c0_i32_1 = arith.constant 0 : i32
    return %c0_i32, %c0_i32_0 : i32, i32
  }
  func.func @transform_2(%arg0: i32) -> (i32, i32) {
    %c0_i32 = arith.constant 0 : i32
    %c0_i32_0 = arith.constant 0 : i32
    return %arg0, %c0_i32 : i32, i32
  }
}

module attributes {stable_mosaic.version = 14 : i64} {
  func.func @body(%arg0: i32, %arg1: memref<1000x128xf32, #tpu.memory_space<vmem>>, %arg2: memref<128x256xf32, #tpu.memory_space<vmem>>, %arg3: memref<1000x256xf32, #tpu.memory_space<vmem>>) attributes {dimension_semantics = [#tpu.dimension_semantics<arbitrary>], iteration_bounds = array<i64: 10>, scalar_prefetch = 0 : i64, scratch_operands = 0 : i64, tpu.core_type = #tpu.core_type<tc>, window_params = [{transform_indices = @transform_0, window_bounds = array<i64: 1000, 128>}, {pipeline_mode = #tpu.pipeline_mode<synchronous>, transform_indices = @transform_1, window_bounds = array<i64: 128, 256>}, {transform_indices = @transform_2, window_bounds = array<i64: 1000, 256>}]} {
    %get3A = arith.constant 0 : index
    %get3A_0 = arith.constant 0 : index
    %get3A_1 = vector.load %arg1[%get3A, %get3A_0] : memref<1000x128xf32, #tpu.memory_space<vmem>>, vector<1000x128xf32>
    %get3A_2 = arith.constant 0 : index
    %get3A_3 = arith.constant 0 : index
    %get3A_4 = vector.load %arg2[%get3A_2, %get3A_3] : memref<128x256xf32, #tpu.memory_space<vmem>>, vector<128x256xf32>
    %dot_general3A = arith.constant dense<0.000000e+00> : vector<1000x256xf32>
    %dot_general3A_5 = tpu.matmul %get3A_1, %get3A_4, %dot_general3A {dimension_numbers = #tpu.dot_dimension_numbers<[1], [0], [0], [1], [0, 0, 1, 1], [], []>, transpose_lhs_hint = false} : vector<1000x128xf32>, vector<128x256xf32>, vector<1000x256xf32> -> vector<1000x256xf32>
    %swap3A = arith.constant 0 : index
    %swap3A_6 = arith.constant 0 : index
    %swap3A_7 = vector.load %arg3[%swap3A, %swap3A_6] : memref<1000x256xf32, #tpu.memory_space<vmem>>, vector<1000x256xf32>
    tpu.vector_store %arg3[%swap3A, %swap3A_6], %dot_general3A_5 {strides = array<i32>} : memref<1000x256xf32, #tpu.memory_space<vmem>>, vector<1000x256xf32>,
    return
  }
  func.func @transform_0(%arg0: i32) -> (i32, i32) {
    %c0_i32 = arith.constant 0 : i32
    %c0_i32_0 = arith.constant 0 : i32
    return %arg0, %c0_i32 : i32, i32
  }
  func.func @transform_1(%arg0: i32) -> (i32, i32) {
    %c0_i32 = arith.constant 0 : i32
    %c0_i32_0 = arith.constant 0 : i32
    %c0_i32_1 = arith.constant 0 : i32
    return %c0_i32, %c0_i32_0 : i32, i32
  }
  func.func @transform_2(%arg0: i32) -> (i32, i32) {
    %c0_i32 = arith.constant 0 : i32
    %c0_i32_0 = arith.constant 0 : i32
    return %arg0, %c0_i32 : i32, i32
  }
}

module attributes {stable_mosaic.version = 14 : i64} {
  func.func @body(%arg0: i32, %arg1: memref<79xi32, #tpu.memory_space<smem>>, %arg2: memref<79xi32, #tpu.memory_space<smem>>, %arg3: memref<327680x128xf32, #tpu.memory_space<hbm>>, %arg4: memref<327680x128xf32, #tpu.memory_space<hbm>>, %arg5: memref<640x512xi32, #tpu.memory_space<hbm>>, %arg6: memref<128x128xf32, #tpu.memory_space<vmem>>, %arg7: memref<128x128xf32, #tpu.memory_space<vmem>>, %arg8: memref<2x512x128xf32, #tpu.memory_space<vmem>>, %arg9: memref<2x512x128xf32, #tpu.memory_space<vmem>>, %arg10: memref<2x512xi32, #tpu.memory_space<vmem>>, %arg11: memref<2x!tpu.dma_semaphore, #tpu.memory_space<semaphore_mem>>, %arg12: memref<2x!tpu.dma_semaphore, #tpu.memory_space<semaphore_mem>>, %arg13: memref<2x!tpu.dma_semaphore, #tpu.memory_space<semaphore_mem>>) attributes {dimension_semantics = [#tpu.dimension_semantics<arbitrary>], iteration_bounds = array<i64: 79>, scalar_prefetch = 0 : i64, scratch_operands = 6 : i64, tpu.core_type = #tpu.core_type<tc>, window_params = [{transform_indices = @transform_0, window_bounds = array<i64: 79>}, {transform_indices = @transform_1, window_bounds = array<i64: 79>}, {}, {}, {}, {transform_indices = @transform_5, window_bounds = array<i64: 128, 128>}, {transform_indices = @transform_6, window_bounds = array<i64: 128, 128>}]} {
    %get3A = arith.index_cast %arg0 : i32 to index
    %get3A_0 = memref.load %arg1[%get3A] : memref<79xi32, #tpu.memory_space<smem>>
    %get3A_1 = arith.index_cast %arg0 : i32 to index
    %get3A_2 = memref.load %arg2[%get3A_1] : memref<79xi32, #tpu.memory_space<smem>>
    %broadcast_in_dim3A = arith.constant 0.000000e+00 : f32
    %broadcast_in_dim3A_3 = vector.broadcast %broadcast_in_dim3A : f32 to vector<128x128xf32>
    %swap3A = arith.constant 0 : index
    %swap3A_4 = arith.constant 0 : index
    %swap3A_5 = vector.load %arg6[%swap3A, %swap3A_4] : memref<128x128xf32, #tpu.memory_space<vmem>>, vector<128x128xf32>
    tpu.vector_store %arg6[%swap3A, %swap3A_4], %broadcast_in_dim3A_3 {strides = array<i32>} : memref<128x128xf32, #tpu.memory_space<vmem>>, vector<128x128xf32>,
    %mul3A = arith.constant 128 : i32
    %mul3A_6 = arith.muli %arg0, %mul3A : i32
    %iota3A = tpu.iota {dimensions = array<i32: 0>} : vector<128x1xi32>
    %add3A = vector.broadcast %mul3A_6 : i32 to vector<128x1xi32>
    %add3A_7 = arith.addi %iota3A, %add3A : vector<128x1xi32>
    %lt3A = arith.cmpi slt, %get3A_0, %get3A_2 : i32
    %convert_element_type3A = arith.extui %lt3A : i1 to i32
    %cond3A = arith.constant 0 : i32
    %cond3A_8 = arith.cmpi ne, %convert_element_type3A, %cond3A : i32
    scf.if %cond3A_8 {
      %mul3A_28 = arith.constant 512 : i32
      %mul3A_29 = arith.muli %get3A_0, %mul3A_28 : i32
      %dma_start3A = arith.constant 0 : i32
      %dma_start3A_30 = arith.constant 0 : i32
      %dma_start3A_31 = tpu.memref_slice %arg11[%dma_start3A_30] : memref<2x!tpu.dma_semaphore, #tpu.memory_space<semaphore_mem>> -> memref<1x!tpu.dma_semaphore, #tpu.memory_space<semaphore_mem>>
      %dma_start3A_32 = tpu.memref_squeeze %dma_start3A_31 : memref<1x!tpu.dma_semaphore, #tpu.memory_space<semaphore_mem>> -> memref<!tpu.dma_semaphore, #tpu.memory_space<semaphore_mem>>
      %dma_start3A_33 = arith.constant 0 : i32
      %dma_start3A_34 = arith.constant 0 : i32
      %dma_start3A_35 = tpu.memref_slice %arg8[%dma_start3A, %dma_start3A_33, %dma_start3A_34] : memref<2x512x128xf32, #tpu.memory_space<vmem>> -> memref<1x512x128xf32, #tpu.memory_space<vmem>>
      %dma_start3A_36 = tpu.memref_squeeze %dma_start3A_35 : memref<1x512x128xf32, #tpu.memory_space<vmem>> -> memref<512x128xf32, #tpu.memory_space<vmem>>
      %dma_start3A_37 = arith.constant 0 : i32
      %dma_start3A_38 = tpu.memref_slice %arg3[%mul3A_29, %dma_start3A_37] : memref<327680x128xf32, #tpu.memory_space<hbm>> -> memref<512x128xf32, #tpu.memory_space<hbm>>
      tpu.enqueue_dma source(%dma_start3A_38 : memref<512x128xf32, #tpu.memory_space<hbm>>) target(%dma_start3A_36 : memref<512x128xf32, #tpu.memory_space<vmem>>) target_semaphore(%dma_start3A_32 : memref<!tpu.dma_semaphore, #tpu.memory_space<semaphore_mem>>)
      %mul3A_39 = arith.constant 512 : i32
      %mul3A_40 = arith.muli %get3A_0, %mul3A_39 : i32
      %dma_start3A_41 = arith.constant 0 : i32
      %dma_start3A_42 = arith.constant 0 : i32
      %dma_start3A_43 = tpu.memref_slice %arg12[%dma_start3A_42] : memref<2x!tpu.dma_semaphore, #tpu.memory_space<semaphore_mem>> -> memref<1x!tpu.dma_semaphore, #tpu.memory_space<semaphore_mem>>
      %dma_start3A_44 = tpu.memref_squeeze %dma_start3A_43 : memref<1x!tpu.dma_semaphore, #tpu.memory_space<semaphore_mem>> -> memref<!tpu.dma_semaphore, #tpu.memory_space<semaphore_mem>>
      %dma_start3A_45 = arith.constant 0 : i32
      %dma_start3A_46 = arith.constant 0 : i32
      %dma_start3A_47 = tpu.memref_slice %arg9[%dma_start3A_41, %dma_start3A_45, %dma_start3A_46] : memref<2x512x128xf32, #tpu.memory_space<vmem>> -> memref<1x512x128xf32, #tpu.memory_space<vmem>>
      %dma_start3A_48 = tpu.memref_squeeze %dma_start3A_47 : memref<1x512x128xf32, #tpu.memory_space<vmem>> -> memref<512x128xf32, #tpu.memory_space<vmem>>
      %dma_start3A_49 = arith.constant 0 : i32
      %dma_start3A_50 = tpu.memref_slice %arg4[%mul3A_40, %dma_start3A_49] : memref<327680x128xf32, #tpu.memory_space<hbm>> -> memref<512x128xf32, #tpu.memory_space<hbm>>
      tpu.enqueue_dma source(%dma_start3A_50 : memref<512x128xf32, #tpu.memory_space<hbm>>) target(%dma_start3A_48 : memref<512x128xf32, #tpu.memory_space<vmem>>) target_semaphore(%dma_start3A_44 : memref<!tpu.dma_semaphore, #tpu.memory_space<semaphore_mem>>)
      %dma_start3A_51 = arith.constant 0 : i32
      %dma_start3A_52 = arith.constant 0 : i32
      %dma_start3A_53 = tpu.memref_slice %arg13[%dma_start3A_52] : memref<2x!tpu.dma_semaphore, #tpu.memory_space<semaphore_mem>> -> memref<1x!tpu.dma_semaphore, #tpu.memory_space<semaphore_mem>>
      %dma_start3A_54 = tpu.memref_squeeze %dma_start3A_53 : memref<1x!tpu.dma_semaphore, #tpu.memory_space<semaphore_mem>> -> memref<!tpu.dma_semaphore, #tpu.memory_space<semaphore_mem>>
      %dma_start3A_55 = arith.constant 0 : i32
      %dma_start3A_56 = tpu.memref_slice %arg10[%dma_start3A_51, %dma_start3A_55] : memref<2x512xi32, #tpu.memory_space<vmem>> -> memref<1x512xi32, #tpu.memory_space<vmem>>
      %dma_start3A_57 = tpu.memref_squeeze %dma_start3A_56 : memref<1x512xi32, #tpu.memory_space<vmem>> -> memref<512xi32, #tpu.memory_space<vmem>>
      %dma_start3A_58 = arith.constant 0 : i32
      %dma_start3A_59 = tpu.memref_slice %arg5[%get3A_0, %dma_start3A_58] : memref<640x512xi32, #tpu.memory_space<hbm>> -> memref<1x512xi32, #tpu.memory_space<hbm>>
      %dma_start3A_60 = tpu.memref_squeeze %dma_start3A_59 : memref<1x512xi32, #tpu.memory_space<hbm>> -> memref<512xi32, #tpu.memory_space<hbm>>
      tpu.enqueue_dma source(%dma_start3A_60 : memref<512xi32, #tpu.memory_space<hbm>>) target(%dma_start3A_57 : memref<512xi32, #tpu.memory_space<vmem>>) target_semaphore(%dma_start3A_54 : memref<!tpu.dma_semaphore, #tpu.memory_space<semaphore_mem>>)
    } else {
    }
    %broadcast_in_dim3A_9 = arith.constant 0.000000e+00 : f32
    %broadcast_in_dim3A_10 = vector.broadcast %broadcast_in_dim3A_9 : f32 to vector<128xf32>
    %while3A = arith.subi %get3A_2, %get3A_0 : i32
    %while3A_11 = arith.addi %get3A_0, %while3A : i32
    %while3A_12 = arith.constant 1 : i32
    %while3A_13 = arith.divsi %while3A, %while3A_12 : i32
    %while3A_14 = arith.muli %while3A_13, %while3A_12 : i32
    %while3A_15 = arith.addi %get3A_0, %while3A_14 : i32
    %while3A_16 = arith.constant 1 : i32
    %while3A_17 = scf.for %while3A_28 = %get3A_0 to %while3A_15 step %while3A_16 iter_args(%while3A_29 = %broadcast_in_dim3A_10) -> (vector<128xf32>)  : i32 {
      %sub3A = arith.subi %while3A_28, %get3A_0 : i32
      %rem3A = arith.constant 2 : i32
      %rem3A_30 = arith.remsi %sub3A, %rem3A : i32
      %add3A_31 = arith.constant 1 : i32
      %add3A_32 = arith.addi %while3A_28, %add3A_31 : i32
      %lt3A_33 = arith.cmpi slt, %add3A_32, %get3A_2 : i32
      %convert_element_type3A_34 = arith.extui %lt3A_33 : i1 to i32
      %cond3A_35 = arith.constant 0 : i32
      %cond3A_36 = arith.cmpi ne, %convert_element_type3A_34, %cond3A_35 : i32
      scf.if %cond3A_36 {
        %add3A_94 = arith.constant 1 : i32
        %add3A_95 = arith.addi %while3A_28, %add3A_94 : i32
        %sub3A_96 = arith.constant 1 : i32
        %sub3A_97 = arith.subi %sub3A_96, %rem3A_30 : i32
        %mul3A_98 = arith.constant 512 : i32
        %mul3A_99 = arith.muli %add3A_95, %mul3A_98 : i32
        %dma_start3A = tpu.memref_slice %arg11[%sub3A_97] : memref<2x!tpu.dma_semaphore, #tpu.memory_space<semaphore_mem>> -> memref<1x!tpu.dma_semaphore, #tpu.memory_space<semaphore_mem>>
        %dma_start3A_100 = tpu.memref_squeeze %dma_start3A : memref<1x!tpu.dma_semaphore, #tpu.memory_space<semaphore_mem>> -> memref<!tpu.dma_semaphore, #tpu.memory_space<semaphore_mem>>
        %dma_start3A_101 = arith.constant 0 : i32
        %dma_start3A_102 = arith.constant 0 : i32
        %dma_start3A_103 = tpu.memref_slice %arg8[%sub3A_97, %dma_start3A_101, %dma_start3A_102] : memref<2x512x128xf32, #tpu.memory_space<vmem>> -> memref<1x512x128xf32, #tpu.memory_space<vmem>>
        %dma_start3A_104 = tpu.memref_squeeze %dma_start3A_103 : memref<1x512x128xf32, #tpu.memory_space<vmem>> -> memref<512x128xf32, #tpu.memory_space<vmem>>
        %dma_start3A_105 = arith.constant 0 : i32
        %dma_start3A_106 = tpu.memref_slice %arg3[%mul3A_99, %dma_start3A_105] : memref<327680x128xf32, #tpu.memory_space<hbm>> -> memref<512x128xf32, #tpu.memory_space<hbm>>
        tpu.enqueue_dma source(%dma_start3A_106 : memref<512x128xf32, #tpu.memory_space<hbm>>) target(%dma_start3A_104 : memref<512x128xf32, #tpu.memory_space<vmem>>) target_semaphore(%dma_start3A_100 : memref<!tpu.dma_semaphore, #tpu.memory_space<semaphore_mem>>)
        %mul3A_107 = arith.constant 512 : i32
        %mul3A_108 = arith.muli %add3A_95, %mul3A_107 : i32
        %dma_start3A_109 = tpu.memref_slice %arg12[%sub3A_97] : memref<2x!tpu.dma_semaphore, #tpu.memory_space<semaphore_mem>> -> memref<1x!tpu.dma_semaphore, #tpu.memory_space<semaphore_mem>>
        %dma_start3A_110 = tpu.memref_squeeze %dma_start3A_109 : memref<1x!tpu.dma_semaphore, #tpu.memory_space<semaphore_mem>> -> memref<!tpu.dma_semaphore, #tpu.memory_space<semaphore_mem>>
        %dma_start3A_111 = arith.constant 0 : i32
        %dma_start3A_112 = arith.constant 0 : i32
        %dma_start3A_113 = tpu.memref_slice %arg9[%sub3A_97, %dma_start3A_111, %dma_start3A_112] : memref<2x512x128xf32, #tpu.memory_space<vmem>> -> memref<1x512x128xf32, #tpu.memory_space<vmem>>
        %dma_start3A_114 = tpu.memref_squeeze %dma_start3A_113 : memref<1x512x128xf32, #tpu.memory_space<vmem>> -> memref<512x128xf32, #tpu.memory_space<vmem>>
        %dma_start3A_115 = arith.constant 0 : i32
        %dma_start3A_116 = tpu.memref_slice %arg4[%mul3A_108, %dma_start3A_115] : memref<327680x128xf32, #tpu.memory_space<hbm>> -> memref<512x128xf32, #tpu.memory_space<hbm>>
        tpu.enqueue_dma source(%dma_start3A_116 : memref<512x128xf32, #tpu.memory_space<hbm>>) target(%dma_start3A_114 : memref<512x128xf32, #tpu.memory_space<vmem>>) target_semaphore(%dma_start3A_110 : memref<!tpu.dma_semaphore, #tpu.memory_space<semaphore_mem>>)
        %dma_start3A_117 = tpu.memref_slice %arg13[%sub3A_97] : memref<2x!tpu.dma_semaphore, #tpu.memory_space<semaphore_mem>> -> memref<1x!tpu.dma_semaphore, #tpu.memory_space<semaphore_mem>>
        %dma_start3A_118 = tpu.memref_squeeze %dma_start3A_117 : memref<1x!tpu.dma_semaphore, #tpu.memory_space<semaphore_mem>> -> memref<!tpu.dma_semaphore, #tpu.memory_space<semaphore_mem>>
        %dma_start3A_119 = arith.constant 0 : i32
        %dma_start3A_120 = tpu.memref_slice %arg10[%sub3A_97, %dma_start3A_119] : memref<2x512xi32, #tpu.memory_space<vmem>> -> memref<1x512xi32, #tpu.memory_space<vmem>>
        %dma_start3A_121 = tpu.memref_squeeze %dma_start3A_120 : memref<1x512xi32, #tpu.memory_space<vmem>> -> memref<512xi32, #tpu.memory_space<vmem>>
        %dma_start3A_122 = arith.constant 0 : i32
        %dma_start3A_123 = tpu.memref_slice %arg5[%add3A_95, %dma_start3A_122] : memref<640x512xi32, #tpu.memory_space<hbm>> -> memref<1x512xi32, #tpu.memory_space<hbm>>
        %dma_start3A_124 = tpu.memref_squeeze %dma_start3A_123 : memref<1x512xi32, #tpu.memory_space<hbm>> -> memref<512xi32, #tpu.memory_space<hbm>>
        tpu.enqueue_dma source(%dma_start3A_124 : memref<512xi32, #tpu.memory_space<hbm>>) target(%dma_start3A_121 : memref<512xi32, #tpu.memory_space<vmem>>) target_semaphore(%dma_start3A_118 : memref<!tpu.dma_semaphore, #tpu.memory_space<semaphore_mem>>)
      } else {
      }
      %mul3A_37 = arith.constant 512 : i32
      %mul3A_38 = arith.muli %while3A_28, %mul3A_37 : i32
      %dma_wait3A = tpu.memref_slice %arg11[%rem3A_30] : memref<2x!tpu.dma_semaphore, #tpu.memory_space<semaphore_mem>> -> memref<1x!tpu.dma_semaphore, #tpu.memory_space<semaphore_mem>>
      %dma_wait3A_39 = tpu.memref_squeeze %dma_wait3A : memref<1x!tpu.dma_semaphore, #tpu.memory_space<semaphore_mem>> -> memref<!tpu.dma_semaphore, #tpu.memory_space<semaphore_mem>>
      %dma_wait3A_40 = arith.constant 0 : i32
      %dma_wait3A_41 = arith.constant 0 : i32
      %dma_wait3A_42 = tpu.memref_slice %arg8[%rem3A_30, %dma_wait3A_40, %dma_wait3A_41] : memref<2x512x128xf32, #tpu.memory_space<vmem>> -> memref<1x512x128xf32, #tpu.memory_space<vmem>>
      %dma_wait3A_43 = tpu.memref_squeeze %dma_wait3A_42 : memref<1x512x128xf32, #tpu.memory_space<vmem>> -> memref<512x128xf32, #tpu.memory_space<vmem>>
      %dma_wait3A_44 = arith.constant 0 : i32
      %dma_wait3A_45 = tpu.memref_slice %arg3[%mul3A_38, %dma_wait3A_44] : memref<327680x128xf32, #tpu.memory_space<hbm>> -> memref<512x128xf32, #tpu.memory_space<hbm>>
      tpu.wait_dma2 semaphore(%dma_wait3A_39 : memref<!tpu.dma_semaphore, #tpu.memory_space<semaphore_mem>>) src(%dma_wait3A_45 : memref<512x128xf32, #tpu.memory_space<hbm>>) dst(%dma_wait3A_43 : memref<512x128xf32, #tpu.memory_space<vmem>>)
      %mul3A_46 = arith.constant 512 : i32
      %mul3A_47 = arith.muli %while3A_28, %mul3A_46 : i32
      %dma_wait3A_48 = tpu.memref_slice %arg12[%rem3A_30] : memref<2x!tpu.dma_semaphore, #tpu.memory_space<semaphore_mem>> -> memref<1x!tpu.dma_semaphore, #tpu.memory_space<semaphore_mem>>
      %dma_wait3A_49 = tpu.memref_squeeze %dma_wait3A_48 : memref<1x!tpu.dma_semaphore, #tpu.memory_space<semaphore_mem>> -> memref<!tpu.dma_semaphore, #tpu.memory_space<semaphore_mem>>
      %dma_wait3A_50 = arith.constant 0 : i32
      %dma_wait3A_51 = arith.constant 0 : i32
      %dma_wait3A_52 = tpu.memref_slice %arg9[%rem3A_30, %dma_wait3A_50, %dma_wait3A_51] : memref<2x512x128xf32, #tpu.memory_space<vmem>> -> memref<1x512x128xf32, #tpu.memory_space<vmem>>
      %dma_wait3A_53 = tpu.memref_squeeze %dma_wait3A_52 : memref<1x512x128xf32, #tpu.memory_space<vmem>> -> memref<512x128xf32, #tpu.memory_space<vmem>>
      %dma_wait3A_54 = arith.constant 0 : i32
      %dma_wait3A_55 = tpu.memref_slice %arg4[%mul3A_47, %dma_wait3A_54] : memref<327680x128xf32, #tpu.memory_space<hbm>> -> memref<512x128xf32, #tpu.memory_space<hbm>>
      tpu.wait_dma2 semaphore(%dma_wait3A_49 : memref<!tpu.dma_semaphore, #tpu.memory_space<semaphore_mem>>) src(%dma_wait3A_55 : memref<512x128xf32, #tpu.memory_space<hbm>>) dst(%dma_wait3A_53 : memref<512x128xf32, #tpu.memory_space<vmem>>)
      %dma_wait3A_56 = tpu.memref_slice %arg13[%rem3A_30] : memref<2x!tpu.dma_semaphore, #tpu.memory_space<semaphore_mem>> -> memref<1x!tpu.dma_semaphore, #tpu.memory_space<semaphore_mem>>
      %dma_wait3A_57 = tpu.memref_squeeze %dma_wait3A_56 : memref<1x!tpu.dma_semaphore, #tpu.memory_space<semaphore_mem>> -> memref<!tpu.dma_semaphore, #tpu.memory_space<semaphore_mem>>
      %dma_wait3A_58 = arith.constant 0 : i32
      %dma_wait3A_59 = tpu.memref_slice %arg10[%rem3A_30, %dma_wait3A_58] : memref<2x512xi32, #tpu.memory_space<vmem>> -> memref<1x512xi32, #tpu.memory_space<vmem>>
      %dma_wait3A_60 = tpu.memref_squeeze %dma_wait3A_59 : memref<1x512xi32, #tpu.memory_space<vmem>> -> memref<512xi32, #tpu.memory_space<vmem>>
      %dma_wait3A_61 = arith.constant 0 : i32
      %dma_wait3A_62 = tpu.memref_slice %arg5[%while3A_28, %dma_wait3A_61] : memref<640x512xi32, #tpu.memory_space<hbm>> -> memref<1x512xi32, #tpu.memory_space<hbm>>
      %dma_wait3A_63 = tpu.memref_squeeze %dma_wait3A_62 : memref<1x512xi32, #tpu.memory_space<hbm>> -> memref<512xi32, #tpu.memory_space<hbm>>
      tpu.wait_dma2 semaphore(%dma_wait3A_57 : memref<!tpu.dma_semaphore, #tpu.memory_space<semaphore_mem>>) src(%dma_wait3A_63 : memref<512xi32, #tpu.memory_space<hbm>>) dst(%dma_wait3A_60 : memref<512xi32, #tpu.memory_space<vmem>>)
      %get3A_64 = arith.index_cast %rem3A_30 : i32 to index
      %get3A_65 = arith.constant 0 : index
      %get3A_66 = vector.load %arg10[%get3A_64, %get3A_65] : memref<2x512xi32, #tpu.memory_space<vmem>>, vector<1x512xi32>
      %get3A_67 = vector.shape_cast %get3A_66 : vector<1x512xi32> to vector<512xi32>
      %broadcast_in_dim3A_68 = vector.shape_cast %get3A_67 : vector<512xi32> to vector<1x512xi32>
      %eq3A = vector.broadcast %broadcast_in_dim3A_68 : vector<1x512xi32> to vector<128x512xi32>
      %eq3A_69 = vector.broadcast %add3A_7 : vector<128x1xi32> to vector<128x512xi32>
      %eq3A_70 = arith.cmpi eq, %eq3A, %eq3A_69 : vector<128x512xi32>
      %convert_element_type3A_71 = arith.extui %eq3A_70 : vector<128x512xi1> to vector<128x512xi32>
      %convert_element_type3A_72 = arith.sitofp %convert_element_type3A_71 : vector<128x512xi32> to vector<128x512xf32>
      %get3A_73 = arith.index_cast %rem3A_30 : i32 to index
      %get3A_74 = arith.constant 0 : index
      %get3A_75 = arith.constant 0 : index
      %get3A_76 = vector.load %arg8[%get3A_73, %get3A_74, %get3A_75] : memref<2x512x128xf32, #tpu.memory_space<vmem>>, vector<1x512x128xf32>
      %get3A_77 = vector.shape_cast %get3A_76 : vector<1x512x128xf32> to vector<512x128xf32>
      %get3A_78 = arith.index_cast %rem3A_30 : i32 to index
      %get3A_79 = arith.constant 0 : index
      %get3A_80 = arith.constant 0 : index
      %get3A_81 = vector.load %arg9[%get3A_78, %get3A_79, %get3A_80] : memref<2x512x128xf32, #tpu.memory_space<vmem>>, vector<1x512x128xf32>
      %get3A_82 = vector.shape_cast %get3A_81 : vector<1x512x128xf32> to vector<512x128xf32>
      %add3A_83 = arith.addf %get3A_77, %get3A_82 : vector<512x128xf32>
      %get3A_84 = arith.constant 0 : index
      %get3A_85 = arith.constant 0 : index
      %get3A_86 = vector.load %arg6[%get3A_84, %get3A_85] : memref<128x128xf32, #tpu.memory_space<vmem>>, vector<128x128xf32>
      %dot_general3A = arith.constant dense<0.000000e+00> : vector<128x128xf32>
      %dot_general3A_87 = tpu.matmul %convert_element_type3A_72, %add3A_83, %dot_general3A {dimension_numbers = #tpu.dot_dimension_numbers<[1], [0], [0], [1], [0, 0, 1, 1], [], []>, transpose_lhs_hint = false} : vector<128x512xf32>, vector<512x128xf32>, vector<128x128xf32> -> vector<128x128xf32>
      %add3A_88 = arith.addf %get3A_86, %dot_general3A_87 : vector<128x128xf32>
      %swap3A_89 = arith.constant 0 : index
      %swap3A_90 = arith.constant 0 : index
      %swap3A_91 = vector.load %arg6[%swap3A_89, %swap3A_90] : memref<128x128xf32, #tpu.memory_space<vmem>>, vector<128x128xf32>
      tpu.vector_store %arg6[%swap3A_89, %swap3A_90], %add3A_88 {strides = array<i32>} : memref<128x128xf32, #tpu.memory_space<vmem>>, vector<128x128xf32>,
      %reduce_sum3A = arith.constant dense<0.000000e+00> : vector<128xf32>
      %reduce_sum3A_92 = vector.multi_reduction <add>, %convert_element_type3A_72, %reduce_sum3A [1] : vector<128x512xf32> to vector<128xf32>
      %add3A_93 = arith.addf %while3A_29, %reduce_sum3A_92 : vector<128xf32>
      scf.yield %add3A_93 : vector<128xf32>
    }
    %while3A_18 = arith.constant 1 : i32
    %while3A_19 = scf.for %while3A_28 = %while3A_15 to %while3A_11 step %while3A_18 iter_args(%while3A_29 = %while3A_17) -> (vector<128xf32>)  : i32 {
      %sub3A = arith.subi %while3A_28, %get3A_0 : i32
      %rem3A = arith.constant 2 : i32
      %rem3A_30 = arith.remsi %sub3A, %rem3A : i32
      %add3A_31 = arith.constant 1 : i32
      %add3A_32 = arith.addi %while3A_28, %add3A_31 : i32
      %lt3A_33 = arith.cmpi slt, %add3A_32, %get3A_2 : i32
      %convert_element_type3A_34 = arith.extui %lt3A_33 : i1 to i32
      %cond3A_35 = arith.constant 0 : i32
      %cond3A_36 = arith.cmpi ne, %convert_element_type3A_34, %cond3A_35 : i32
      scf.if %cond3A_36 {
        %add3A_94 = arith.constant 1 : i32
        %add3A_95 = arith.addi %while3A_28, %add3A_94 : i32
        %sub3A_96 = arith.constant 1 : i32
        %sub3A_97 = arith.subi %sub3A_96, %rem3A_30 : i32
        %mul3A_98 = arith.constant 512 : i32
        %mul3A_99 = arith.muli %add3A_95, %mul3A_98 : i32
        %dma_start3A = tpu.memref_slice %arg11[%sub3A_97] : memref<2x!tpu.dma_semaphore, #tpu.memory_space<semaphore_mem>> -> memref<1x!tpu.dma_semaphore, #tpu.memory_space<semaphore_mem>>
        %dma_start3A_100 = tpu.memref_squeeze %dma_start3A : memref<1x!tpu.dma_semaphore, #tpu.memory_space<semaphore_mem>> -> memref<!tpu.dma_semaphore, #tpu.memory_space<semaphore_mem>>
        %dma_start3A_101 = arith.constant 0 : i32
        %dma_start3A_102 = arith.constant 0 : i32
        %dma_start3A_103 = tpu.memref_slice %arg8[%sub3A_97, %dma_start3A_101, %dma_start3A_102] : memref<2x512x128xf32, #tpu.memory_space<vmem>> -> memref<1x512x128xf32, #tpu.memory_space<vmem>>
        %dma_start3A_104 = tpu.memref_squeeze %dma_start3A_103 : memref<1x512x128xf32, #tpu.memory_space<vmem>> -> memref<512x128xf32, #tpu.memory_space<vmem>>
        %dma_start3A_105 = arith.constant 0 : i32
        %dma_start3A_106 = tpu.memref_slice %arg3[%mul3A_99, %dma_start3A_105] : memref<327680x128xf32, #tpu.memory_space<hbm>> -> memref<512x128xf32, #tpu.memory_space<hbm>>
        tpu.enqueue_dma source(%dma_start3A_106 : memref<512x128xf32, #tpu.memory_space<hbm>>) target(%dma_start3A_104 : memref<512x128xf32, #tpu.memory_space<vmem>>) target_semaphore(%dma_start3A_100 : memref<!tpu.dma_semaphore, #tpu.memory_space<semaphore_mem>>)
        %mul3A_107 = arith.constant 512 : i32
        %mul3A_108 = arith.muli %add3A_95, %mul3A_107 : i32
        %dma_start3A_109 = tpu.memref_slice %arg12[%sub3A_97] : memref<2x!tpu.dma_semaphore, #tpu.memory_space<semaphore_mem>> -> memref<1x!tpu.dma_semaphore, #tpu.memory_space<semaphore_mem>>
        %dma_start3A_110 = tpu.memref_squeeze %dma_start3A_109 : memref<1x!tpu.dma_semaphore, #tpu.memory_space<semaphore_mem>> -> memref<!tpu.dma_semaphore, #tpu.memory_space<semaphore_mem>>
        %dma_start3A_111 = arith.constant 0 : i32
        %dma_start3A_112 = arith.constant 0 : i32
        %dma_start3A_113 = tpu.memref_slice %arg9[%sub3A_97, %dma_start3A_111, %dma_start3A_112] : memref<2x512x128xf32, #tpu.memory_space<vmem>> -> memref<1x512x128xf32, #tpu.memory_space<vmem>>
        %dma_start3A_114 = tpu.memref_squeeze %dma_start3A_113 : memref<1x512x128xf32, #tpu.memory_space<vmem>> -> memref<512x128xf32, #tpu.memory_space<vmem>>
        %dma_start3A_115 = arith.constant 0 : i32
        %dma_start3A_116 = tpu.memref_slice %arg4[%mul3A_108, %dma_start3A_115] : memref<327680x128xf32, #tpu.memory_space<hbm>> -> memref<512x128xf32, #tpu.memory_space<hbm>>
        tpu.enqueue_dma source(%dma_start3A_116 : memref<512x128xf32, #tpu.memory_space<hbm>>) target(%dma_start3A_114 : memref<512x128xf32, #tpu.memory_space<vmem>>) target_semaphore(%dma_start3A_110 : memref<!tpu.dma_semaphore, #tpu.memory_space<semaphore_mem>>)
        %dma_start3A_117 = tpu.memref_slice %arg13[%sub3A_97] : memref<2x!tpu.dma_semaphore, #tpu.memory_space<semaphore_mem>> -> memref<1x!tpu.dma_semaphore, #tpu.memory_space<semaphore_mem>>
        %dma_start3A_118 = tpu.memref_squeeze %dma_start3A_117 : memref<1x!tpu.dma_semaphore, #tpu.memory_space<semaphore_mem>> -> memref<!tpu.dma_semaphore, #tpu.memory_space<semaphore_mem>>
        %dma_start3A_119 = arith.constant 0 : i32
        %dma_start3A_120 = tpu.memref_slice %arg10[%sub3A_97, %dma_start3A_119] : memref<2x512xi32, #tpu.memory_space<vmem>> -> memref<1x512xi32, #tpu.memory_space<vmem>>
        %dma_start3A_121 = tpu.memref_squeeze %dma_start3A_120 : memref<1x512xi32, #tpu.memory_space<vmem>> -> memref<512xi32, #tpu.memory_space<vmem>>
        %dma_start3A_122 = arith.constant 0 : i32
        %dma_start3A_123 = tpu.memref_slice %arg5[%add3A_95, %dma_start3A_122] : memref<640x512xi32, #tpu.memory_space<hbm>> -> memref<1x512xi32, #tpu.memory_space<hbm>>
        %dma_start3A_124 = tpu.memref_squeeze %dma_start3A_123 : memref<1x512xi32, #tpu.memory_space<hbm>> -> memref<512xi32, #tpu.memory_space<hbm>>
        tpu.enqueue_dma source(%dma_start3A_124 : memref<512xi32, #tpu.memory_space<hbm>>) target(%dma_start3A_121 : memref<512xi32, #tpu.memory_space<vmem>>) target_semaphore(%dma_start3A_118 : memref<!tpu.dma_semaphore, #tpu.memory_space<semaphore_mem>>)
      } else {
      }
      %mul3A_37 = arith.constant 512 : i32
      %mul3A_38 = arith.muli %while3A_28, %mul3A_37 : i32
      %dma_wait3A = tpu.memref_slice %arg11[%rem3A_30] : memref<2x!tpu.dma_semaphore, #tpu.memory_space<semaphore_mem>> -> memref<1x!tpu.dma_semaphore, #tpu.memory_space<semaphore_mem>>
      %dma_wait3A_39 = tpu.memref_squeeze %dma_wait3A : memref<1x!tpu.dma_semaphore, #tpu.memory_space<semaphore_mem>> -> memref<!tpu.dma_semaphore, #tpu.memory_space<semaphore_mem>>
      %dma_wait3A_40 = arith.constant 0 : i32
      %dma_wait3A_41 = arith.constant 0 : i32
      %dma_wait3A_42 = tpu.memref_slice %arg8[%rem3A_30, %dma_wait3A_40, %dma_wait3A_41] : memref<2x512x128xf32, #tpu.memory_space<vmem>> -> memref<1x512x128xf32, #tpu.memory_space<vmem>>
      %dma_wait3A_43 = tpu.memref_squeeze %dma_wait3A_42 : memref<1x512x128xf32, #tpu.memory_space<vmem>> -> memref<512x128xf32, #tpu.memory_space<vmem>>
      %dma_wait3A_44 = arith.constant 0 : i32
      %dma_wait3A_45 = tpu.memref_slice %arg3[%mul3A_38, %dma_wait3A_44] : memref<327680x128xf32, #tpu.memory_space<hbm>> -> memref<512x128xf32, #tpu.memory_space<hbm>>
      tpu.wait_dma2 semaphore(%dma_wait3A_39 : memref<!tpu.dma_semaphore, #tpu.memory_space<semaphore_mem>>) src(%dma_wait3A_45 : memref<512x128xf32, #tpu.memory_space<hbm>>) dst(%dma_wait3A_43 : memref<512x128xf32, #tpu.memory_space<vmem>>)
      %mul3A_46 = arith.constant 512 : i32
      %mul3A_47 = arith.muli %while3A_28, %mul3A_46 : i32
      %dma_wait3A_48 = tpu.memref_slice %arg12[%rem3A_30] : memref<2x!tpu.dma_semaphore, #tpu.memory_space<semaphore_mem>> -> memref<1x!tpu.dma_semaphore, #tpu.memory_space<semaphore_mem>>
      %dma_wait3A_49 = tpu.memref_squeeze %dma_wait3A_48 : memref<1x!tpu.dma_semaphore, #tpu.memory_space<semaphore_mem>> -> memref<!tpu.dma_semaphore, #tpu.memory_space<semaphore_mem>>
      %dma_wait3A_50 = arith.constant 0 : i32
      %dma_wait3A_51 = arith.constant 0 : i32
      %dma_wait3A_52 = tpu.memref_slice %arg9[%rem3A_30, %dma_wait3A_50, %dma_wait3A_51] : memref<2x512x128xf32, #tpu.memory_space<vmem>> -> memref<1x512x128xf32, #tpu.memory_space<vmem>>
      %dma_wait3A_53 = tpu.memref_squeeze %dma_wait3A_52 : memref<1x512x128xf32, #tpu.memory_space<vmem>> -> memref<512x128xf32, #tpu.memory_space<vmem>>
      %dma_wait3A_54 = arith.constant 0 : i32
      %dma_wait3A_55 = tpu.memref_slice %arg4[%mul3A_47, %dma_wait3A_54] : memref<327680x128xf32, #tpu.memory_space<hbm>> -> memref<512x128xf32, #tpu.memory_space<hbm>>
      tpu.wait_dma2 semaphore(%dma_wait3A_49 : memref<!tpu.dma_semaphore, #tpu.memory_space<semaphore_mem>>) src(%dma_wait3A_55 : memref<512x128xf32, #tpu.memory_space<hbm>>) dst(%dma_wait3A_53 : memref<512x128xf32, #tpu.memory_space<vmem>>)
      %dma_wait3A_56 = tpu.memref_slice %arg13[%rem3A_30] : memref<2x!tpu.dma_semaphore, #tpu.memory_space<semaphore_mem>> -> memref<1x!tpu.dma_semaphore, #tpu.memory_space<semaphore_mem>>
      %dma_wait3A_57 = tpu.memref_squeeze %dma_wait3A_56 : memref<1x!tpu.dma_semaphore, #tpu.memory_space<semaphore_mem>> -> memref<!tpu.dma_semaphore, #tpu.memory_space<semaphore_mem>>
      %dma_wait3A_58 = arith.constant 0 : i32
      %dma_wait3A_59 = tpu.memref_slice %arg10[%rem3A_30, %dma_wait3A_58] : memref<2x512xi32, #tpu.memory_space<vmem>> -> memref<1x512xi32, #tpu.memory_space<vmem>>
      %dma_wait3A_60 = tpu.memref_squeeze %dma_wait3A_59 : memref<1x512xi32, #tpu.memory_space<vmem>> -> memref<512xi32, #tpu.memory_space<vmem>>
      %dma_wait3A_61 = arith.constant 0 : i32
      %dma_wait3A_62 = tpu.memref_slice %arg5[%while3A_28, %dma_wait3A_61] : memref<640x512xi32, #tpu.memory_space<hbm>> -> memref<1x512xi32, #tpu.memory_space<hbm>>
      %dma_wait3A_63 = tpu.memref_squeeze %dma_wait3A_62 : memref<1x512xi32, #tpu.memory_space<hbm>> -> memref<512xi32, #tpu.memory_space<hbm>>
      tpu.wait_dma2 semaphore(%dma_wait3A_57 : memref<!tpu.dma_semaphore, #tpu.memory_space<semaphore_mem>>) src(%dma_wait3A_63 : memref<512xi32, #tpu.memory_space<hbm>>) dst(%dma_wait3A_60 : memref<512xi32, #tpu.memory_space<vmem>>)
      %get3A_64 = arith.index_cast %rem3A_30 : i32 to index
      %get3A_65 = arith.constant 0 : index
      %get3A_66 = vector.load %arg10[%get3A_64, %get3A_65] : memref<2x512xi32, #tpu.memory_space<vmem>>, vector<1x512xi32>
      %get3A_67 = vector.shape_cast %get3A_66 : vector<1x512xi32> to vector<512xi32>
      %broadcast_in_dim3A_68 = vector.shape_cast %get3A_67 : vector<512xi32> to vector<1x512xi32>
      %eq3A = vector.broadcast %broadcast_in_dim3A_68 : vector<1x512xi32> to vector<128x512xi32>
      %eq3A_69 = vector.broadcast %add3A_7 : vector<128x1xi32> to vector<128x512xi32>
      %eq3A_70 = arith.cmpi eq, %eq3A, %eq3A_69 : vector<128x512xi32>
      %convert_element_type3A_71 = arith.extui %eq3A_70 : vector<128x512xi1> to vector<128x512xi32>
      %convert_element_type3A_72 = arith.sitofp %convert_element_type3A_71 : vector<128x512xi32> to vector<128x512xf32>
      %get3A_73 = arith.index_cast %rem3A_30 : i32 to index
      %get3A_74 = arith.constant 0 : index
      %get3A_75 = arith.constant 0 : index
      %get3A_76 = vector.load %arg8[%get3A_73, %get3A_74, %get3A_75] : memref<2x512x128xf32, #tpu.memory_space<vmem>>, vector<1x512x128xf32>
      %get3A_77 = vector.shape_cast %get3A_76 : vector<1x512x128xf32> to vector<512x128xf32>
      %get3A_78 = arith.index_cast %rem3A_30 : i32 to index
      %get3A_79 = arith.constant 0 : index
      %get3A_80 = arith.constant 0 : index
      %get3A_81 = vector.load %arg9[%get3A_78, %get3A_79, %get3A_80] : memref<2x512x128xf32, #tpu.memory_space<vmem>>, vector<1x512x128xf32>
      %get3A_82 = vector.shape_cast %get3A_81 : vector<1x512x128xf32> to vector<512x128xf32>
      %add3A_83 = arith.addf %get3A_77, %get3A_82 : vector<512x128xf32>
      %get3A_84 = arith.constant 0 : index
      %get3A_85 = arith.constant 0 : index
      %get3A_86 = vector.load %arg6[%get3A_84, %get3A_85] : memref<128x128xf32, #tpu.memory_space<vmem>>, vector<128x128xf32>
      %dot_general3A = arith.constant dense<0.000000e+00> : vector<128x128xf32>
      %dot_general3A_87 = tpu.matmul %convert_element_type3A_72, %add3A_83, %dot_general3A {dimension_numbers = #tpu.dot_dimension_numbers<[1], [0], [0], [1], [0, 0, 1, 1], [], []>, transpose_lhs_hint = false} : vector<128x512xf32>, vector<512x128xf32>, vector<128x128xf32> -> vector<128x128xf32>
      %add3A_88 = arith.addf %get3A_86, %dot_general3A_87 : vector<128x128xf32>
      %swap3A_89 = arith.constant 0 : index
      %swap3A_90 = arith.constant 0 : index
      %swap3A_91 = vector.load %arg6[%swap3A_89, %swap3A_90] : memref<128x128xf32, #tpu.memory_space<vmem>>, vector<128x128xf32>
      tpu.vector_store %arg6[%swap3A_89, %swap3A_90], %add3A_88 {strides = array<i32>} : memref<128x128xf32, #tpu.memory_space<vmem>>, vector<128x128xf32>,
      %reduce_sum3A = arith.constant dense<0.000000e+00> : vector<128xf32>
      %reduce_sum3A_92 = vector.multi_reduction <add>, %convert_element_type3A_72, %reduce_sum3A [1] : vector<128x512xf32> to vector<128xf32>
      %add3A_93 = arith.addf %while3A_29, %reduce_sum3A_92 : vector<128xf32>
      scf.yield %add3A_93 : vector<128xf32>
    }
    %broadcast_in_dim3A_20 = vector.shape_cast %while3A_19 : vector<128xf32> to vector<128x1xf32>
    %broadcast_in_dim3A_21 = arith.constant 0.000000e+00 : f32
    %broadcast_in_dim3A_22 = vector.broadcast %broadcast_in_dim3A_21 : f32 to vector<128x128xf32>
    %add3A_23 = vector.broadcast %broadcast_in_dim3A_20 : vector<128x1xf32> to vector<128x128xf32>
    %add3A_24 = arith.addf %add3A_23, %broadcast_in_dim3A_22 : vector<128x128xf32>
    %swap3A_25 = arith.constant 0 : index
    %swap3A_26 = arith.constant 0 : index
    %swap3A_27 = vector.load %arg7[%swap3A_25, %swap3A_26] : memref<128x128xf32, #tpu.memory_space<vmem>>, vector<128x128xf32>
    tpu.vector_store %arg7[%swap3A_25, %swap3A_26], %add3A_24 {strides = array<i32>} : memref<128x128xf32, #tpu.memory_space<vmem>>, vector<128x128xf32>,
    return
  }
  func.func @transform_0(%arg0: i32) -> i32 {
    %c0_i32 = arith.constant 0 : i32
    %c0_i32_0 = arith.constant 0 : i32
    return %c0_i32 : i32
  }
  func.func @transform_1(%arg0: i32) -> i32 {
    %c0_i32 = arith.constant 0 : i32
    %c0_i32_0 = arith.constant 0 : i32
    return %c0_i32 : i32
  }
  func.func @transform_5(%arg0: i32) -> (i32, i32) {
    %c0_i32 = arith.constant 0 : i32
    %c0_i32_0 = arith.constant 0 : i32
    return %arg0, %c0_i32 : i32, i32
  }
  func.func @transform_6(%arg0: i32) -> (i32, i32) {
    %c0_i32 = arith.constant 0 : i32
    %c0_i32_0 = arith.constant 0 : i32
    return %arg0, %c0_i32 : i32, i32
  }
}

module attributes {stable_mosaic.version = 14 : i64} {
  func.func @body(%arg0: i32, %arg1: memref<1000x128xf32, #tpu.memory_space<vmem>>, %arg2: memref<1000x128xf32, #tpu.memory_space<vmem>>, %arg3: memref<1000x128xf32, #tpu.memory_space<vmem>>, %arg4: memref<1x128xf32, #tpu.memory_space<vmem>>, %arg5: memref<128x256xf32, #tpu.memory_space<vmem>>, %arg6: memref<1x256xf32, #tpu.memory_space<vmem>>, %arg7: memref<1000x256xf32, #tpu.memory_space<vmem>>) attributes {dimension_semantics = [#tpu.dimension_semantics<arbitrary>], iteration_bounds = array<i64: 10>, scalar_prefetch = 0 : i64, scratch_operands = 0 : i64, tpu.core_type = #tpu.core_type<tc>, window_params = [{transform_indices = @transform_0, window_bounds = array<i64: 1000, 128>}, {transform_indices = @transform_1, window_bounds = array<i64: 1000, 128>}, {transform_indices = @transform_2, window_bounds = array<i64: 1000, 128>}, {pipeline_mode = #tpu.pipeline_mode<synchronous>, transform_indices = @transform_3, window_bounds = array<i64: 1, 128>}, {pipeline_mode = #tpu.pipeline_mode<synchronous>, transform_indices = @transform_4, window_bounds = array<i64: 128, 256>}, {pipeline_mode = #tpu.pipeline_mode<synchronous>, transform_indices = @transform_5, window_bounds = array<i64: 1, 256>}, {transform_indices = @transform_6, window_bounds = array<i64: 1000, 256>}]} {
    %get3A = arith.constant 0 : index
    %get3A_0 = arith.constant 0 : index
    %get3A_1 = vector.load %arg2[%get3A, %get3A_0] : memref<1000x128xf32, #tpu.memory_space<vmem>>, vector<1000x128xf32>
    %slice3A = vector.extract_strided_slice %get3A_1 {offsets = [0, 0], sizes = [1000, 1], strides = [1, 1]} : vector<1000x128xf32> to vector<1000x1xf32>
    %max3A = arith.constant 1.000000e+00 : f32
    %max3A_2 = vector.broadcast %max3A : f32 to vector<1000x1xf32>
    %max3A_3 = arith.maximumf %slice3A, %max3A_2 : vector<1000x1xf32>
    %get3A_4 = arith.constant 0 : index
    %get3A_5 = arith.constant 0 : index
    %get3A_6 = vector.load %arg1[%get3A_4, %get3A_5] : memref<1000x128xf32, #tpu.memory_space<vmem>>, vector<1000x128xf32>
    %div3A = vector.broadcast %max3A_3 : vector<1000x1xf32> to vector<1000x128xf32>
    %div3A_7 = arith.divf %get3A_6, %div3A : vector<1000x128xf32>
    %get3A_8 = arith.constant 0 : index
    %get3A_9 = arith.constant 0 : index
    %get3A_10 = vector.load %arg3[%get3A_8, %get3A_9] : memref<1000x128xf32, #tpu.memory_space<vmem>>, vector<1000x128xf32>
    %add3A = arith.addf %div3A_7, %get3A_10 : vector<1000x128xf32>
    %get3A_11 = arith.constant 0 : index
    %get3A_12 = arith.constant 0 : index
    %get3A_13 = vector.load %arg4[%get3A_11, %get3A_12] : memref<1x128xf32, #tpu.memory_space<vmem>>, vector<1x128xf32>
    %add3A_14 = vector.broadcast %get3A_13 : vector<1x128xf32> to vector<1000x128xf32>
    %add3A_15 = arith.addf %add3A, %add3A_14 : vector<1000x128xf32>
    %max3A_16 = arith.constant 0.000000e+00 : f32
    %max3A_17 = vector.broadcast %max3A_16 : f32 to vector<1000x128xf32>
    %max3A_18 = arith.maximumf %add3A_15, %max3A_17 : vector<1000x128xf32>
    %get3A_19 = arith.constant 0 : index
    %get3A_20 = arith.constant 0 : index
    %get3A_21 = vector.load %arg5[%get3A_19, %get3A_20] : memref<128x256xf32, #tpu.memory_space<vmem>>, vector<128x256xf32>
    %dot_general3A = arith.constant dense<0.000000e+00> : vector<1000x256xf32>
    %dot_general3A_22 = tpu.matmul %max3A_18, %get3A_21, %dot_general3A {dimension_numbers = #tpu.dot_dimension_numbers<[1], [0], [0], [1], [0, 0, 1, 1], [], []>, transpose_lhs_hint = false} : vector<1000x128xf32>, vector<128x256xf32>, vector<1000x256xf32> -> vector<1000x256xf32>
    %get3A_23 = arith.constant 0 : index
    %get3A_24 = arith.constant 0 : index
    %get3A_25 = vector.load %arg6[%get3A_23, %get3A_24] : memref<1x256xf32, #tpu.memory_space<vmem>>, vector<1x256xf32>
    %add3A_26 = vector.broadcast %get3A_25 : vector<1x256xf32> to vector<1000x256xf32>
    %add3A_27 = arith.addf %dot_general3A_22, %add3A_26 : vector<1000x256xf32>
    %swap3A = arith.constant 0 : index
    %swap3A_28 = arith.constant 0 : index
    %swap3A_29 = vector.load %arg7[%swap3A, %swap3A_28] : memref<1000x256xf32, #tpu.memory_space<vmem>>, vector<1000x256xf32>
    tpu.vector_store %arg7[%swap3A, %swap3A_28], %add3A_27 {strides = array<i32>} : memref<1000x256xf32, #tpu.memory_space<vmem>>, vector<1000x256xf32>,
    return
  }
  func.func @transform_0(%arg0: i32) -> (i32, i32) {
    %c0_i32 = arith.constant 0 : i32
    %c0_i32_0 = arith.constant 0 : i32
    return %arg0, %c0_i32 : i32, i32
  }
  func.func @transform_1(%arg0: i32) -> (i32, i32) {
    %c0_i32 = arith.constant 0 : i32
    %c0_i32_0 = arith.constant 0 : i32
    return %arg0, %c0_i32 : i32, i32
  }
  func.func @transform_2(%arg0: i32) -> (i32, i32) {
    %c0_i32 = arith.constant 0 : i32
    %c0_i32_0 = arith.constant 0 : i32
    return %arg0, %c0_i32 : i32, i32
  }
  func.func @transform_3(%arg0: i32) -> (i32, i32) {
    %c0_i32 = arith.constant 0 : i32
    %c0_i32_0 = arith.constant 0 : i32
    %c0_i32_1 = arith.constant 0 : i32
    return %c0_i32, %c0_i32_0 : i32, i32
  }
  func.func @transform_4(%arg0: i32) -> (i32, i32) {
    %c0_i32 = arith.constant 0 : i32
    %c0_i32_0 = arith.constant 0 : i32
    %c0_i32_1 = arith.constant 0 : i32
    return %c0_i32, %c0_i32_0 : i32, i32
  }
  func.func @transform_5(%arg0: i32) -> (i32, i32) {
    %c0_i32 = arith.constant 0 : i32
    %c0_i32_0 = arith.constant 0 : i32
    %c0_i32_1 = arith.constant 0 : i32
    return %c0_i32, %c0_i32_0 : i32, i32
  }
  func.func @transform_6(%arg0: i32) -> (i32, i32) {
    %c0_i32 = arith.constant 0 : i32
    %c0_i32_0 = arith.constant 0 : i32
    return %arg0, %c0_i32 : i32, i32
  }
}

module attributes {stable_mosaic.version = 14 : i64} {
  func.func @body(%arg0: i32, %arg1: memref<79xi32, #tpu.memory_space<smem>>, %arg2: memref<79xi32, #tpu.memory_space<smem>>, %arg3: memref<327680x128xf32, #tpu.memory_space<hbm>>, %arg4: memref<327680x128xf32, #tpu.memory_space<hbm>>, %arg5: memref<640x512xi32, #tpu.memory_space<hbm>>, %arg6: memref<128x128xf32, #tpu.memory_space<vmem>>, %arg7: memref<2x512x128xf32, #tpu.memory_space<vmem>>, %arg8: memref<2x512x128xf32, #tpu.memory_space<vmem>>, %arg9: memref<2x512xi32, #tpu.memory_space<vmem>>, %arg10: memref<2x!tpu.dma_semaphore, #tpu.memory_space<semaphore_mem>>, %arg11: memref<2x!tpu.dma_semaphore, #tpu.memory_space<semaphore_mem>>, %arg12: memref<2x!tpu.dma_semaphore, #tpu.memory_space<semaphore_mem>>) attributes {dimension_semantics = [#tpu.dimension_semantics<arbitrary>], iteration_bounds = array<i64: 79>, scalar_prefetch = 0 : i64, scratch_operands = 6 : i64, tpu.core_type = #tpu.core_type<tc>, window_params = [{transform_indices = @transform_0, window_bounds = array<i64: 79>}, {transform_indices = @transform_1, window_bounds = array<i64: 79>}, {}, {}, {}, {transform_indices = @transform_5, window_bounds = array<i64: 128, 128>}]} {
    %get3A = arith.index_cast %arg0 : i32 to index
    %get3A_0 = memref.load %arg1[%get3A] : memref<79xi32, #tpu.memory_space<smem>>
    %get3A_1 = arith.index_cast %arg0 : i32 to index
    %get3A_2 = memref.load %arg2[%get3A_1] : memref<79xi32, #tpu.memory_space<smem>>
    %broadcast_in_dim3A = arith.constant 0.000000e+00 : f32
    %broadcast_in_dim3A_3 = vector.broadcast %broadcast_in_dim3A : f32 to vector<128x128xf32>
    %swap3A = arith.constant 0 : index
    %swap3A_4 = arith.constant 0 : index
    %swap3A_5 = vector.load %arg6[%swap3A, %swap3A_4] : memref<128x128xf32, #tpu.memory_space<vmem>>, vector<128x128xf32>
    tpu.vector_store %arg6[%swap3A, %swap3A_4], %broadcast_in_dim3A_3 {strides = array<i32>} : memref<128x128xf32, #tpu.memory_space<vmem>>, vector<128x128xf32>,
    %mul3A = arith.constant 128 : i32
    %mul3A_6 = arith.muli %arg0, %mul3A : i32
    %iota3A = tpu.iota {dimensions = array<i32: 0>} : vector<128x1xi32>
    %add3A = vector.broadcast %mul3A_6 : i32 to vector<128x1xi32>
    %add3A_7 = arith.addi %iota3A, %add3A : vector<128x1xi32>
    %lt3A = arith.cmpi slt, %get3A_0, %get3A_2 : i32
    %convert_element_type3A = arith.extui %lt3A : i1 to i32
    %cond3A = arith.constant 0 : i32
    %cond3A_8 = arith.cmpi ne, %convert_element_type3A, %cond3A : i32
    scf.if %cond3A_8 {
      %mul3A_20 = arith.constant 512 : i32
      %mul3A_21 = arith.muli %get3A_0, %mul3A_20 : i32
      %dma_start3A = arith.constant 0 : i32
      %dma_start3A_22 = arith.constant 0 : i32
      %dma_start3A_23 = tpu.memref_slice %arg10[%dma_start3A_22] : memref<2x!tpu.dma_semaphore, #tpu.memory_space<semaphore_mem>> -> memref<1x!tpu.dma_semaphore, #tpu.memory_space<semaphore_mem>>
      %dma_start3A_24 = tpu.memref_squeeze %dma_start3A_23 : memref<1x!tpu.dma_semaphore, #tpu.memory_space<semaphore_mem>> -> memref<!tpu.dma_semaphore, #tpu.memory_space<semaphore_mem>>
      %dma_start3A_25 = arith.constant 0 : i32
      %dma_start3A_26 = arith.constant 0 : i32
      %dma_start3A_27 = tpu.memref_slice %arg7[%dma_start3A, %dma_start3A_25, %dma_start3A_26] : memref<2x512x128xf32, #tpu.memory_space<vmem>> -> memref<1x512x128xf32, #tpu.memory_space<vmem>>
      %dma_start3A_28 = tpu.memref_squeeze %dma_start3A_27 : memref<1x512x128xf32, #tpu.memory_space<vmem>> -> memref<512x128xf32, #tpu.memory_space<vmem>>
      %dma_start3A_29 = arith.constant 0 : i32
      %dma_start3A_30 = tpu.memref_slice %arg3[%mul3A_21, %dma_start3A_29] : memref<327680x128xf32, #tpu.memory_space<hbm>> -> memref<512x128xf32, #tpu.memory_space<hbm>>
      tpu.enqueue_dma source(%dma_start3A_30 : memref<512x128xf32, #tpu.memory_space<hbm>>) target(%dma_start3A_28 : memref<512x128xf32, #tpu.memory_space<vmem>>) target_semaphore(%dma_start3A_24 : memref<!tpu.dma_semaphore, #tpu.memory_space<semaphore_mem>>)
      %mul3A_31 = arith.constant 512 : i32
      %mul3A_32 = arith.muli %get3A_0, %mul3A_31 : i32
      %dma_start3A_33 = arith.constant 0 : i32
      %dma_start3A_34 = arith.constant 0 : i32
      %dma_start3A_35 = tpu.memref_slice %arg11[%dma_start3A_34] : memref<2x!tpu.dma_semaphore, #tpu.memory_space<semaphore_mem>> -> memref<1x!tpu.dma_semaphore, #tpu.memory_space<semaphore_mem>>
      %dma_start3A_36 = tpu.memref_squeeze %dma_start3A_35 : memref<1x!tpu.dma_semaphore, #tpu.memory_space<semaphore_mem>> -> memref<!tpu.dma_semaphore, #tpu.memory_space<semaphore_mem>>
      %dma_start3A_37 = arith.constant 0 : i32
      %dma_start3A_38 = arith.constant 0 : i32
      %dma_start3A_39 = tpu.memref_slice %arg8[%dma_start3A_33, %dma_start3A_37, %dma_start3A_38] : memref<2x512x128xf32, #tpu.memory_space<vmem>> -> memref<1x512x128xf32, #tpu.memory_space<vmem>>
      %dma_start3A_40 = tpu.memref_squeeze %dma_start3A_39 : memref<1x512x128xf32, #tpu.memory_space<vmem>> -> memref<512x128xf32, #tpu.memory_space<vmem>>
      %dma_start3A_41 = arith.constant 0 : i32
      %dma_start3A_42 = tpu.memref_slice %arg4[%mul3A_32, %dma_start3A_41] : memref<327680x128xf32, #tpu.memory_space<hbm>> -> memref<512x128xf32, #tpu.memory_space<hbm>>
      tpu.enqueue_dma source(%dma_start3A_42 : memref<512x128xf32, #tpu.memory_space<hbm>>) target(%dma_start3A_40 : memref<512x128xf32, #tpu.memory_space<vmem>>) target_semaphore(%dma_start3A_36 : memref<!tpu.dma_semaphore, #tpu.memory_space<semaphore_mem>>)
      %dma_start3A_43 = arith.constant 0 : i32
      %dma_start3A_44 = arith.constant 0 : i32
      %dma_start3A_45 = tpu.memref_slice %arg12[%dma_start3A_44] : memref<2x!tpu.dma_semaphore, #tpu.memory_space<semaphore_mem>> -> memref<1x!tpu.dma_semaphore, #tpu.memory_space<semaphore_mem>>
      %dma_start3A_46 = tpu.memref_squeeze %dma_start3A_45 : memref<1x!tpu.dma_semaphore, #tpu.memory_space<semaphore_mem>> -> memref<!tpu.dma_semaphore, #tpu.memory_space<semaphore_mem>>
      %dma_start3A_47 = arith.constant 0 : i32
      %dma_start3A_48 = tpu.memref_slice %arg9[%dma_start3A_43, %dma_start3A_47] : memref<2x512xi32, #tpu.memory_space<vmem>> -> memref<1x512xi32, #tpu.memory_space<vmem>>
      %dma_start3A_49 = tpu.memref_squeeze %dma_start3A_48 : memref<1x512xi32, #tpu.memory_space<vmem>> -> memref<512xi32, #tpu.memory_space<vmem>>
      %dma_start3A_50 = arith.constant 0 : i32
      %dma_start3A_51 = tpu.memref_slice %arg5[%get3A_0, %dma_start3A_50] : memref<640x512xi32, #tpu.memory_space<hbm>> -> memref<1x512xi32, #tpu.memory_space<hbm>>
      %dma_start3A_52 = tpu.memref_squeeze %dma_start3A_51 : memref<1x512xi32, #tpu.memory_space<hbm>> -> memref<512xi32, #tpu.memory_space<hbm>>
      tpu.enqueue_dma source(%dma_start3A_52 : memref<512xi32, #tpu.memory_space<hbm>>) target(%dma_start3A_49 : memref<512xi32, #tpu.memory_space<vmem>>) target_semaphore(%dma_start3A_46 : memref<!tpu.dma_semaphore, #tpu.memory_space<semaphore_mem>>)
    } else {
    }
    %broadcast_in_dim3A_9 = arith.constant 0.000000e+00 : f32
    %broadcast_in_dim3A_10 = vector.broadcast %broadcast_in_dim3A_9 : f32 to vector<128xf32>
    %while3A = arith.subi %get3A_2, %get3A_0 : i32
    %while3A_11 = arith.addi %get3A_0, %while3A : i32
    %while3A_12 = arith.constant 1 : i32
    %while3A_13 = arith.divsi %while3A, %while3A_12 : i32
    %while3A_14 = arith.muli %while3A_13, %while3A_12 : i32
    %while3A_15 = arith.addi %get3A_0, %while3A_14 : i32
    %while3A_16 = arith.constant 1 : i32
    %while3A_17 = scf.for %while3A_20 = %get3A_0 to %while3A_15 step %while3A_16 iter_args(%while3A_21 = %broadcast_in_dim3A_10) -> (vector<128xf32>)  : i32 {
      %sub3A = arith.subi %while3A_20, %get3A_0 : i32
      %rem3A = arith.constant 2 : i32
      %rem3A_22 = arith.remsi %sub3A, %rem3A : i32
      %add3A_23 = arith.constant 1 : i32
      %add3A_24 = arith.addi %while3A_20, %add3A_23 : i32
      %lt3A_25 = arith.cmpi slt, %add3A_24, %get3A_2 : i32
      %convert_element_type3A_26 = arith.extui %lt3A_25 : i1 to i32
      %cond3A_27 = arith.constant 0 : i32
      %cond3A_28 = arith.cmpi ne, %convert_element_type3A_26, %cond3A_27 : i32
      scf.if %cond3A_28 {
        %add3A_86 = arith.constant 1 : i32
        %add3A_87 = arith.addi %while3A_20, %add3A_86 : i32
        %sub3A_88 = arith.constant 1 : i32
        %sub3A_89 = arith.subi %sub3A_88, %rem3A_22 : i32
        %mul3A_90 = arith.constant 512 : i32
        %mul3A_91 = arith.muli %add3A_87, %mul3A_90 : i32
        %dma_start3A = tpu.memref_slice %arg10[%sub3A_89] : memref<2x!tpu.dma_semaphore, #tpu.memory_space<semaphore_mem>> -> memref<1x!tpu.dma_semaphore, #tpu.memory_space<semaphore_mem>>
        %dma_start3A_92 = tpu.memref_squeeze %dma_start3A : memref<1x!tpu.dma_semaphore, #tpu.memory_space<semaphore_mem>> -> memref<!tpu.dma_semaphore, #tpu.memory_space<semaphore_mem>>
        %dma_start3A_93 = arith.constant 0 : i32
        %dma_start3A_94 = arith.constant 0 : i32
        %dma_start3A_95 = tpu.memref_slice %arg7[%sub3A_89, %dma_start3A_93, %dma_start3A_94] : memref<2x512x128xf32, #tpu.memory_space<vmem>> -> memref<1x512x128xf32, #tpu.memory_space<vmem>>
        %dma_start3A_96 = tpu.memref_squeeze %dma_start3A_95 : memref<1x512x128xf32, #tpu.memory_space<vmem>> -> memref<512x128xf32, #tpu.memory_space<vmem>>
        %dma_start3A_97 = arith.constant 0 : i32
        %dma_start3A_98 = tpu.memref_slice %arg3[%mul3A_91, %dma_start3A_97] : memref<327680x128xf32, #tpu.memory_space<hbm>> -> memref<512x128xf32, #tpu.memory_space<hbm>>
        tpu.enqueue_dma source(%dma_start3A_98 : memref<512x128xf32, #tpu.memory_space<hbm>>) target(%dma_start3A_96 : memref<512x128xf32, #tpu.memory_space<vmem>>) target_semaphore(%dma_start3A_92 : memref<!tpu.dma_semaphore, #tpu.memory_space<semaphore_mem>>)
        %mul3A_99 = arith.constant 512 : i32
        %mul3A_100 = arith.muli %add3A_87, %mul3A_99 : i32
        %dma_start3A_101 = tpu.memref_slice %arg11[%sub3A_89] : memref<2x!tpu.dma_semaphore, #tpu.memory_space<semaphore_mem>> -> memref<1x!tpu.dma_semaphore, #tpu.memory_space<semaphore_mem>>
        %dma_start3A_102 = tpu.memref_squeeze %dma_start3A_101 : memref<1x!tpu.dma_semaphore, #tpu.memory_space<semaphore_mem>> -> memref<!tpu.dma_semaphore, #tpu.memory_space<semaphore_mem>>
        %dma_start3A_103 = arith.constant 0 : i32
        %dma_start3A_104 = arith.constant 0 : i32
        %dma_start3A_105 = tpu.memref_slice %arg8[%sub3A_89, %dma_start3A_103, %dma_start3A_104] : memref<2x512x128xf32, #tpu.memory_space<vmem>> -> memref<1x512x128xf32, #tpu.memory_space<vmem>>
        %dma_start3A_106 = tpu.memref_squeeze %dma_start3A_105 : memref<1x512x128xf32, #tpu.memory_space<vmem>> -> memref<512x128xf32, #tpu.memory_space<vmem>>
        %dma_start3A_107 = arith.constant 0 : i32
        %dma_start3A_108 = tpu.memref_slice %arg4[%mul3A_100, %dma_start3A_107] : memref<327680x128xf32, #tpu.memory_space<hbm>> -> memref<512x128xf32, #tpu.memory_space<hbm>>
        tpu.enqueue_dma source(%dma_start3A_108 : memref<512x128xf32, #tpu.memory_space<hbm>>) target(%dma_start3A_106 : memref<512x128xf32, #tpu.memory_space<vmem>>) target_semaphore(%dma_start3A_102 : memref<!tpu.dma_semaphore, #tpu.memory_space<semaphore_mem>>)
        %dma_start3A_109 = tpu.memref_slice %arg12[%sub3A_89] : memref<2x!tpu.dma_semaphore, #tpu.memory_space<semaphore_mem>> -> memref<1x!tpu.dma_semaphore, #tpu.memory_space<semaphore_mem>>
        %dma_start3A_110 = tpu.memref_squeeze %dma_start3A_109 : memref<1x!tpu.dma_semaphore, #tpu.memory_space<semaphore_mem>> -> memref<!tpu.dma_semaphore, #tpu.memory_space<semaphore_mem>>
        %dma_start3A_111 = arith.constant 0 : i32
        %dma_start3A_112 = tpu.memref_slice %arg9[%sub3A_89, %dma_start3A_111] : memref<2x512xi32, #tpu.memory_space<vmem>> -> memref<1x512xi32, #tpu.memory_space<vmem>>
        %dma_start3A_113 = tpu.memref_squeeze %dma_start3A_112 : memref<1x512xi32, #tpu.memory_space<vmem>> -> memref<512xi32, #tpu.memory_space<vmem>>
        %dma_start3A_114 = arith.constant 0 : i32
        %dma_start3A_115 = tpu.memref_slice %arg5[%add3A_87, %dma_start3A_114] : memref<640x512xi32, #tpu.memory_space<hbm>> -> memref<1x512xi32, #tpu.memory_space<hbm>>
        %dma_start3A_116 = tpu.memref_squeeze %dma_start3A_115 : memref<1x512xi32, #tpu.memory_space<hbm>> -> memref<512xi32, #tpu.memory_space<hbm>>
        tpu.enqueue_dma source(%dma_start3A_116 : memref<512xi32, #tpu.memory_space<hbm>>) target(%dma_start3A_113 : memref<512xi32, #tpu.memory_space<vmem>>) target_semaphore(%dma_start3A_110 : memref<!tpu.dma_semaphore, #tpu.memory_space<semaphore_mem>>)
      } else {
      }
      %mul3A_29 = arith.constant 512 : i32
      %mul3A_30 = arith.muli %while3A_20, %mul3A_29 : i32
      %dma_wait3A = tpu.memref_slice %arg10[%rem3A_22] : memref<2x!tpu.dma_semaphore, #tpu.memory_space<semaphore_mem>> -> memref<1x!tpu.dma_semaphore, #tpu.memory_space<semaphore_mem>>
      %dma_wait3A_31 = tpu.memref_squeeze %dma_wait3A : memref<1x!tpu.dma_semaphore, #tpu.memory_space<semaphore_mem>> -> memref<!tpu.dma_semaphore, #tpu.memory_space<semaphore_mem>>
      %dma_wait3A_32 = arith.constant 0 : i32
      %dma_wait3A_33 = arith.constant 0 : i32
      %dma_wait3A_34 = tpu.memref_slice %arg7[%rem3A_22, %dma_wait3A_32, %dma_wait3A_33] : memref<2x512x128xf32, #tpu.memory_space<vmem>> -> memref<1x512x128xf32, #tpu.memory_space<vmem>>
      %dma_wait3A_35 = tpu.memref_squeeze %dma_wait3A_34 : memref<1x512x128xf32, #tpu.memory_space<vmem>> -> memref<512x128xf32, #tpu.memory_space<vmem>>
      %dma_wait3A_36 = arith.constant 0 : i32
      %dma_wait3A_37 = tpu.memref_slice %arg3[%mul3A_30, %dma_wait3A_36] : memref<327680x128xf32, #tpu.memory_space<hbm>> -> memref<512x128xf32, #tpu.memory_space<hbm>>
      tpu.wait_dma2 semaphore(%dma_wait3A_31 : memref<!tpu.dma_semaphore, #tpu.memory_space<semaphore_mem>>) src(%dma_wait3A_37 : memref<512x128xf32, #tpu.memory_space<hbm>>) dst(%dma_wait3A_35 : memref<512x128xf32, #tpu.memory_space<vmem>>)
      %mul3A_38 = arith.constant 512 : i32
      %mul3A_39 = arith.muli %while3A_20, %mul3A_38 : i32
      %dma_wait3A_40 = tpu.memref_slice %arg11[%rem3A_22] : memref<2x!tpu.dma_semaphore, #tpu.memory_space<semaphore_mem>> -> memref<1x!tpu.dma_semaphore, #tpu.memory_space<semaphore_mem>>
      %dma_wait3A_41 = tpu.memref_squeeze %dma_wait3A_40 : memref<1x!tpu.dma_semaphore, #tpu.memory_space<semaphore_mem>> -> memref<!tpu.dma_semaphore, #tpu.memory_space<semaphore_mem>>
      %dma_wait3A_42 = arith.constant 0 : i32
      %dma_wait3A_43 = arith.constant 0 : i32
      %dma_wait3A_44 = tpu.memref_slice %arg8[%rem3A_22, %dma_wait3A_42, %dma_wait3A_43] : memref<2x512x128xf32, #tpu.memory_space<vmem>> -> memref<1x512x128xf32, #tpu.memory_space<vmem>>
      %dma_wait3A_45 = tpu.memref_squeeze %dma_wait3A_44 : memref<1x512x128xf32, #tpu.memory_space<vmem>> -> memref<512x128xf32, #tpu.memory_space<vmem>>
      %dma_wait3A_46 = arith.constant 0 : i32
      %dma_wait3A_47 = tpu.memref_slice %arg4[%mul3A_39, %dma_wait3A_46] : memref<327680x128xf32, #tpu.memory_space<hbm>> -> memref<512x128xf32, #tpu.memory_space<hbm>>
      tpu.wait_dma2 semaphore(%dma_wait3A_41 : memref<!tpu.dma_semaphore, #tpu.memory_space<semaphore_mem>>) src(%dma_wait3A_47 : memref<512x128xf32, #tpu.memory_space<hbm>>) dst(%dma_wait3A_45 : memref<512x128xf32, #tpu.memory_space<vmem>>)
      %dma_wait3A_48 = tpu.memref_slice %arg12[%rem3A_22] : memref<2x!tpu.dma_semaphore, #tpu.memory_space<semaphore_mem>> -> memref<1x!tpu.dma_semaphore, #tpu.memory_space<semaphore_mem>>
      %dma_wait3A_49 = tpu.memref_squeeze %dma_wait3A_48 : memref<1x!tpu.dma_semaphore, #tpu.memory_space<semaphore_mem>> -> memref<!tpu.dma_semaphore, #tpu.memory_space<semaphore_mem>>
      %dma_wait3A_50 = arith.constant 0 : i32
      %dma_wait3A_51 = tpu.memref_slice %arg9[%rem3A_22, %dma_wait3A_50] : memref<2x512xi32, #tpu.memory_space<vmem>> -> memref<1x512xi32, #tpu.memory_space<vmem>>
      %dma_wait3A_52 = tpu.memref_squeeze %dma_wait3A_51 : memref<1x512xi32, #tpu.memory_space<vmem>> -> memref<512xi32, #tpu.memory_space<vmem>>
      %dma_wait3A_53 = arith.constant 0 : i32
      %dma_wait3A_54 = tpu.memref_slice %arg5[%while3A_20, %dma_wait3A_53] : memref<640x512xi32, #tpu.memory_space<hbm>> -> memref<1x512xi32, #tpu.memory_space<hbm>>
      %dma_wait3A_55 = tpu.memref_squeeze %dma_wait3A_54 : memref<1x512xi32, #tpu.memory_space<hbm>> -> memref<512xi32, #tpu.memory_space<hbm>>
      tpu.wait_dma2 semaphore(%dma_wait3A_49 : memref<!tpu.dma_semaphore, #tpu.memory_space<semaphore_mem>>) src(%dma_wait3A_55 : memref<512xi32, #tpu.memory_space<hbm>>) dst(%dma_wait3A_52 : memref<512xi32, #tpu.memory_space<vmem>>)
      %get3A_56 = arith.index_cast %rem3A_22 : i32 to index
      %get3A_57 = arith.constant 0 : index
      %get3A_58 = vector.load %arg9[%get3A_56, %get3A_57] : memref<2x512xi32, #tpu.memory_space<vmem>>, vector<1x512xi32>
      %get3A_59 = vector.shape_cast %get3A_58 : vector<1x512xi32> to vector<512xi32>
      %broadcast_in_dim3A_60 = vector.shape_cast %get3A_59 : vector<512xi32> to vector<1x512xi32>
      %eq3A = vector.broadcast %broadcast_in_dim3A_60 : vector<1x512xi32> to vector<128x512xi32>
      %eq3A_61 = vector.broadcast %add3A_7 : vector<128x1xi32> to vector<128x512xi32>
      %eq3A_62 = arith.cmpi eq, %eq3A, %eq3A_61 : vector<128x512xi32>
      %convert_element_type3A_63 = arith.extui %eq3A_62 : vector<128x512xi1> to vector<128x512xi32>
      %convert_element_type3A_64 = arith.sitofp %convert_element_type3A_63 : vector<128x512xi32> to vector<128x512xf32>
      %get3A_65 = arith.index_cast %rem3A_22 : i32 to index
      %get3A_66 = arith.constant 0 : index
      %get3A_67 = arith.constant 0 : index
      %get3A_68 = vector.load %arg7[%get3A_65, %get3A_66, %get3A_67] : memref<2x512x128xf32, #tpu.memory_space<vmem>>, vector<1x512x128xf32>
      %get3A_69 = vector.shape_cast %get3A_68 : vector<1x512x128xf32> to vector<512x128xf32>
      %get3A_70 = arith.index_cast %rem3A_22 : i32 to index
      %get3A_71 = arith.constant 0 : index
      %get3A_72 = arith.constant 0 : index
      %get3A_73 = vector.load %arg8[%get3A_70, %get3A_71, %get3A_72] : memref<2x512x128xf32, #tpu.memory_space<vmem>>, vector<1x512x128xf32>
      %get3A_74 = vector.shape_cast %get3A_73 : vector<1x512x128xf32> to vector<512x128xf32>
      %add3A_75 = arith.addf %get3A_69, %get3A_74 : vector<512x128xf32>
      %get3A_76 = arith.constant 0 : index
      %get3A_77 = arith.constant 0 : index
      %get3A_78 = vector.load %arg6[%get3A_76, %get3A_77] : memref<128x128xf32, #tpu.memory_space<vmem>>, vector<128x128xf32>
      %dot_general3A = arith.constant dense<0.000000e+00> : vector<128x128xf32>
      %dot_general3A_79 = tpu.matmul %convert_element_type3A_64, %add3A_75, %dot_general3A {dimension_numbers = #tpu.dot_dimension_numbers<[1], [0], [0], [1], [0, 0, 1, 1], [], []>, transpose_lhs_hint = false} : vector<128x512xf32>, vector<512x128xf32>, vector<128x128xf32> -> vector<128x128xf32>
      %add3A_80 = arith.addf %get3A_78, %dot_general3A_79 : vector<128x128xf32>
      %swap3A_81 = arith.constant 0 : index
      %swap3A_82 = arith.constant 0 : index
      %swap3A_83 = vector.load %arg6[%swap3A_81, %swap3A_82] : memref<128x128xf32, #tpu.memory_space<vmem>>, vector<128x128xf32>
      tpu.vector_store %arg6[%swap3A_81, %swap3A_82], %add3A_80 {strides = array<i32>} : memref<128x128xf32, #tpu.memory_space<vmem>>, vector<128x128xf32>,
      %reduce_sum3A = arith.constant dense<0.000000e+00> : vector<128xf32>
      %reduce_sum3A_84 = vector.multi_reduction <add>, %convert_element_type3A_64, %reduce_sum3A [1] : vector<128x512xf32> to vector<128xf32>
      %add3A_85 = arith.addf %while3A_21, %reduce_sum3A_84 : vector<128xf32>
      scf.yield %add3A_85 : vector<128xf32>
    }
    %while3A_18 = arith.constant 1 : i32
    %while3A_19 = scf.for %while3A_20 = %while3A_15 to %while3A_11 step %while3A_18 iter_args(%while3A_21 = %while3A_17) -> (vector<128xf32>)  : i32 {
      %sub3A = arith.subi %while3A_20, %get3A_0 : i32
      %rem3A = arith.constant 2 : i32
      %rem3A_22 = arith.remsi %sub3A, %rem3A : i32
      %add3A_23 = arith.constant 1 : i32
      %add3A_24 = arith.addi %while3A_20, %add3A_23 : i32
      %lt3A_25 = arith.cmpi slt, %add3A_24, %get3A_2 : i32
      %convert_element_type3A_26 = arith.extui %lt3A_25 : i1 to i32
      %cond3A_27 = arith.constant 0 : i32
      %cond3A_28 = arith.cmpi ne, %convert_element_type3A_26, %cond3A_27 : i32
      scf.if %cond3A_28 {
        %add3A_86 = arith.constant 1 : i32
        %add3A_87 = arith.addi %while3A_20, %add3A_86 : i32
        %sub3A_88 = arith.constant 1 : i32
        %sub3A_89 = arith.subi %sub3A_88, %rem3A_22 : i32
        %mul3A_90 = arith.constant 512 : i32
        %mul3A_91 = arith.muli %add3A_87, %mul3A_90 : i32
        %dma_start3A = tpu.memref_slice %arg10[%sub3A_89] : memref<2x!tpu.dma_semaphore, #tpu.memory_space<semaphore_mem>> -> memref<1x!tpu.dma_semaphore, #tpu.memory_space<semaphore_mem>>
        %dma_start3A_92 = tpu.memref_squeeze %dma_start3A : memref<1x!tpu.dma_semaphore, #tpu.memory_space<semaphore_mem>> -> memref<!tpu.dma_semaphore, #tpu.memory_space<semaphore_mem>>
        %dma_start3A_93 = arith.constant 0 : i32
        %dma_start3A_94 = arith.constant 0 : i32
        %dma_start3A_95 = tpu.memref_slice %arg7[%sub3A_89, %dma_start3A_93, %dma_start3A_94] : memref<2x512x128xf32, #tpu.memory_space<vmem>> -> memref<1x512x128xf32, #tpu.memory_space<vmem>>
        %dma_start3A_96 = tpu.memref_squeeze %dma_start3A_95 : memref<1x512x128xf32, #tpu.memory_space<vmem>> -> memref<512x128xf32, #tpu.memory_space<vmem>>
        %dma_start3A_97 = arith.constant 0 : i32
        %dma_start3A_98 = tpu.memref_slice %arg3[%mul3A_91, %dma_start3A_97] : memref<327680x128xf32, #tpu.memory_space<hbm>> -> memref<512x128xf32, #tpu.memory_space<hbm>>
        tpu.enqueue_dma source(%dma_start3A_98 : memref<512x128xf32, #tpu.memory_space<hbm>>) target(%dma_start3A_96 : memref<512x128xf32, #tpu.memory_space<vmem>>) target_semaphore(%dma_start3A_92 : memref<!tpu.dma_semaphore, #tpu.memory_space<semaphore_mem>>)
        %mul3A_99 = arith.constant 512 : i32
        %mul3A_100 = arith.muli %add3A_87, %mul3A_99 : i32
        %dma_start3A_101 = tpu.memref_slice %arg11[%sub3A_89] : memref<2x!tpu.dma_semaphore, #tpu.memory_space<semaphore_mem>> -> memref<1x!tpu.dma_semaphore, #tpu.memory_space<semaphore_mem>>
        %dma_start3A_102 = tpu.memref_squeeze %dma_start3A_101 : memref<1x!tpu.dma_semaphore, #tpu.memory_space<semaphore_mem>> -> memref<!tpu.dma_semaphore, #tpu.memory_space<semaphore_mem>>
        %dma_start3A_103 = arith.constant 0 : i32
        %dma_start3A_104 = arith.constant 0 : i32
        %dma_start3A_105 = tpu.memref_slice %arg8[%sub3A_89, %dma_start3A_103, %dma_start3A_104] : memref<2x512x128xf32, #tpu.memory_space<vmem>> -> memref<1x512x128xf32, #tpu.memory_space<vmem>>
        %dma_start3A_106 = tpu.memref_squeeze %dma_start3A_105 : memref<1x512x128xf32, #tpu.memory_space<vmem>> -> memref<512x128xf32, #tpu.memory_space<vmem>>
        %dma_start3A_107 = arith.constant 0 : i32
        %dma_start3A_108 = tpu.memref_slice %arg4[%mul3A_100, %dma_start3A_107] : memref<327680x128xf32, #tpu.memory_space<hbm>> -> memref<512x128xf32, #tpu.memory_space<hbm>>
        tpu.enqueue_dma source(%dma_start3A_108 : memref<512x128xf32, #tpu.memory_space<hbm>>) target(%dma_start3A_106 : memref<512x128xf32, #tpu.memory_space<vmem>>) target_semaphore(%dma_start3A_102 : memref<!tpu.dma_semaphore, #tpu.memory_space<semaphore_mem>>)
        %dma_start3A_109 = tpu.memref_slice %arg12[%sub3A_89] : memref<2x!tpu.dma_semaphore, #tpu.memory_space<semaphore_mem>> -> memref<1x!tpu.dma_semaphore, #tpu.memory_space<semaphore_mem>>
        %dma_start3A_110 = tpu.memref_squeeze %dma_start3A_109 : memref<1x!tpu.dma_semaphore, #tpu.memory_space<semaphore_mem>> -> memref<!tpu.dma_semaphore, #tpu.memory_space<semaphore_mem>>
        %dma_start3A_111 = arith.constant 0 : i32
        %dma_start3A_112 = tpu.memref_slice %arg9[%sub3A_89, %dma_start3A_111] : memref<2x512xi32, #tpu.memory_space<vmem>> -> memref<1x512xi32, #tpu.memory_space<vmem>>
        %dma_start3A_113 = tpu.memref_squeeze %dma_start3A_112 : memref<1x512xi32, #tpu.memory_space<vmem>> -> memref<512xi32, #tpu.memory_space<vmem>>
        %dma_start3A_114 = arith.constant 0 : i32
        %dma_start3A_115 = tpu.memref_slice %arg5[%add3A_87, %dma_start3A_114] : memref<640x512xi32, #tpu.memory_space<hbm>> -> memref<1x512xi32, #tpu.memory_space<hbm>>
        %dma_start3A_116 = tpu.memref_squeeze %dma_start3A_115 : memref<1x512xi32, #tpu.memory_space<hbm>> -> memref<512xi32, #tpu.memory_space<hbm>>
        tpu.enqueue_dma source(%dma_start3A_116 : memref<512xi32, #tpu.memory_space<hbm>>) target(%dma_start3A_113 : memref<512xi32, #tpu.memory_space<vmem>>) target_semaphore(%dma_start3A_110 : memref<!tpu.dma_semaphore, #tpu.memory_space<semaphore_mem>>)
      } else {
      }
      %mul3A_29 = arith.constant 512 : i32
      %mul3A_30 = arith.muli %while3A_20, %mul3A_29 : i32
      %dma_wait3A = tpu.memref_slice %arg10[%rem3A_22] : memref<2x!tpu.dma_semaphore, #tpu.memory_space<semaphore_mem>> -> memref<1x!tpu.dma_semaphore, #tpu.memory_space<semaphore_mem>>
      %dma_wait3A_31 = tpu.memref_squeeze %dma_wait3A : memref<1x!tpu.dma_semaphore, #tpu.memory_space<semaphore_mem>> -> memref<!tpu.dma_semaphore, #tpu.memory_space<semaphore_mem>>
      %dma_wait3A_32 = arith.constant 0 : i32
      %dma_wait3A_33 = arith.constant 0 : i32
      %dma_wait3A_34 = tpu.memref_slice %arg7[%rem3A_22, %dma_wait3A_32, %dma_wait3A_33] : memref<2x512x128xf32, #tpu.memory_space<vmem>> -> memref<1x512x128xf32, #tpu.memory_space<vmem>>
      %dma_wait3A_35 = tpu.memref_squeeze %dma_wait3A_34 : memref<1x512x128xf32, #tpu.memory_space<vmem>> -> memref<512x128xf32, #tpu.memory_space<vmem>>
      %dma_wait3A_36 = arith.constant 0 : i32
      %dma_wait3A_37 = tpu.memref_slice %arg3[%mul3A_30, %dma_wait3A_36] : memref<327680x128xf32, #tpu.memory_space<hbm>> -> memref<512x128xf32, #tpu.memory_space<hbm>>
      tpu.wait_dma2 semaphore(%dma_wait3A_31 : memref<!tpu.dma_semaphore, #tpu.memory_space<semaphore_mem>>) src(%dma_wait3A_37 : memref<512x128xf32, #tpu.memory_space<hbm>>) dst(%dma_wait3A_35 : memref<512x128xf32, #tpu.memory_space<vmem>>)
      %mul3A_38 = arith.constant 512 : i32
      %mul3A_39 = arith.muli %while3A_20, %mul3A_38 : i32
      %dma_wait3A_40 = tpu.memref_slice %arg11[%rem3A_22] : memref<2x!tpu.dma_semaphore, #tpu.memory_space<semaphore_mem>> -> memref<1x!tpu.dma_semaphore, #tpu.memory_space<semaphore_mem>>
      %dma_wait3A_41 = tpu.memref_squeeze %dma_wait3A_40 : memref<1x!tpu.dma_semaphore, #tpu.memory_space<semaphore_mem>> -> memref<!tpu.dma_semaphore, #tpu.memory_space<semaphore_mem>>
      %dma_wait3A_42 = arith.constant 0 : i32
      %dma_wait3A_43 = arith.constant 0 : i32
      %dma_wait3A_44 = tpu.memref_slice %arg8[%rem3A_22, %dma_wait3A_42, %dma_wait3A_43] : memref<2x512x128xf32, #tpu.memory_space<vmem>> -> memref<1x512x128xf32, #tpu.memory_space<vmem>>
      %dma_wait3A_45 = tpu.memref_squeeze %dma_wait3A_44 : memref<1x512x128xf32, #tpu.memory_space<vmem>> -> memref<512x128xf32, #tpu.memory_space<vmem>>
      %dma_wait3A_46 = arith.constant 0 : i32
      %dma_wait3A_47 = tpu.memref_slice %arg4[%mul3A_39, %dma_wait3A_46] : memref<327680x128xf32, #tpu.memory_space<hbm>> -> memref<512x128xf32, #tpu.memory_space<hbm>>
      tpu.wait_dma2 semaphore(%dma_wait3A_41 : memref<!tpu.dma_semaphore, #tpu.memory_space<semaphore_mem>>) src(%dma_wait3A_47 : memref<512x128xf32, #tpu.memory_space<hbm>>) dst(%dma_wait3A_45 : memref<512x128xf32, #tpu.memory_space<vmem>>)
      %dma_wait3A_48 = tpu.memref_slice %arg12[%rem3A_22] : memref<2x!tpu.dma_semaphore, #tpu.memory_space<semaphore_mem>> -> memref<1x!tpu.dma_semaphore, #tpu.memory_space<semaphore_mem>>
      %dma_wait3A_49 = tpu.memref_squeeze %dma_wait3A_48 : memref<1x!tpu.dma_semaphore, #tpu.memory_space<semaphore_mem>> -> memref<!tpu.dma_semaphore, #tpu.memory_space<semaphore_mem>>
      %dma_wait3A_50 = arith.constant 0 : i32
      %dma_wait3A_51 = tpu.memref_slice %arg9[%rem3A_22, %dma_wait3A_50] : memref<2x512xi32, #tpu.memory_space<vmem>> -> memref<1x512xi32, #tpu.memory_space<vmem>>
      %dma_wait3A_52 = tpu.memref_squeeze %dma_wait3A_51 : memref<1x512xi32, #tpu.memory_space<vmem>> -> memref<512xi32, #tpu.memory_space<vmem>>
      %dma_wait3A_53 = arith.constant 0 : i32
      %dma_wait3A_54 = tpu.memref_slice %arg5[%while3A_20, %dma_wait3A_53] : memref<640x512xi32, #tpu.memory_space<hbm>> -> memref<1x512xi32, #tpu.memory_space<hbm>>
      %dma_wait3A_55 = tpu.memref_squeeze %dma_wait3A_54 : memref<1x512xi32, #tpu.memory_space<hbm>> -> memref<512xi32, #tpu.memory_space<hbm>>
      tpu.wait_dma2 semaphore(%dma_wait3A_49 : memref<!tpu.dma_semaphore, #tpu.memory_space<semaphore_mem>>) src(%dma_wait3A_55 : memref<512xi32, #tpu.memory_space<hbm>>) dst(%dma_wait3A_52 : memref<512xi32, #tpu.memory_space<vmem>>)
      %get3A_56 = arith.index_cast %rem3A_22 : i32 to index
      %get3A_57 = arith.constant 0 : index
      %get3A_58 = vector.load %arg9[%get3A_56, %get3A_57] : memref<2x512xi32, #tpu.memory_space<vmem>>, vector<1x512xi32>
      %get3A_59 = vector.shape_cast %get3A_58 : vector<1x512xi32> to vector<512xi32>
      %broadcast_in_dim3A_60 = vector.shape_cast %get3A_59 : vector<512xi32> to vector<1x512xi32>
      %eq3A = vector.broadcast %broadcast_in_dim3A_60 : vector<1x512xi32> to vector<128x512xi32>
      %eq3A_61 = vector.broadcast %add3A_7 : vector<128x1xi32> to vector<128x512xi32>
      %eq3A_62 = arith.cmpi eq, %eq3A, %eq3A_61 : vector<128x512xi32>
      %convert_element_type3A_63 = arith.extui %eq3A_62 : vector<128x512xi1> to vector<128x512xi32>
      %convert_element_type3A_64 = arith.sitofp %convert_element_type3A_63 : vector<128x512xi32> to vector<128x512xf32>
      %get3A_65 = arith.index_cast %rem3A_22 : i32 to index
      %get3A_66 = arith.constant 0 : index
      %get3A_67 = arith.constant 0 : index
      %get3A_68 = vector.load %arg7[%get3A_65, %get3A_66, %get3A_67] : memref<2x512x128xf32, #tpu.memory_space<vmem>>, vector<1x512x128xf32>
      %get3A_69 = vector.shape_cast %get3A_68 : vector<1x512x128xf32> to vector<512x128xf32>
      %get3A_70 = arith.index_cast %rem3A_22 : i32 to index
      %get3A_71 = arith.constant 0 : index
      %get3A_72 = arith.constant 0 : index
      %get3A_73 = vector.load %arg8[%get3A_70, %get3A_71, %get3A_72] : memref<2x512x128xf32, #tpu.memory_space<vmem>>, vector<1x512x128xf32>
      %get3A_74 = vector.shape_cast %get3A_73 : vector<1x512x128xf32> to vector<512x128xf32>
      %add3A_75 = arith.addf %get3A_69, %get3A_74 : vector<512x128xf32>
      %get3A_76 = arith.constant 0 : index
      %get3A_77 = arith.constant 0 : index
      %get3A_78 = vector.load %arg6[%get3A_76, %get3A_77] : memref<128x128xf32, #tpu.memory_space<vmem>>, vector<128x128xf32>
      %dot_general3A = arith.constant dense<0.000000e+00> : vector<128x128xf32>
      %dot_general3A_79 = tpu.matmul %convert_element_type3A_64, %add3A_75, %dot_general3A {dimension_numbers = #tpu.dot_dimension_numbers<[1], [0], [0], [1], [0, 0, 1, 1], [], []>, transpose_lhs_hint = false} : vector<128x512xf32>, vector<512x128xf32>, vector<128x128xf32> -> vector<128x128xf32>
      %add3A_80 = arith.addf %get3A_78, %dot_general3A_79 : vector<128x128xf32>
      %swap3A_81 = arith.constant 0 : index
      %swap3A_82 = arith.constant 0 : index
      %swap3A_83 = vector.load %arg6[%swap3A_81, %swap3A_82] : memref<128x128xf32, #tpu.memory_space<vmem>>, vector<128x128xf32>
      tpu.vector_store %arg6[%swap3A_81, %swap3A_82], %add3A_80 {strides = array<i32>} : memref<128x128xf32, #tpu.memory_space<vmem>>, vector<128x128xf32>,
      %reduce_sum3A = arith.constant dense<0.000000e+00> : vector<128xf32>
      %reduce_sum3A_84 = vector.multi_reduction <add>, %convert_element_type3A_64, %reduce_sum3A [1] : vector<128x512xf32> to vector<128xf32>
      %add3A_85 = arith.addf %while3A_21, %reduce_sum3A_84 : vector<128xf32>
      scf.yield %add3A_85 : vector<128xf32>
    }
    return
  }
  func.func @transform_0(%arg0: i32) -> i32 {
    %c0_i32 = arith.constant 0 : i32
    %c0_i32_0 = arith.constant 0 : i32
    return %c0_i32 : i32
  }
  func.func @transform_1(%arg0: i32) -> i32 {
    %c0_i32 = arith.constant 0 : i32
    %c0_i32_0 = arith.constant 0 : i32
    return %c0_i32 : i32
  }
  func.func @transform_5(%arg0: i32) -> (i32, i32) {
    %c0_i32 = arith.constant 0 : i32
    %c0_i32_0 = arith.constant 0 : i32
    return %arg0, %c0_i32 : i32, i32
  }
}

module attributes {stable_mosaic.version = 14 : i64} {
  func.func @body(%arg0: i32, %arg1: memref<1000x128xf32, #tpu.memory_space<vmem>>, %arg2: memref<1000x128xf32, #tpu.memory_space<vmem>>, %arg3: memref<1000x128xf32, #tpu.memory_space<vmem>>, %arg4: memref<1x128xf32, #tpu.memory_space<vmem>>, %arg5: memref<128x24xf32, #tpu.memory_space<vmem>>, %arg6: memref<1x24xf32, #tpu.memory_space<vmem>>, %arg7: memref<1000x24xf32, #tpu.memory_space<vmem>>) attributes {dimension_semantics = [#tpu.dimension_semantics<arbitrary>], iteration_bounds = array<i64: 10>, scalar_prefetch = 0 : i64, scratch_operands = 0 : i64, tpu.core_type = #tpu.core_type<tc>, window_params = [{transform_indices = @transform_0, window_bounds = array<i64: 1000, 128>}, {transform_indices = @transform_1, window_bounds = array<i64: 1000, 128>}, {transform_indices = @transform_2, window_bounds = array<i64: 1000, 128>}, {pipeline_mode = #tpu.pipeline_mode<synchronous>, transform_indices = @transform_3, window_bounds = array<i64: 1, 128>}, {pipeline_mode = #tpu.pipeline_mode<synchronous>, transform_indices = @transform_4, window_bounds = array<i64: 128, 24>}, {pipeline_mode = #tpu.pipeline_mode<synchronous>, transform_indices = @transform_5, window_bounds = array<i64: 1, 24>}, {transform_indices = @transform_6, window_bounds = array<i64: 1000, 24>}]} {
    %get3A = arith.constant 0 : index
    %get3A_0 = arith.constant 0 : index
    %get3A_1 = vector.load %arg2[%get3A, %get3A_0] : memref<1000x128xf32, #tpu.memory_space<vmem>>, vector<1000x128xf32>
    %slice3A = vector.extract_strided_slice %get3A_1 {offsets = [0, 0], sizes = [1000, 1], strides = [1, 1]} : vector<1000x128xf32> to vector<1000x1xf32>
    %max3A = arith.constant 1.000000e+00 : f32
    %max3A_2 = vector.broadcast %max3A : f32 to vector<1000x1xf32>
    %max3A_3 = arith.maximumf %slice3A, %max3A_2 : vector<1000x1xf32>
    %get3A_4 = arith.constant 0 : index
    %get3A_5 = arith.constant 0 : index
    %get3A_6 = vector.load %arg1[%get3A_4, %get3A_5] : memref<1000x128xf32, #tpu.memory_space<vmem>>, vector<1000x128xf32>
    %div3A = vector.broadcast %max3A_3 : vector<1000x1xf32> to vector<1000x128xf32>
    %div3A_7 = arith.divf %get3A_6, %div3A : vector<1000x128xf32>
    %get3A_8 = arith.constant 0 : index
    %get3A_9 = arith.constant 0 : index
    %get3A_10 = vector.load %arg3[%get3A_8, %get3A_9] : memref<1000x128xf32, #tpu.memory_space<vmem>>, vector<1000x128xf32>
    %add3A = arith.addf %div3A_7, %get3A_10 : vector<1000x128xf32>
    %get3A_11 = arith.constant 0 : index
    %get3A_12 = arith.constant 0 : index
    %get3A_13 = vector.load %arg4[%get3A_11, %get3A_12] : memref<1x128xf32, #tpu.memory_space<vmem>>, vector<1x128xf32>
    %add3A_14 = vector.broadcast %get3A_13 : vector<1x128xf32> to vector<1000x128xf32>
    %add3A_15 = arith.addf %add3A, %add3A_14 : vector<1000x128xf32>
    %get3A_16 = arith.constant 0 : index
    %get3A_17 = arith.constant 0 : index
    %get3A_18 = vector.load %arg5[%get3A_16, %get3A_17] : memref<128x24xf32, #tpu.memory_space<vmem>>, vector<128x24xf32>
    %dot_general3A = arith.constant dense<0.000000e+00> : vector<1000x24xf32>
    %dot_general3A_19 = tpu.matmul %add3A_15, %get3A_18, %dot_general3A {dimension_numbers = #tpu.dot_dimension_numbers<[1], [0], [0], [1], [0, 0, 1, 1], [], []>, transpose_lhs_hint = false} : vector<1000x128xf32>, vector<128x24xf32>, vector<1000x24xf32> -> vector<1000x24xf32>
    %get3A_20 = arith.constant 0 : index
    %get3A_21 = arith.constant 0 : index
    %get3A_22 = vector.load %arg6[%get3A_20, %get3A_21] : memref<1x24xf32, #tpu.memory_space<vmem>>, vector<1x24xf32>
    %add3A_23 = vector.broadcast %get3A_22 : vector<1x24xf32> to vector<1000x24xf32>
    %add3A_24 = arith.addf %dot_general3A_19, %add3A_23 : vector<1000x24xf32>
    %swap3A = arith.constant 0 : index
    %swap3A_25 = arith.constant 0 : index
    %swap3A_26 = vector.load %arg7[%swap3A, %swap3A_25] : memref<1000x24xf32, #tpu.memory_space<vmem>>, vector<1000x24xf32>
    tpu.vector_store %arg7[%swap3A, %swap3A_25], %add3A_24 {strides = array<i32>} : memref<1000x24xf32, #tpu.memory_space<vmem>>, vector<1000x24xf32>,
    return
  }
  func.func @transform_0(%arg0: i32) -> (i32, i32) {
    %c0_i32 = arith.constant 0 : i32
    %c0_i32_0 = arith.constant 0 : i32
    return %arg0, %c0_i32 : i32, i32
  }
  func.func @transform_1(%arg0: i32) -> (i32, i32) {
    %c0_i32 = arith.constant 0 : i32
    %c0_i32_0 = arith.constant 0 : i32
    return %arg0, %c0_i32 : i32, i32
  }
  func.func @transform_2(%arg0: i32) -> (i32, i32) {
    %c0_i32 = arith.constant 0 : i32
    %c0_i32_0 = arith.constant 0 : i32
    return %arg0, %c0_i32 : i32, i32
  }
  func.func @transform_3(%arg0: i32) -> (i32, i32) {
    %c0_i32 = arith.constant 0 : i32
    %c0_i32_0 = arith.constant 0 : i32
    %c0_i32_1 = arith.constant 0 : i32
    return %c0_i32, %c0_i32_0 : i32, i32
  }
  func.func @transform_4(%arg0: i32) -> (i32, i32) {
    %c0_i32 = arith.constant 0 : i32
    %c0_i32_0 = arith.constant 0 : i32
    %c0_i32_1 = arith.constant 0 : i32
    return %c0_i32, %c0_i32_0 : i32, i32
  }
  func.func @transform_5(%arg0: i32) -> (i32, i32) {
    %c0_i32 = arith.constant 0 : i32
    %c0_i32_0 = arith.constant 0 : i32
    %c0_i32_1 = arith.constant 0 : i32
    return %c0_i32, %c0_i32_0 : i32, i32
  }
  func.func @transform_6(%arg0: i32) -> (i32, i32) {
    %c0_i32 = arith.constant 0 : i32
    %c0_i32_0 = arith.constant 0 : i32
    return %arg0, %c0_i32 : i32, i32
  }
}

</mosaic_0001>

<sc_bundles>
// kernel: gather_offload_async_start.1
scs
__scs_entry_jumppad:
0x0: {  	(pc) =	sbr.rel $0x88, $3  }
0x1: {  	(tag) =	ssettag $0x0;
	lr =	simm.s32 $0x1  }
0x2: {  	[smem:$0x3F92] =	sst lr;
	_ =	strace $0xD0000000  }
0x3: {  	_ = 	snop  }
0x4: {  	_ = 	snop  }
0x5: {  	_ = 	snop  }
0x6: {  	_ = 	snop  }
0x7: {  	_ = 	snop  }
__scs_overlays_trampoline_lowered:
0x8: {  	[smem:$0x3FA1] =	sst s0  }
0x9: {  	[smem:$0x3FA2] =	sst s1  }
0xa: {  	[smem:$0x3FA3] =	sst s2  }
0xb: {  	[smem:$0x3FA4] =	sst s3  }
0xc: {  	[smem:$0x3FA5] =	sst s4  }
0xd: {  	[smem:$0x3FA6] =	sst s5  }
0xe: {  	[smem:$0x3FA7] =	sst s6  }
0xf: {  	[smem:$0x3FA8] =	sst s7  }
0x10: {  	[smem:$0x3FA9] =	sst s8  }
0x11: {  	[smem:$0x3FAA] =	sst s9;
	s0 =	simm.s32 @!p0 $0x0  }
0x12: {  	s1 =	sld [smem:$0x3F90];
	s0 =	simm.s32 @p0 $0x1  }
0x13: {  	[smem:$0x3FAB] =	sst s0;
	s0 =	simm.s32 @!p1 $0x0  }
0x14: {  	s2 =	sld [smem:$0x3F8F];
	s0 =	simm.s32 @p1 $0x1  }
0x15: {  	[smem:$0x3FAC] =	sst s0;
	s0 =	simm.s32 @!p2 $0x0  }
0x16: {  	s3 =	sld [smem:$0x3FDB];
	s0 =	simm.s32 @p2 $0x1  }
0x17: {  	s4 =	simm.s32 $0x1BF5;
	[smem:$0x3FAE] =	sst s0  }
0x18: {  	s0 =	sld [smem:$0x3F91];
	_ =	swait.ge [sflag:s4], $0x0  }
0x19: {  	s7 =	sld [smem:$0x3F92]  }
0x1a: {  	s8 =	sadd.s32 $0xFFFFE003, lr  }
0x1b: {  	s9 =	sadd.s32 $0xFFFFFEF7, lr;
	s5 =	simm.s32 $0xFFFFFFFF;
	p2 =	slt.u32 s8, $0xFFFFF086  }
0x1c: {  	p1 =	slt.u32 s9, $0xF7A;
	s5 =	simm.s32 @!p2 $0x0  }
0x1d: {  	s5 =	simm.s32 @p1 $0x1;
	p0 =	seq.s32 s7, s2  }
0x1e: {  	s7 =	smul.u32 @!p0 $0xF7A, s2;
	p2 =	seq.s32 @!p0 s5, $0x0  }
0x1f: {  	s9 =	smul.u32 $0xF7A, s1;
	s8 =	simm.s32 @!p0 $0x1BF5;
	p2 =	por !p2, p0  }
0x20: {  	[sflag:s8] =	ssyncset.s32 @!p0 $0xFFFFF086;
	s6 =	sadd.s32 @!p0 s3, s7;
	s7 =	simm.s32 @!p0 $0x108  }
0x21: {  	s3 =	sadd.s32 s3, s9;
	s6 =	sadd.s32 @!p0 $0x88, s6;
	s7 =	simm.s32 @p2 $0x1082  }
0x22: {  	[simem:s7], [sflag:s8] =	dma.local @!p0 [hbm:s6], $0xF7A  }
0x23: {  	s9 =	sor.u32 $0xD0000000, s2;
	s6 =	simm.s32 $0x108;
	_ =	swait.ge @!p0 [sflag:s8], $0x0  }
0x24: {  	s3 =	sadd.s32 $0x88, s3;
	s6 =	simm.s32 @!p1 $0x1082;
	[sflag:s4] =	ssyncset.s32 $0xFFFFF086  }
0x25: {  	[simem:s6], [sflag:s4] =	dma.local [hbm:s3], $0xF7A  }
0x26: {  	[smem:$0x3F92] =	sst s1;
	(tag) =	ssettag s2;
	_ =	strace s9  }
0x27: {  	s1 =	sld [smem:$0x3FA2]  }
0x28: {  	s2 =	sld [smem:$0x3FA3]  }
0x29: {  	s4 =	sld [smem:$0x3FA5]  }
0x2a: {  	p0 =	seq.s32 s5, $0x0;
	s5 =	sld [smem:$0x3FA6]  }
0x2b: {  	s6 =	sld [smem:$0x3FA7]  }
0x2c: {  	s7 =	sld [smem:$0x3FA8]  }
0x2d: {  	s3 =	simm.s32 $0x108;
	s8 =	sld [smem:$0x3FA9]  }
0x2e: {  	s3 =	simm.s32 @!p0 $0x1082;
	s9 =	sld [smem:$0x3FAA]  }
0x2f: {  	lr =	sadd.s32 s0, s3;
	s0 =	sld [smem:$0x3FA1]  }
0x30: {  	s3 =	sld [smem:$0x3FA4]  }
0x31: {  	[smem:$0x3FAD] =	sst s10  }
0x32: {  	s10 =	sld [smem:$0x3FAB];
	_ =	sdelay $0x3  }
0x33: {  	p0 =	seq.s32 s10, $0x1;
	s10 =	sld [smem:$0x3FAD];
	_ =	sdelay $0x3  }
0x34: {  	[smem:$0x3FAD] =	sst s10  }
0x35: {  	s10 =	sld [smem:$0x3FAC];
	_ =	sdelay $0x3  }
0x36: {  	p1 =	seq.s32 s10, $0x1;
	s10 =	sld [smem:$0x3FAD];
	_ =	sdelay $0x3  }
0x37: {  	[smem:$0x3FAD] =	sst s10  }
0x38: {  	s10 =	sld [smem:$0x3FAE]  }
0x39: {  	_ = 	snop;
	(pc) =	sbr.ind lr, $3  }
0x3a: {  	_ = 	snop  }
0x3b: {  	_ = 	snop  }
0x3c: {  	p2 =	seq.s32 s10, $0x1;
	s10 =	sld [smem:$0x3FAD]  }
0x3d: {  	_ =	shalt  }
0x3e: {  	_ =	shalt  }
0x3f: {  	_ =	shalt  }
0x40: {  	_ =	shalt  }
0x41: {  	_ =	shalt  }
0x42: {  	_ =	shalt  }
0x43: {  	_ =	shalt  }
0x44: {  	_ =	shalt  }
0x45: {  	_ =	shalt  }
0x46: {  	_ =	shalt  }
0x47: {  	_ =	shalt  }
0x48: {  	_ =	shalt  }
0x49: {  	_ =	shalt  }
0x4a: {  	_ =	shalt  }
0x4b: {  	_ =	shalt  }
0x4c: {  	_ =	shalt  }
0x4d: {  	_ =	shalt  }
0x4e: {  	_ =	shalt  }
0x4f: {  	_ =	shalt  }
0x50: {  	_ =	shalt  }
0x51: {  	_ =	shalt  }
0x52: {  	_ =	shalt  }
0x53: {  	_ =	shalt  }
0x54: {  	_ =	shalt  }
0x55: {  	_ =	shalt  }
0x56: {  	_ =	shalt  }
0x57: {  	_ =	shalt  }
0x58: {  	_ =	shalt  }
0x59: {  	_ =	shalt  }
0x5a: {  	_ =	shalt  }
0x5b: {  	_ =	shalt  }
0x5c: {  	_ =	shalt  }
0x5d: {  	_ =	shalt  }
0x5e: {  	_ =	shalt  }
0x5f: {  	_ =	shalt  }
0x60: {  	_ =	shalt  }
0x61: {  	_ =	shalt  }
0x62: {  	_ =	shalt  }
0x63: {  	_ =	shalt  }
0x64: {  	_ =	shalt  }
0x65: {  	_ =	shalt  }
0x66: {  	_ =	shalt  }
0x67: {  	_ =	shalt  }
0x68: {  	_ =	shalt  }
0x69: {  	_ =	shalt  }
0x6a: {  	_ =	shalt  }
0x6b: {  	_ =	shalt  }
0x6c: {  	_ =	shalt  }
0x6d: {  	_ =	shalt  }
0x6e: {  	_ =	shalt  }
0x6f: {  	_ =	shalt  }
0x70: {  	_ =	shalt  }
0x71: {  	_ =	shalt  }
0x72: {  	_ =	shalt  }
0x73: {  	_ =	shalt  }
0x74: {  	_ =	shalt  }
0x75: {  	_ =	shalt  }
0x76: {  	_ =	shalt  }
0x77: {  	_ =	shalt  }
0x78: {  	_ =	shalt  }
0x79: {  	_ =	shalt  }
0x7a: {  	_ =	shalt  }
0x7b: {  	_ =	shalt  }
0x7c: {  	_ =	shalt  }
0x7d: {  	_ =	shalt  }
0x7e: {  	_ =	shalt  }
0x7f: {  	_ =	shalt  }
0x80: {  	_ =	shalt  }
0x81: {  	_ =	shalt  }
0x82: {  	_ =	shalt  }
0x83: {  	_ =	shalt  }
0x84: {  	_ =	shalt  }
0x85: {  	_ =	shalt  }
0x86: {  	_ =	shalt  }
0x87: {  	_ =	shalt  }
.Lfunc_end0:
.L_simem_size_0:
called_computation.1_lowered:
.L_overlay_start_0:
0x88: {  	s2 =	sld [smem:$0x3FD9]  }
0x89: {  	s3 =	sld [smem:$0x3FFE];
	_ =	sdelay $0x1  }
0x8a: {  	s1 =	srdreg.scid  }
0x8b: {  	s0 =	sand.u32 $0x1, s1  }
0x8c: {  	s16 =	sshll.u32 s0, $0xA;
	s2 =	sadd.s32 s3, s2  }
0x8d: {  	s2 =	sadd.s32 s2, s16  }
0x8e: {  	[smem:$0x3FB9] =	sst s2  }
0x8f: {  	_ = 	snop  }
0x90: {  	(tm) =	ssettm $0x1  }
0x91: {  	s17 =	sld [smem:$0x3FFB];
	_ =	sdelay $0x3  }
0x92: {  	_ =	strace s17  }
0x93: {  	s2 =	sld [smem:$0x3FFC];
	_ =	sdelay $0x3  }
0x94: {  	_ =	strace s2  }
0x95: {  	s2 =	sld [smem:$0x3FFD];
	_ =	sdelay $0x3  }
0x96: {  	_ =	strace s2  }
0x97: {  	_ =	strace $0x8FFFFFFF  }
0x98: {  	s18 =	sld [smem:$0x3FDB];
	_ =	sdelay $0x1  }
0x99: {  	s19 =	simm.s32 $_scs_section_size  }
0x9a: {  	s4 =	simm.s32 $_size__tile_overlayer_lowered;
	s5 =	simm.s32 $_tile_overlayer_lowered  }
0x9b: {  	s22 =	simm.s32 $0x1BFF;
	s21 =	sshll.u32 s5, $0x1;
	s2 =	sadd.s32 s19, s18  }
0x9c: {  	s6 =	simm.s32 $0x0;
	s20 =	sshll.u32 s4, $0x1;
	s4 =	sadd.s32 s21, s2  }
0x9d: {  	[timem:s6], [sflag:s22] =	dma.local [hbm:s4], s20  }
0x9e: {  	_ =	swait.ge [sflag:s22], s20  }
0x9f: {  	s3 =	ssub.s32 $0x0, s20;
	[sflag:s22] =	ssyncset.done $0x0  }
0xa0: {  	[sflag:s22] =	ssyncadd.s32 s3;
	_ =	sdelay $0x1  }
0xa1: {  	s23 =	simm.s32 $0x1B8B  }
0xa2: {  	_ =	swait.ge [sflag:s23], $0x1  }
0xa3: {  	[sflag:s23] =	ssyncset.done $0x0  }
0xa4: {  	s25 =	simm.s32 $0x1B8E;
	s24 =	sld [smem:$0x3FFE];
	[sflag:s23] =	ssyncadd.s32 $0xFFFFFFFF  }
0xa5: {  	s26 =	simm.s32 $execute0_lowered;
	[smem:$0x3FD2] =	sst s25  }
0xa6: {  	s4 =	sshll.u32 s26, $0x1;
	_ =	strace $0x80000046;
	[dreg:$0x1] =	wrdreg $0xFFFFFFFF  }
0xa7: {  	s28 =	simm.s32 $_size_execute0_lowered;
	s2 =	sadd.s32 s2, s4;
	[dreg:$0x0] =	wrdreg $0x0  }
0xa8: {  	s4 =	sshll.u32 s28, $0x1;
	[dreg:$0x2] =	wrdreg s2  }
0xa9: {  	[dreg:$0x3] =	wrdreg s4  }
0xaa: {  	[dreg:$0x4] =	wrdreg $0xC0  }
0xab: {  	_ =	task [dreg:s6], $0x5FFFF  }
0xac: {  	[dreg:$0x1] =	wrdreg $0xFFFFFFFF  }
0xad: {  	[dreg:$0x0] =	wrdreg $0x60  }
0xae: {  	[dreg:$0x2] =	wrdreg s24  }
0xaf: {  	[dreg:$0x3] =	wrdreg $0xB  }
0xb0: {  	_ =	task.clear_ibuf [dreg:s6], $0x4FFFF;
	_ =	strace $0x90000046  }
0xb1: {  	s29 =	simm.s32 $0xB;
	_ =	strace $0x80000048  }
0xb2: {  	_ =	swait.ge [sflag:s29], $0x1  }
0xb3: {  	[sflag:s29] =	ssyncadd.s32 $0xFFFFFFFF  }
0xb4: {  	_ =	strace $0x90000048  }
0xb5: {  	_ =	sfence  }
0xb6: {  	s30 =	sld [smem:$0x0];
	_ =	sdelay $0x2  }
0xb7: {  	s31 =	sshll.u32 s1, $0xD;
	s1 =	sshrl.u32 s1, $0x2  }
0xb8: {  	s3 =	sand.u32 $0x4000, s31;
	s1 =	sadd.s32 s1, s30  }
0xb9: {  	s0 =	sor.u32 s3, s0;
	s1 =	sshll.u32 s1, $0x11  }
0xba: {  	s0 =	sor.u32 s1, s0  }
0xbb: {  	s0 =	sadd.s32 $0x8F2B, s0  }
0xbc: {  	[sflag:s0] =	ssyncadd.remote.s32 $0x1  }
0xbd: {  	_ =	sfence.sel $0xFFFF  }
0xbe: {  	[dreg:$0x0] =	wrdreg $0xFFFFFFFF;
	(pc) =	sbr.abs _section_cstart, $3  }
0xbf: {  	[dreg:$0x1] =	wrdreg $0xFFFFFFFF  }
0xc0: {  	_ =	task.clear_ibuf [dreg:s6], $0x2FFFF;
	_ =	strace $0x9FFFFFFF  }
0xc1: {  	(tm) =	ssettm $0x7FFFFFFF  }
tec
execute0_lowered:
.L_overlay_start_1:
0x0: {  	(tag) =	ssettag $0x1  }
0x1: {  	s8 =	rddreg [dreg:$0x0]  }
0x2: {  	s0 =	rddreg [dreg:$0x1];
	_ =	strace $0x80000047;
	s1 =	stileid.u32  }
0x3: {  	s3 =	srdreg.scid;
	s4 =	simm.s32 $0x1;
	s7 =	simm.s32 $0x1  }
0x4: {  	s9 =	simm.s32 $0x1;
	s10 =	simm.s32 $0x3;
	s13 =	simm.s32 $0x0  }
0x5: {  	s12 =	simm.s32 $0x0;
	s5 =	sand.u32 $0x1, s3;
	s6 =	sshll.u32 s1, $0x1  }
0x6: {  	s2 =	sadd.s32 $0x4200, s8;
	s3 =	sadd.s32 $0x17E00, s8;
	s5 =	sor.u32 s6, s5  }
.Ltmp0:
0x7: {  	[sflag:s4] =	ssyncpa.u1 $0x0;
	p0 =	slt.u32 s5, $0x9;
	(pc) =	sbr.rel .LBB2_1-.Ltmp0, $4  }
0x8: {  	s6 =	simm.s32 $0x2;
	s7 =	simm.s32 @!p0 $0x0;
	p0 =	sne.s32 s5, $0x8  }
0x9: {  	[sflag:s6] =	ssyncpa.u1 $0x0;
	s5 =	smul.u32 $0x1F40, s5;
	s9 =	simm.s32 @!p0 $0x0  }
0xa: {  	s8 =	sadd.s32 $0x2BC00, s8;
	[sflag:s10] =	ssyncpa.u1 $0x0;
	s7 =	sadd.s32 s9, s7  }
0xb: {  	vm0 =	vmmov $0xffff;
	s10 =	simm.s32 $0x0;
	s11 =	smov.u32 s5;
	s9 =	sadd.s32 $0x1, s7  }
.LBB2_4:
0xc: {  	v2 =	vnsel vm1, $0x0, v2  }
0xd: {  	vm1 =	vgt.s32 v0, $0x0;
	v2 =	vmin.u32 v2, $0x4E1FF  }
0xe: {  	v0 =	vnsel vm1, $0x0, v0  }
0xf: {  	v0 =	vmin.u32 v0, $0x4E1FF  }
0x10: {  	[tilespmem:s18], [sflag:$0x1] =	stream.indirect_vreg.gather [hbm4b:s2+s10], $0x1, v1, vm0, $0x4038;
	[tilespmem:$0x7D00] =	vst v63  }
0x11: {  	(ifvalue) =	ssetifvalue $0x7FFFFFFF  }
0x12: {  	[tilespmem:s15], [sflag:$0x1] =	stream.indirect_vreg.gather [hbm4b:s2+s10], $0x1, v2, vm0, $0x4038;
	[tilespmem:$0x7D00] =	vst v63  }
0x13: {  	s29 =	sadd.s32 $0x10, s15;
	(ifvalue) =	ssetifvalue $0x7FFFFFFF  }
0x14: {  	[tilespmem:s29], [sflag:$0x1] =	stream.indirect_vreg.gather [hbm4b:s2+s10], $0x1, v0, vm0, $0x4038;
	[tilespmem:$0x7D00] =	vst v63  }
0x15: {  	_ =	swait.ge [sflag:s4], $0x1F40  }
0x16: {  	s30 =	sshrl.u32 s13, $0x3;
	[sflag:s4] =	ssyncset.done $0x0  }
0x17: {  	s31 =	sand.u32 $0x7, s13;
	s15 =	sadd.s32 s8, s30;
	[sflag:s4] =	ssyncadd.s32 $0xFFFFE0C0  }
0x18: {  	[hbm4b:s15+s31] =	stream.linear.scatter [tilespmem:s14], [sflag:$0x3], $0x1F40, $0x38;
	[tilespmem:$0x7D00] =	vst v63  }
.LBB2_5:
0x19: {  	s15 =	sadd.s32 $0x3E800, s11  }
0x1a: {  	p1 =	sgt.s32 s15, $0x4E1FF  }
0x1b: {  	s15 =	smov.u32 @p1 s5;
	p1 =	sne.s32 s12, s9  }
.Ltmp1:
0x1c: {  	p0 =	slt.u32 s12, $0x2;
	(pc) =	sbr.rel @!p1 .LBB2_6-.Ltmp1, $4  }
0x1d: {  	s14 =	simm.s32 @!p0 $0x3  }
0x1e: {  	_ =	swait.ge @!p0 [sflag:s14], $0x1F40  }
0x1f: {  	s16 =	sadd.s32 $0x1, s12;
	s13 =	smov.u32 s11;
	[sflag:s14] =	ssyncset.done @!p0 $0x0  }
0x20: {  	s12 =	smov.u32 s16;
	s11 =	smov.u32 s15;
	[sflag:s14] =	ssyncadd.s32 @!p0 $0xFFFFE0C0  }
.LBB2_1:
0x21: {  	p0 =	sge.u32 s12, s7  }
0x22: {  	s14 =	sxor.u32 @!p0 $0x1, s12  }
0x23: {  	s14 =	smul.u32 @!p0 $0x7D00, s14  }
0x24: {  	s31 =	sadd.s32 $0xFFFFFFFF, s12;
	s15 =	sshrl.u32 @!p0 s11, $0x3  }
0x25: {  	s16 =	sand.u32 @!p0 $0x7, s11;
	s15 =	sadd.s32 @!p0 s3, s15;
	s14 =	sshra.s32 @!p0 s14, $0x2  }
0x26: {  	[tilespmem:s14], [sflag:$0x2] =	stream.linear.gather @!p0 [hbm4b:s15+s16], $0x1F40, $0x38;
	[tilespmem:$0x7D00] =	vst v63  }
0x27: {  	p0 =	sge.u32 s31, s7  }
.Ltmp2:
0x28: {  	_ = 	snop;
	(pc) =	sbr.rel @p0 .LBB2_5-.Ltmp2, $1  }
0x29: {  	_ =	sdelay $0x3  }
0x2a: {  	s14 =	sand.u32 $0x1, s12  }
0x2b: {  	_ =	swait.ge [sflag:s6], $0x1F40;
	p0 =	seq.s32 s14, $0x1;
	s14 =	simm.s32 $0x1F40  }
0x2c: {  	[sflag:s6] =	ssyncset.done $0x0;
	s14 =	simm.s32 @!p0 $0x0  }
0x2d: {  	[sflag:s6] =	ssyncadd.s32 $0xFFFFE0C0;
	(ifvalue) =	ssetifvalue $0x7FFFFFFF;
	v0 =	vld.msk [tilespmem:s14+$0x0 ss:$0x1], $0xffff;
	_ =	sdelay $0x4  }
0x2e: {  	s15 =	sadd.s32 $0x10, s14;
	vm1 =	vgt.s32 v0, $0x0  }
0x2f: {  	v2 =	vld.msk [tilespmem:s15+$0x0 ss:$0x1], $0xffff;
	v1 =	vnsel vm1, $0x0, v0  }
0x30: {  	v1 =	vmin.u32 v1, $0x4E1FF;
	_ =	sdelay $0x2  }
0x31: {  	s17 =	simm.s32 $0x20;
	s14 =	sadd.s32 $0x3E80, s14;
	s16 =	sadd.s32 $0x10, s15  }
0x32: {  	s15 =	sadd.s32 $0x10, s14;
	s18 =	smov.u32 s14;
	v0 =	vld.msk [tilespmem:s16+$0x0 ss:$0x1], $0xffff;
	vm1 =	vgt.s32 v2, $0x0;
	(ifvalue) =	ssetifvalue $0x7FFFFFFF  }
.LBB2_3:
0x33: {  	[tilespmem:s18], [sflag:$0x1] =	stream.indirect_vreg.gather [hbm4b:s2+s10], $0x1, v1, vm0, $0x4038;
	[tilespmem:$0x7D00] =	vst v63  }
0x34: {  	s17 =	sadd.s32 $0x10, s17  }
0x35: {  	v2 =	vnsel vm1, $0x0, v2;
	p0 =	slt.u32 s17, $0x1F30  }
.Ltmp3:
0x36: {  	s18 =	smov.u32 s15;
	v1 =	vmin.u32 v2, $0x4E1FF;
	(pc) =	sbr.rel @p0 .LBB2_3-.Ltmp3, $3  }
0x37: {  	_ =	sdelay $0x1  }
0x38: {  	s16 =	sadd.s32 $0x10, s16  }
0x39: {  	vm1 =	vgt.s32 v0, $0x0;
	s15 =	sadd.s32 $0x10, s15;
	v2 =	vmov v0;
	(ifvalue) =	ssetifvalue $0x7FFFFFFF;
	v0 =	vld.msk [tilespmem:s16+$0x0 ss:$0x1], $0xffff  }
.Ltmp4:
0x3a: {  	_ = 	snop;
	(pc) =	sbr.rel .LBB2_4-.Ltmp4, $1  }
0x3b: {  	_ =	sdelay $0x3  }
.LBB2_6:
0x3c: {  	_ =	sfence.sel $0x180000  }
0x3d: {  	s2 =	simm.s32 $0x2;
	[bflag:$0x0] =	sbarrier.arrive $0xFFFF  }
0x3e: {  	s30 =	simm.s32 $0x3;
	[sflag:s2] =	ssyncpa.u1 $0x1  }
0x3f: {  	s31 =	simm.s32 $0x1;
	[sflag:s30] =	ssyncpa.u1 $0x1  }
0x40: {  	[sflag:s31] =	ssyncpa.u1 $0x1  }
0x41: {  	p0 =	sne.s32 s1, $0x0;
	_ =	strace $0x90000047  }
0x42: {  	s0 =	sadd.s32 @!p0 $0x100000, s0;
	[bflag:$0x2] =	sbarrier.arrive $0xFFFF  }
0x43: {  	[sflag:s0] =	ssyncadd.tile.s32 @!p0 $0x1;
	_ =	shalt  }
.Lfunc_end2:
_tile_overlayer_lowered:
.L_overlay_start_2:
0x44: {  	(tag) =	ssettag $0x2  }
0x45: {  	s0 =	rddreg [dreg:$0x0];
	s2 =	stileid.u32  }
0x46: {  	s1 =	rddreg [dreg:$0x1];
	p0 =	sne.s32 s2, $0x0  }
0x47: {  	s3 =	rddreg [dreg:$0x2];
	[bflag:$0x3] =	sbarrier.arrive $0xFFFF;
	s2 =	simm.s32 @!p0 $0x1C01  }
0x48: {  	[timem:s3], [sflag:s2] =	dma.local @!p0 [hbm:s0], s1  }
0x49: {  	s0 =	simm.s32 @!p0 $0x1  }
0x4a: {  	_ =	swait.ge @!p0 [sflag:s0], s1  }
0x4b: {  	s1 =	ssub.s32 @!p0 $0x0, s1;
	[sflag:s0] =	ssyncset.done @!p0 $0x0  }
0x4c: {  	[sflag:s0] =	ssyncadd.s32 @!p0 s1  }
0x4d: {  	[bflag:$0x3] =	sbarrier.arrive $0xFFFF  }
0x4e: {  	_ =	shalt  }

// kernel: gather_offload_async_start
scs
__scs_entry_jumppad:
0x0: {  	(pc) =	sbr.rel $0x88, $3  }
0x1: {  	(tag) =	ssettag $0x0;
	lr =	simm.s32 $0x1  }
0x2: {  	[smem:$0x3F92] =	sst lr;
	_ =	strace $0xD0000000  }
0x3: {  	_ = 	snop  }
0x4: {  	_ = 	snop  }
0x5: {  	_ = 	snop  }
0x6: {  	_ = 	snop  }
0x7: {  	_ = 	snop  }
__scs_overlays_trampoline_lowered:
0x8: {  	[smem:$0x3FA1] =	sst s0  }
0x9: {  	[smem:$0x3FA2] =	sst s1  }
0xa: {  	[smem:$0x3FA3] =	sst s2  }
0xb: {  	[smem:$0x3FA4] =	sst s3  }
0xc: {  	[smem:$0x3FA5] =	sst s4  }
0xd: {  	[smem:$0x3FA6] =	sst s5  }
0xe: {  	[smem:$0x3FA7] =	sst s6  }
0xf: {  	[smem:$0x3FA8] =	sst s7  }
0x10: {  	[smem:$0x3FA9] =	sst s8  }
0x11: {  	[smem:$0x3FAA] =	sst s9;
	s0 =	simm.s32 @!p0 $0x0  }
0x12: {  	s1 =	sld [smem:$0x3F90];
	s0 =	simm.s32 @p0 $0x1  }
0x13: {  	[smem:$0x3FAB] =	sst s0;
	s0 =	simm.s32 @!p1 $0x0  }
0x14: {  	s2 =	sld [smem:$0x3F8F];
	s0 =	simm.s32 @p1 $0x1  }
0x15: {  	[smem:$0x3FAC] =	sst s0;
	s0 =	simm.s32 @!p2 $0x0  }
0x16: {  	s3 =	sld [smem:$0x3FDB];
	s0 =	simm.s32 @p2 $0x1  }
0x17: {  	s4 =	simm.s32 $0x1BF5;
	[smem:$0x3FAE] =	sst s0  }
0x18: {  	s0 =	sld [smem:$0x3F91];
	_ =	swait.ge [sflag:s4], $0x0  }
0x19: {  	s7 =	sld [smem:$0x3F92]  }
0x1a: {  	s8 =	sadd.s32 $0xFFFFE003, lr  }
0x1b: {  	s9 =	sadd.s32 $0xFFFFFEF7, lr;
	s5 =	simm.s32 $0xFFFFFFFF;
	p2 =	slt.u32 s8, $0xFFFFF086  }
0x1c: {  	p1 =	slt.u32 s9, $0xF7A;
	s5 =	simm.s32 @!p2 $0x0  }
0x1d: {  	s5 =	simm.s32 @p1 $0x1;
	p0 =	seq.s32 s7, s2  }
0x1e: {  	s7 =	smul.u32 @!p0 $0xF7A, s2;
	p2 =	seq.s32 @!p0 s5, $0x0  }
0x1f: {  	s9 =	smul.u32 $0xF7A, s1;
	s8 =	simm.s32 @!p0 $0x1BF5;
	p2 =	por !p2, p0  }
0x20: {  	[sflag:s8] =	ssyncset.s32 @!p0 $0xFFFFF086;
	s6 =	sadd.s32 @!p0 s3, s7;
	s7 =	simm.s32 @!p0 $0x108  }
0x21: {  	s3 =	sadd.s32 s3, s9;
	s6 =	sadd.s32 @!p0 $0x88, s6;
	s7 =	simm.s32 @p2 $0x1082  }
0x22: {  	[simem:s7], [sflag:s8] =	dma.local @!p0 [hbm:s6], $0xF7A  }
0x23: {  	s9 =	sor.u32 $0xD0000000, s2;
	s6 =	simm.s32 $0x108;
	_ =	swait.ge @!p0 [sflag:s8], $0x0  }
0x24: {  	s3 =	sadd.s32 $0x88, s3;
	s6 =	simm.s32 @!p1 $0x1082;
	[sflag:s4] =	ssyncset.s32 $0xFFFFF086  }
0x25: {  	[simem:s6], [sflag:s4] =	dma.local [hbm:s3], $0xF7A  }
0x26: {  	[smem:$0x3F92] =	sst s1;
	(tag) =	ssettag s2;
	_ =	strace s9  }
0x27: {  	s1 =	sld [smem:$0x3FA2]  }
0x28: {  	s2 =	sld [smem:$0x3FA3]  }
0x29: {  	s4 =	sld [smem:$0x3FA5]  }
0x2a: {  	p0 =	seq.s32 s5, $0x0;
	s5 =	sld [smem:$0x3FA6]  }
0x2b: {  	s6 =	sld [smem:$0x3FA7]  }
0x2c: {  	s7 =	sld [smem:$0x3FA8]  }
0x2d: {  	s3 =	simm.s32 $0x108;
	s8 =	sld [smem:$0x3FA9]  }
0x2e: {  	s3 =	simm.s32 @!p0 $0x1082;
	s9 =	sld [smem:$0x3FAA]  }
0x2f: {  	lr =	sadd.s32 s0, s3;
	s0 =	sld [smem:$0x3FA1]  }
0x30: {  	s3 =	sld [smem:$0x3FA4]  }
0x31: {  	[smem:$0x3FAD] =	sst s10  }
0x32: {  	s10 =	sld [smem:$0x3FAB];
	_ =	sdelay $0x3  }
0x33: {  	p0 =	seq.s32 s10, $0x1;
	s10 =	sld [smem:$0x3FAD];
	_ =	sdelay $0x3  }
0x34: {  	[smem:$0x3FAD] =	sst s10  }
0x35: {  	s10 =	sld [smem:$0x3FAC];
	_ =	sdelay $0x3  }
0x36: {  	p1 =	seq.s32 s10, $0x1;
	s10 =	sld [smem:$0x3FAD];
	_ =	sdelay $0x3  }
0x37: {  	[smem:$0x3FAD] =	sst s10  }
0x38: {  	s10 =	sld [smem:$0x3FAE]  }
0x39: {  	_ = 	snop;
	(pc) =	sbr.ind lr, $3  }
0x3a: {  	_ = 	snop  }
0x3b: {  	_ = 	snop  }
0x3c: {  	p2 =	seq.s32 s10, $0x1;
	s10 =	sld [smem:$0x3FAD]  }
0x3d: {  	_ =	shalt  }
0x3e: {  	_ =	shalt  }
0x3f: {  	_ =	shalt  }
0x40: {  	_ =	shalt  }
0x41: {  	_ =	shalt  }
0x42: {  	_ =	shalt  }
0x43: {  	_ =	shalt  }
0x44: {  	_ =	shalt  }
0x45: {  	_ =	shalt  }
0x46: {  	_ =	shalt  }
0x47: {  	_ =	shalt  }
0x48: {  	_ =	shalt  }
0x49: {  	_ =	shalt  }
0x4a: {  	_ =	shalt  }
0x4b: {  	_ =	shalt  }
0x4c: {  	_ =	shalt  }
0x4d: {  	_ =	shalt  }
0x4e: {  	_ =	shalt  }
0x4f: {  	_ =	shalt  }
0x50: {  	_ =	shalt  }
0x51: {  	_ =	shalt  }
0x52: {  	_ =	shalt  }
0x53: {  	_ =	shalt  }
0x54: {  	_ =	shalt  }
0x55: {  	_ =	shalt  }
0x56: {  	_ =	shalt  }
0x57: {  	_ =	shalt  }
0x58: {  	_ =	shalt  }
0x59: {  	_ =	shalt  }
0x5a: {  	_ =	shalt  }
0x5b: {  	_ =	shalt  }
0x5c: {  	_ =	shalt  }
0x5d: {  	_ =	shalt  }
0x5e: {  	_ =	shalt  }
0x5f: {  	_ =	shalt  }
0x60: {  	_ =	shalt  }
0x61: {  	_ =	shalt  }
0x62: {  	_ =	shalt  }
0x63: {  	_ =	shalt  }
0x64: {  	_ =	shalt  }
0x65: {  	_ =	shalt  }
0x66: {  	_ =	shalt  }
0x67: {  	_ =	shalt  }
0x68: {  	_ =	shalt  }
0x69: {  	_ =	shalt  }
0x6a: {  	_ =	shalt  }
0x6b: {  	_ =	shalt  }
0x6c: {  	_ =	shalt  }
0x6d: {  	_ =	shalt  }
0x6e: {  	_ =	shalt  }
0x6f: {  	_ =	shalt  }
0x70: {  	_ =	shalt  }
0x71: {  	_ =	shalt  }
0x72: {  	_ =	shalt  }
0x73: {  	_ =	shalt  }
0x74: {  	_ =	shalt  }
0x75: {  	_ =	shalt  }
0x76: {  	_ =	shalt  }
0x77: {  	_ =	shalt  }
0x78: {  	_ =	shalt  }
0x79: {  	_ =	shalt  }
0x7a: {  	_ =	shalt  }
0x7b: {  	_ =	shalt  }
0x7c: {  	_ =	shalt  }
0x7d: {  	_ =	shalt  }
0x7e: {  	_ =	shalt  }
0x7f: {  	_ =	shalt  }
0x80: {  	_ =	shalt  }
0x81: {  	_ =	shalt  }
0x82: {  	_ =	shalt  }
0x83: {  	_ =	shalt  }
0x84: {  	_ =	shalt  }
0x85: {  	_ =	shalt  }
0x86: {  	_ =	shalt  }
0x87: {  	_ =	shalt  }
.Lfunc_end0:
.L_simem_size_0:
called_computation_lowered:
.L_overlay_start_0:
0x88: {  	s2 =	sld [smem:$0x3FD9]  }
0x89: {  	s3 =	sld [smem:$0x3FFE];
	_ =	sdelay $0x1  }
0x8a: {  	s1 =	srdreg.scid  }
0x8b: {  	s0 =	sand.u32 $0x1, s1  }
0x8c: {  	s17 =	sshll.u32 s0, $0xA;
	s2 =	sadd.s32 s3, s2  }
0x8d: {  	s2 =	sadd.s32 s2, s17  }
0x8e: {  	[smem:$0x3FB9] =	sst s2  }
0x8f: {  	_ = 	snop  }
0x90: {  	(tm) =	ssettm $0x1  }
0x91: {  	s18 =	sld [smem:$0x3FFB];
	_ =	sdelay $0x3  }
0x92: {  	_ =	strace s18  }
0x93: {  	s2 =	sld [smem:$0x3FFC];
	_ =	sdelay $0x3  }
0x94: {  	_ =	strace s2  }
0x95: {  	s2 =	sld [smem:$0x3FFD];
	_ =	sdelay $0x3  }
0x96: {  	_ =	strace s2  }
0x97: {  	_ =	strace $0x8FFFFFFF  }
0x98: {  	s19 =	sld [smem:$0x3FDB];
	_ =	sdelay $0x1  }
0x99: {  	s20 =	simm.s32 $_scs_section_size  }
0x9a: {  	s4 =	simm.s32 $_size__tile_overlayer_lowered;
	s5 =	simm.s32 $_tile_overlayer_lowered  }
0x9b: {  	s6 =	simm.s32 $0x1BFF;
	s21 =	sshll.u32 s5, $0x1;
	s3 =	sadd.s32 s20, s19  }
0x9c: {  	s22 =	simm.s32 $0x0;
	s4 =	sshll.u32 s4, $0x1;
	s5 =	sadd.s32 s21, s3  }
0x9d: {  	[timem:s22], [sflag:s6] =	dma.local [hbm:s5], s4  }
0x9e: {  	_ =	swait.ge [sflag:s6], s4  }
0x9f: {  	s4 =	ssub.s32 $0x0, s4;
	[sflag:s6] =	ssyncset.done $0x0  }
0xa0: {  	[sflag:s6] =	ssyncadd.s32 s4;
	_ =	sdelay $0x1  }
0xa1: {  	s23 =	simm.s32 $0x1B8B  }
0xa2: {  	_ =	swait.ge [sflag:s23], $0x1  }
0xa3: {  	[sflag:s23] =	ssyncset.done $0x0  }
0xa4: {  	[sflag:s23] =	ssyncadd.s32 $0xFFFFFFFF  }
0xa5: {  	s4 =	sld [smem:$0x0]  }
0xa6: {  	s5 =	sand.u32 $0xFFFFFFFE, s1  }
0xa7: {  	p0 =	sne.s32 s1, s5  }
0xa8: {  	s5 =	sshll.u32 @p0 s5, $0xE  }
0xa9: {  	s5 =	sadd.s32 @p0 $0x11B8D, s5;
	s6 =	sshll.u32 @p0 s4, $0x11  }
0xaa: {  	s5 =	sor.u32 @p0 s6, s5  }
0xab: {  	[sflag:s5] =	ssyncadd.remote.s32 @p0 $0x1;
	_ =	sdelay $0x1  }
0xac: {  	s5 =	simm.s32 @p0 $0x1B8D  }
0xad: {  	_ =	swait.eq @p0 [sflag:s5], $0x1  }
0xae: {  	[sflag:s5] =	ssyncadd.s32 @p0 $0xFFFFFFFF  }
0xaf: {  	s6 =	sshll.u32 @!p0 s1, $0xE  }
0xb0: {  	s6 =	sor.u32 @!p0 $0x4000, s6;
	s5 =	simm.s32 @!p0 $0x1B8D  }
0xb1: {  	s4 =	sshll.u32 @!p0 s4, $0x11;
	s6 =	sadd.s32 @!p0 $0x11B8D, s6;
	_ =	swait.eq @!p0 [sflag:s5], $0x1  }
0xb2: {  	s4 =	sor.u32 @!p0 s4, s6;
	[sflag:s5] =	ssyncadd.s32 @!p0 $0xFFFFFFFF  }
0xb3: {  	s25 =	simm.s32 $0x1B8E;
	s24 =	sld [smem:$0x3FFE];
	[sflag:s4] =	ssyncadd.remote.s32 @!p0 $0x1  }
0xb4: {  	s26 =	simm.s32 $execute0_lowered;
	[smem:$0x3FD2] =	sst s25  }
0xb5: {  	s5 =	sshll.u32 s26, $0x1;
	_ =	strace $0x80000049;
	[dreg:$0x1] =	wrdreg $0xFFFFFFFF  }
0xb6: {  	s28 =	simm.s32 $_size_execute0_lowered;
	s3 =	sadd.s32 s3, s5;
	[dreg:$0x0] =	wrdreg $0x0  }
0xb7: {  	s5 =	sshll.u32 s28, $0x1;
	[dreg:$0x2] =	wrdreg s3  }
0xb8: {  	[dreg:$0x3] =	wrdreg s5  }
0xb9: {  	[dreg:$0x4] =	wrdreg $0xC0  }
0xba: {  	_ =	task [dreg:s22], $0x5FFFF  }
0xbb: {  	[dreg:$0x1] =	wrdreg $0xFFFFFFFF  }
0xbc: {  	[dreg:$0x0] =	wrdreg $0x60  }
0xbd: {  	[dreg:$0x2] =	wrdreg s24  }
0xbe: {  	[dreg:$0x3] =	wrdreg $0x9  }
0xbf: {  	_ =	task.clear_ibuf [dreg:s22], $0x4FFFF;
	_ =	strace $0x90000049  }
0xc0: {  	s29 =	simm.s32 $0x9;
	_ =	strace $0x8000004B  }
0xc1: {  	_ =	swait.ge [sflag:s29], $0x1  }
0xc2: {  	[sflag:s29] =	ssyncadd.s32 $0xFFFFFFFF  }
0xc3: {  	_ =	strace $0x9000004B  }
0xc4: {  	_ =	sfence  }
0xc5: {  	s30 =	sld [smem:$0x0];
	_ =	sdelay $0x2  }
0xc6: {  	s31 =	sshll.u32 s1, $0xD;
	s1 =	sshrl.u32 s1, $0x2  }
0xc7: {  	s4 =	sand.u32 $0x4000, s31;
	s1 =	sadd.s32 s1, s30  }
0xc8: {  	s0 =	sor.u32 s4, s0;
	s1 =	sshll.u32 s1, $0x11  }
0xc9: {  	s0 =	sor.u32 s1, s0  }
0xca: {  	s0 =	sadd.s32 $0x8F2B, s0  }
0xcb: {  	[sflag:s0] =	ssyncadd.remote.s32 $0x1  }
0xcc: {  	_ =	sfence.sel $0xFFFF  }
0xcd: {  	[dreg:$0x0] =	wrdreg $0xFFFFFFFF;
	(pc) =	sbr.abs _section_cstart, $3  }
0xce: {  	[dreg:$0x1] =	wrdreg $0xFFFFFFFF  }
0xcf: {  	_ =	task.clear_ibuf [dreg:s22], $0x2FFFF;
	_ =	strace $0x9FFFFFFF  }
0xd0: {  	(tm) =	ssettm $0x7FFFFFFF  }
0xd1: {  	_ =	shalt  }
tec
execute0_lowered:
.L_overlay_start_1:
0x0: {  	(tag) =	ssettag $0x1  }
0x1: {  	s8 =	rddreg [dreg:$0x0]  }
0x2: {  	s0 =	rddreg [dreg:$0x1];
	_ =	strace $0x8000004A;
	s1 =	stileid.u32  }
0x3: {  	s3 =	srdreg.scid;
	s4 =	simm.s32 $0x1;
	s7 =	simm.s32 $0x1  }
0x4: {  	s9 =	simm.s32 $0x1;
	s10 =	simm.s32 $0x3;
	s13 =	simm.s32 $0x0  }
0x5: {  	s12 =	simm.s32 $0x0;
	s5 =	sand.u32 $0x1, s3;
	s6 =	sshll.u32 s1, $0x1  }
0x6: {  	s2 =	sadd.s32 $0xE000, s8;
	s3 =	sadd.s32 $0x17E00, s8;
	s5 =	sor.u32 s6, s5  }
.Ltmp0:
0x7: {  	[sflag:s4] =	ssyncpa.u1 $0x0;
	p0 =	slt.u32 s5, $0x9;
	(pc) =	sbr.rel .LBB2_1-.Ltmp0, $4  }
0x8: {  	s6 =	simm.s32 $0x2;
	s7 =	simm.s32 @!p0 $0x0;
	p0 =	sne.s32 s5, $0x8  }
0x9: {  	[sflag:s6] =	ssyncpa.u1 $0x0;
	s5 =	smul.u32 $0x1F40, s5;
	s9 =	simm.s32 @!p0 $0x0  }
0xa: {  	s8 =	sadd.s32 $0x517A00, s8;
	[sflag:s10] =	ssyncpa.u1 $0x0;
	s7 =	sadd.s32 s9, s7  }
0xb: {  	vm0 =	vmmov $0xffff;
	s10 =	simm.s32 $0x0;
	s11 =	smov.u32 s5;
	s9 =	sadd.s32 $0x1, s7  }
.LBB2_4:
0xc: {  	v2 =	vnsel vm1, $0x0, v2  }
0xd: {  	vm1 =	vgt.s32 v0, $0x0;
	v2 =	vmin.u32 v2, $0x4E1FF  }
0xe: {  	v0 =	vnsel vm1, $0x0, v0  }
0xf: {  	v0 =	vmin.u32 v0, $0x4E1FF  }
0x10: {  	[tilespmem:s18], [sflag:$0x1] =	stream.indirect_vreg.gather [hbm4b:s2+s10], $0x1, v1, vm0, $0x4038;
	[tilespmem:$0x7D00] =	vst v63  }
0x11: {  	(ifvalue) =	ssetifvalue $0x7FFFFFFF  }
0x12: {  	[tilespmem:s15], [sflag:$0x1] =	stream.indirect_vreg.gather [hbm4b:s2+s10], $0x1, v2, vm0, $0x4038;
	[tilespmem:$0x7D00] =	vst v63  }
0x13: {  	s29 =	sadd.s32 $0x10, s15;
	(ifvalue) =	ssetifvalue $0x7FFFFFFF  }
0x14: {  	[tilespmem:s29], [sflag:$0x1] =	stream.indirect_vreg.gather [hbm4b:s2+s10], $0x1, v0, vm0, $0x4038;
	[tilespmem:$0x7D00] =	vst v63  }
0x15: {  	_ =	swait.ge [sflag:s4], $0x1F40  }
0x16: {  	s30 =	sshrl.u32 s13, $0x3;
	[sflag:s4] =	ssyncset.done $0x0  }
0x17: {  	s31 =	sand.u32 $0x7, s13;
	s15 =	sadd.s32 s8, s30;
	[sflag:s4] =	ssyncadd.s32 $0xFFFFE0C0  }
0x18: {  	[hbm4b:s15+s31] =	stream.linear.scatter [tilespmem:s14], [sflag:$0x3], $0x1F40, $0x38;
	[tilespmem:$0x7D00] =	vst v63  }
.LBB2_5:
0x19: {  	s15 =	sadd.s32 $0x3E800, s11  }
0x1a: {  	p1 =	sgt.s32 s15, $0x4E1FF  }
0x1b: {  	s15 =	smov.u32 @p1 s5;
	p1 =	sne.s32 s12, s9  }
.Ltmp1:
0x1c: {  	p0 =	slt.u32 s12, $0x2;
	(pc) =	sbr.rel @!p1 .LBB2_6-.Ltmp1, $4  }
0x1d: {  	s14 =	simm.s32 @!p0 $0x3  }
0x1e: {  	_ =	swait.ge @!p0 [sflag:s14], $0x1F40  }
0x1f: {  	s16 =	sadd.s32 $0x1, s12;
	s13 =	smov.u32 s11;
	[sflag:s14] =	ssyncset.done @!p0 $0x0  }
0x20: {  	s12 =	smov.u32 s16;
	s11 =	smov.u32 s15;
	[sflag:s14] =	ssyncadd.s32 @!p0 $0xFFFFE0C0  }
.LBB2_1:
0x21: {  	p0 =	sge.u32 s12, s7  }
0x22: {  	s14 =	sxor.u32 @!p0 $0x1, s12  }
0x23: {  	s14 =	smul.u32 @!p0 $0x7D00, s14  }
0x24: {  	s31 =	sadd.s32 $0xFFFFFFFF, s12;
	s15 =	sshrl.u32 @!p0 s11, $0x3  }
0x25: {  	s16 =	sand.u32 @!p0 $0x7, s11;
	s15 =	sadd.s32 @!p0 s3, s15;
	s14 =	sshra.s32 @!p0 s14, $0x2  }
0x26: {  	[tilespmem:s14], [sflag:$0x2] =	stream.linear.gather @!p0 [hbm4b:s15+s16], $0x1F40, $0x38;
	[tilespmem:$0x7D00] =	vst v63  }
0x27: {  	p0 =	sge.u32 s31, s7  }
.Ltmp2:
0x28: {  	_ = 	snop;
	(pc) =	sbr.rel @p0 .LBB2_5-.Ltmp2, $1  }
0x29: {  	_ =	sdelay $0x3  }
0x2a: {  	s14 =	sand.u32 $0x1, s12  }
0x2b: {  	_ =	swait.ge [sflag:s6], $0x1F40;
	p0 =	seq.s32 s14, $0x1;
	s14 =	simm.s32 $0x1F40  }
0x2c: {  	[sflag:s6] =	ssyncset.done $0x0;
	s14 =	simm.s32 @!p0 $0x0  }
0x2d: {  	[sflag:s6] =	ssyncadd.s32 $0xFFFFE0C0;
	(ifvalue) =	ssetifvalue $0x7FFFFFFF;
	v0 =	vld.msk [tilespmem:s14+$0x0 ss:$0x1], $0xffff;
	_ =	sdelay $0x4  }
0x2e: {  	s15 =	sadd.s32 $0x10, s14;
	vm1 =	vgt.s32 v0, $0x0  }
0x2f: {  	v2 =	vld.msk [tilespmem:s15+$0x0 ss:$0x1], $0xffff;
	v1 =	vnsel vm1, $0x0, v0  }
0x30: {  	v1 =	vmin.u32 v1, $0x4E1FF;
	_ =	sdelay $0x2  }
0x31: {  	s17 =	simm.s32 $0x20;
	s14 =	sadd.s32 $0x3E80, s14;
	s16 =	sadd.s32 $0x10, s15  }
0x32: {  	s15 =	sadd.s32 $0x10, s14;
	s18 =	smov.u32 s14;
	v0 =	vld.msk [tilespmem:s16+$0x0 ss:$0x1], $0xffff;
	vm1 =	vgt.s32 v2, $0x0;
	(ifvalue) =	ssetifvalue $0x7FFFFFFF  }
.LBB2_3:
0x33: {  	[tilespmem:s18], [sflag:$0x1] =	stream.indirect_vreg.gather [hbm4b:s2+s10], $0x1, v1, vm0, $0x4038;
	[tilespmem:$0x7D00] =	vst v63  }
0x34: {  	s17 =	sadd.s32 $0x10, s17  }
0x35: {  	v2 =	vnsel vm1, $0x0, v2;
	p0 =	slt.u32 s17, $0x1F30  }
.Ltmp3:
0x36: {  	s18 =	smov.u32 s15;
	v1 =	vmin.u32 v2, $0x4E1FF;
	(pc) =	sbr.rel @p0 .LBB2_3-.Ltmp3, $3  }
0x37: {  	_ =	sdelay $0x1  }
0x38: {  	s16 =	sadd.s32 $0x10, s16  }
0x39: {  	vm1 =	vgt.s32 v0, $0x0;
	s15 =	sadd.s32 $0x10, s15;
	v2 =	vmov v0;
	(ifvalue) =	ssetifvalue $0x7FFFFFFF;
	v0 =	vld.msk [tilespmem:s16+$0x0 ss:$0x1], $0xffff  }
.Ltmp4:
0x3a: {  	_ = 	snop;
	(pc) =	sbr.rel .LBB2_4-.Ltmp4, $1  }
0x3b: {  	_ =	sdelay $0x3  }
.LBB2_6:
0x3c: {  	_ =	sfence.sel $0x180000  }
0x3d: {  	s2 =	simm.s32 $0x2;
	[bflag:$0x0] =	sbarrier.arrive $0xFFFF  }
0x3e: {  	s30 =	simm.s32 $0x3;
	[sflag:s2] =	ssyncpa.u1 $0x1  }
0x3f: {  	s31 =	simm.s32 $0x1;
	[sflag:s30] =	ssyncpa.u1 $0x1  }
0x40: {  	[sflag:s31] =	ssyncpa.u1 $0x1  }
0x41: {  	p0 =	sne.s32 s1, $0x0;
	_ =	strace $0x9000004A  }
0x42: {  	s0 =	sadd.s32 @!p0 $0x100000, s0;
	[bflag:$0x2] =	sbarrier.arrive $0xFFFF  }
0x43: {  	[sflag:s0] =	ssyncadd.tile.s32 @!p0 $0x1;
	_ =	shalt  }
.Lfunc_end2:
_tile_overlayer_lowered:
.L_overlay_start_2:
0x44: {  	(tag) =	ssettag $0x2  }
0x45: {  	s0 =	rddreg [dreg:$0x0];
	s2 =	stileid.u32  }
0x46: {  	s1 =	rddreg [dreg:$0x1];
	p0 =	sne.s32 s2, $0x0  }
0x47: {  	s3 =	rddreg [dreg:$0x2];
	[bflag:$0x3] =	sbarrier.arrive $0xFFFF;
	s2 =	simm.s32 @!p0 $0x1C01  }
0x48: {  	[timem:s3], [sflag:s2] =	dma.local @!p0 [hbm:s0], s1  }
0x49: {  	s0 =	simm.s32 @!p0 $0x1  }
0x4a: {  	_ =	swait.ge @!p0 [sflag:s0], s1  }
0x4b: {  	s1 =	ssub.s32 @!p0 $0x0, s1;
	[sflag:s0] =	ssyncset.done @!p0 $0x0  }
0x4c: {  	[sflag:s0] =	ssyncadd.s32 @!p0 s1  }
0x4d: {  	[bflag:$0x3] =	sbarrier.arrive $0xFFFF  }
0x4e: {  	_ =	shalt  }

// kernel: kernel.13.cloned.1.call-start
scs
__scs_entry_jumppad:
0x0: {  	(pc) =	sbr.rel $0x88, $3  }
0x1: {  	(tag) =	ssettag $0x0;
	lr =	simm.s32 $0x1  }
0x2: {  	[smem:$0x3F92] =	sst lr;
	_ =	strace $0xD0000000  }
0x3: {  	_ = 	snop  }
0x4: {  	_ = 	snop  }
0x5: {  	_ = 	snop  }
0x6: {  	_ = 	snop  }
0x7: {  	_ = 	snop  }
__scs_overlays_trampoline_lowered:
0x8: {  	[smem:$0x3FA1] =	sst s0  }
0x9: {  	[smem:$0x3FA2] =	sst s1  }
0xa: {  	[smem:$0x3FA3] =	sst s2  }
0xb: {  	[smem:$0x3FA4] =	sst s3  }
0xc: {  	[smem:$0x3FA5] =	sst s4  }
0xd: {  	[smem:$0x3FA6] =	sst s5  }
0xe: {  	[smem:$0x3FA7] =	sst s6  }
0xf: {  	[smem:$0x3FA8] =	sst s7  }
0x10: {  	[smem:$0x3FA9] =	sst s8  }
0x11: {  	[smem:$0x3FAA] =	sst s9;
	s0 =	simm.s32 @!p0 $0x0  }
0x12: {  	s1 =	sld [smem:$0x3F90];
	s0 =	simm.s32 @p0 $0x1  }
0x13: {  	[smem:$0x3FAB] =	sst s0;
	s0 =	simm.s32 @!p1 $0x0  }
0x14: {  	s2 =	sld [smem:$0x3F8F];
	s0 =	simm.s32 @p1 $0x1  }
0x15: {  	[smem:$0x3FAC] =	sst s0;
	s0 =	simm.s32 @!p2 $0x0  }
0x16: {  	s3 =	sld [smem:$0x3FDB];
	s0 =	simm.s32 @p2 $0x1  }
0x17: {  	s4 =	simm.s32 $0x1BF5;
	[smem:$0x3FAE] =	sst s0  }
0x18: {  	s0 =	sld [smem:$0x3F91];
	_ =	swait.ge [sflag:s4], $0x0  }
0x19: {  	s7 =	sld [smem:$0x3F92]  }
0x1a: {  	s8 =	sadd.s32 $0xFFFFE003, lr  }
0x1b: {  	s9 =	sadd.s32 $0xFFFFFEF7, lr;
	s5 =	simm.s32 $0xFFFFFFFF;
	p2 =	slt.u32 s8, $0xFFFFF086  }
0x1c: {  	p1 =	slt.u32 s9, $0xF7A;
	s5 =	simm.s32 @!p2 $0x0  }
0x1d: {  	s5 =	simm.s32 @p1 $0x1;
	p0 =	seq.s32 s7, s2  }
0x1e: {  	s7 =	smul.u32 @!p0 $0xF7A, s2;
	p2 =	seq.s32 @!p0 s5, $0x0  }
0x1f: {  	s9 =	smul.u32 $0xF7A, s1;
	s8 =	simm.s32 @!p0 $0x1BF5;
	p2 =	por !p2, p0  }
0x20: {  	[sflag:s8] =	ssyncset.s32 @!p0 $0xFFFFF086;
	s6 =	sadd.s32 @!p0 s3, s7;
	s7 =	simm.s32 @!p0 $0x108  }
0x21: {  	s3 =	sadd.s32 s3, s9;
	s6 =	sadd.s32 @!p0 $0x88, s6;
	s7 =	simm.s32 @p2 $0x1082  }
0x22: {  	[simem:s7], [sflag:s8] =	dma.local @!p0 [hbm:s6], $0xF7A  }
0x23: {  	s9 =	sor.u32 $0xD0000000, s2;
	s6 =	simm.s32 $0x108;
	_ =	swait.ge @!p0 [sflag:s8], $0x0  }
0x24: {  	s3 =	sadd.s32 $0x88, s3;
	s6 =	simm.s32 @!p1 $0x1082;
	[sflag:s4] =	ssyncset.s32 $0xFFFFF086  }
0x25: {  	[simem:s6], [sflag:s4] =	dma.local [hbm:s3], $0xF7A  }
0x26: {  	[smem:$0x3F92] =	sst s1;
	(tag) =	ssettag s2;
	_ =	strace s9  }
0x27: {  	s1 =	sld [smem:$0x3FA2]  }
0x28: {  	s2 =	sld [smem:$0x3FA3]  }
0x29: {  	s4 =	sld [smem:$0x3FA5]  }
0x2a: {  	p0 =	seq.s32 s5, $0x0;
	s5 =	sld [smem:$0x3FA6]  }
0x2b: {  	s6 =	sld [smem:$0x3FA7]  }
0x2c: {  	s7 =	sld [smem:$0x3FA8]  }
0x2d: {  	s3 =	simm.s32 $0x108;
	s8 =	sld [smem:$0x3FA9]  }
0x2e: {  	s3 =	simm.s32 @!p0 $0x1082;
	s9 =	sld [smem:$0x3FAA]  }
0x2f: {  	lr =	sadd.s32 s0, s3;
	s0 =	sld [smem:$0x3FA1]  }
0x30: {  	s3 =	sld [smem:$0x3FA4]  }
0x31: {  	[smem:$0x3FAD] =	sst s10  }
0x32: {  	s10 =	sld [smem:$0x3FAB];
	_ =	sdelay $0x3  }
0x33: {  	p0 =	seq.s32 s10, $0x1;
	s10 =	sld [smem:$0x3FAD];
	_ =	sdelay $0x3  }
0x34: {  	[smem:$0x3FAD] =	sst s10  }
0x35: {  	s10 =	sld [smem:$0x3FAC];
	_ =	sdelay $0x3  }
0x36: {  	p1 =	seq.s32 s10, $0x1;
	s10 =	sld [smem:$0x3FAD];
	_ =	sdelay $0x3  }
0x37: {  	[smem:$0x3FAD] =	sst s10  }
0x38: {  	s10 =	sld [smem:$0x3FAE]  }
0x39: {  	_ = 	snop;
	(pc) =	sbr.ind lr, $3  }
0x3a: {  	_ = 	snop  }
0x3b: {  	_ = 	snop  }
0x3c: {  	p2 =	seq.s32 s10, $0x1;
	s10 =	sld [smem:$0x3FAD]  }
0x3d: {  	_ =	shalt  }
0x3e: {  	_ =	shalt  }
0x3f: {  	_ =	shalt  }
0x40: {  	_ =	shalt  }
0x41: {  	_ =	shalt  }
0x42: {  	_ =	shalt  }
0x43: {  	_ =	shalt  }
0x44: {  	_ =	shalt  }
0x45: {  	_ =	shalt  }
0x46: {  	_ =	shalt  }
0x47: {  	_ =	shalt  }
0x48: {  	_ =	shalt  }
0x49: {  	_ =	shalt  }
0x4a: {  	_ =	shalt  }
0x4b: {  	_ =	shalt  }
0x4c: {  	_ =	shalt  }
0x4d: {  	_ =	shalt  }
0x4e: {  	_ =	shalt  }
0x4f: {  	_ =	shalt  }
0x50: {  	_ =	shalt  }
0x51: {  	_ =	shalt  }
0x52: {  	_ =	shalt  }
0x53: {  	_ =	shalt  }
0x54: {  	_ =	shalt  }
0x55: {  	_ =	shalt  }
0x56: {  	_ =	shalt  }
0x57: {  	_ =	shalt  }
0x58: {  	_ =	shalt  }
0x59: {  	_ =	shalt  }
0x5a: {  	_ =	shalt  }
0x5b: {  	_ =	shalt  }
0x5c: {  	_ =	shalt  }
0x5d: {  	_ =	shalt  }
0x5e: {  	_ =	shalt  }
0x5f: {  	_ =	shalt  }
0x60: {  	_ =	shalt  }
0x61: {  	_ =	shalt  }
0x62: {  	_ =	shalt  }
0x63: {  	_ =	shalt  }
0x64: {  	_ =	shalt  }
0x65: {  	_ =	shalt  }
0x66: {  	_ =	shalt  }
0x67: {  	_ =	shalt  }
0x68: {  	_ =	shalt  }
0x69: {  	_ =	shalt  }
0x6a: {  	_ =	shalt  }
0x6b: {  	_ =	shalt  }
0x6c: {  	_ =	shalt  }
0x6d: {  	_ =	shalt  }
0x6e: {  	_ =	shalt  }
0x6f: {  	_ =	shalt  }
0x70: {  	_ =	shalt  }
0x71: {  	_ =	shalt  }
0x72: {  	_ =	shalt  }
0x73: {  	_ =	shalt  }
0x74: {  	_ =	shalt  }
0x75: {  	_ =	shalt  }
0x76: {  	_ =	shalt  }
0x77: {  	_ =	shalt  }
0x78: {  	_ =	shalt  }
0x79: {  	_ =	shalt  }
0x7a: {  	_ =	shalt  }
0x7b: {  	_ =	shalt  }
0x7c: {  	_ =	shalt  }
0x7d: {  	_ =	shalt  }
0x7e: {  	_ =	shalt  }
0x7f: {  	_ =	shalt  }
0x80: {  	_ =	shalt  }
0x81: {  	_ =	shalt  }
0x82: {  	_ =	shalt  }
0x83: {  	_ =	shalt  }
0x84: {  	_ =	shalt  }
0x85: {  	_ =	shalt  }
0x86: {  	_ =	shalt  }
0x87: {  	_ =	shalt  }
.Lfunc_end0:
.L_simem_size_0:
called_computation.2_lowered:
.L_overlay_start_0:
0x88: {  	s2 =	sld [smem:$0x3FD9]  }
0x89: {  	s3 =	sld [smem:$0x3FFE];
	_ =	sdelay $0x1  }
0x8a: {  	s1 =	srdreg.scid  }
0x8b: {  	s0 =	sand.u32 $0x1, s1  }
0x8c: {  	s17 =	sshll.u32 s0, $0xA;
	s2 =	sadd.s32 s3, s2  }
0x8d: {  	s2 =	sadd.s32 s2, s17  }
0x8e: {  	[smem:$0x3FB9] =	sst s2  }
0x8f: {  	_ = 	snop  }
0x90: {  	(tm) =	ssettm $0x1  }
0x91: {  	s18 =	sld [smem:$0x3FFB];
	_ =	sdelay $0x3  }
0x92: {  	_ =	strace s18  }
0x93: {  	s2 =	sld [smem:$0x3FFC];
	_ =	sdelay $0x3  }
0x94: {  	_ =	strace s2  }
0x95: {  	s2 =	sld [smem:$0x3FFD];
	_ =	sdelay $0x3  }
0x96: {  	_ =	strace s2  }
0x97: {  	_ =	strace $0x8FFFFFFF  }
0x98: {  	s19 =	sld [smem:$0x3FDB];
	_ =	sdelay $0x1  }
0x99: {  	s20 =	simm.s32 $_scs_section_size  }
0x9a: {  	s4 =	simm.s32 $_size__tile_overlayer_lowered;
	s5 =	simm.s32 $_tile_overlayer_lowered  }
0x9b: {  	s6 =	simm.s32 $0x1BFF;
	s21 =	sshll.u32 s5, $0x1;
	s3 =	sadd.s32 s20, s19  }
0x9c: {  	s22 =	simm.s32 $0x0;
	s4 =	sshll.u32 s4, $0x1;
	s5 =	sadd.s32 s21, s3  }
0x9d: {  	[timem:s22], [sflag:s6] =	dma.local [hbm:s5], s4  }
0x9e: {  	_ =	swait.ge [sflag:s6], s4  }
0x9f: {  	s4 =	ssub.s32 $0x0, s4;
	[sflag:s6] =	ssyncset.done $0x0  }
0xa0: {  	[sflag:s6] =	ssyncadd.s32 s4;
	_ =	sdelay $0x1  }
0xa1: {  	s23 =	simm.s32 $0x1B8B  }
0xa2: {  	_ =	swait.ge [sflag:s23], $0x1  }
0xa3: {  	[sflag:s23] =	ssyncset.done $0x0  }
0xa4: {  	[sflag:s23] =	ssyncadd.s32 $0xFFFFFFFF  }
0xa5: {  	s4 =	sld [smem:$0x0]  }
0xa6: {  	s5 =	sand.u32 $0xFFFFFFFE, s1  }
0xa7: {  	p0 =	sne.s32 s1, s5  }
0xa8: {  	s5 =	sshll.u32 @p0 s5, $0xE  }
0xa9: {  	s5 =	sadd.s32 @p0 $0x11B8D, s5;
	s6 =	sshll.u32 @p0 s4, $0x11  }
0xaa: {  	s5 =	sor.u32 @p0 s6, s5  }
0xab: {  	[sflag:s5] =	ssyncadd.remote.s32 @p0 $0x1;
	_ =	sdelay $0x1  }
0xac: {  	s5 =	simm.s32 @p0 $0x1B8D  }
0xad: {  	_ =	swait.eq @p0 [sflag:s5], $0x1  }
0xae: {  	[sflag:s5] =	ssyncadd.s32 @p0 $0xFFFFFFFF  }
0xaf: {  	s6 =	sshll.u32 @!p0 s1, $0xE  }
0xb0: {  	s6 =	sor.u32 @!p0 $0x4000, s6;
	s5 =	simm.s32 @!p0 $0x1B8D  }
0xb1: {  	s4 =	sshll.u32 @!p0 s4, $0x11;
	s6 =	sadd.s32 @!p0 $0x11B8D, s6;
	_ =	swait.eq @!p0 [sflag:s5], $0x1  }
0xb2: {  	s4 =	sor.u32 @!p0 s4, s6;
	[sflag:s5] =	ssyncadd.s32 @!p0 $0xFFFFFFFF  }
0xb3: {  	s25 =	simm.s32 $0x1B8E;
	s24 =	sld [smem:$0x3FFE];
	[sflag:s4] =	ssyncadd.remote.s32 @!p0 $0x1  }
0xb4: {  	s26 =	simm.s32 $execute0_lowered;
	[smem:$0x3FD2] =	sst s25  }
0xb5: {  	s5 =	sshll.u32 s26, $0x1;
	_ =	strace $0x8000004C;
	[dreg:$0x1] =	wrdreg $0xFFFFFFFF  }
0xb6: {  	s28 =	simm.s32 $_size_execute0_lowered;
	s3 =	sadd.s32 s3, s5;
	[dreg:$0x0] =	wrdreg $0x0  }
0xb7: {  	s5 =	sshll.u32 s28, $0x1;
	[dreg:$0x2] =	wrdreg s3  }
0xb8: {  	[dreg:$0x3] =	wrdreg s5  }
0xb9: {  	[dreg:$0x4] =	wrdreg $0xC0  }
0xba: {  	_ =	task [dreg:s22], $0x5FFFF  }
0xbb: {  	[dreg:$0x1] =	wrdreg $0xFFFFFFFF  }
0xbc: {  	[dreg:$0x0] =	wrdreg $0x60  }
0xbd: {  	[dreg:$0x2] =	wrdreg s24  }
0xbe: {  	[dreg:$0x3] =	wrdreg $0xA  }
0xbf: {  	_ =	task.clear_ibuf [dreg:s22], $0x4FFFF;
	_ =	strace $0x9000004C  }
0xc0: {  	s29 =	simm.s32 $0xA;
	_ =	strace $0x8000004E  }
0xc1: {  	_ =	swait.ge [sflag:s29], $0x1  }
0xc2: {  	[sflag:s29] =	ssyncadd.s32 $0xFFFFFFFF  }
0xc3: {  	_ =	strace $0x9000004E  }
0xc4: {  	_ =	sfence  }
0xc5: {  	s30 =	sld [smem:$0x0];
	_ =	sdelay $0x2  }
0xc6: {  	s31 =	sshll.u32 s1, $0xD;
	s1 =	sshrl.u32 s1, $0x2  }
0xc7: {  	s4 =	sand.u32 $0x4000, s31;
	s1 =	sadd.s32 s1, s30  }
0xc8: {  	s0 =	sor.u32 s4, s0;
	s1 =	sshll.u32 s1, $0x11  }
0xc9: {  	s0 =	sor.u32 s1, s0  }
0xca: {  	s0 =	sadd.s32 $0x8F2B, s0  }
0xcb: {  	[sflag:s0] =	ssyncadd.remote.s32 $0x1  }
0xcc: {  	_ =	sfence.sel $0xFFFF  }
0xcd: {  	[dreg:$0x0] =	wrdreg $0xFFFFFFFF;
	(pc) =	sbr.abs _section_cstart, $3  }
0xce: {  	[dreg:$0x1] =	wrdreg $0xFFFFFFFF  }
0xcf: {  	_ =	task.clear_ibuf [dreg:s22], $0x2FFFF;
	_ =	strace $0x9FFFFFFF  }
0xd0: {  	(tm) =	ssettm $0x7FFFFFFF  }
0xd1: {  	_ =	shalt  }
tec
execute0_lowered:
.L_overlay_start_1:
0x0: {  	(tag) =	ssettag $0x1  }
0x1: {  	s8 =	rddreg [dreg:$0x0]  }
0x2: {  	s0 =	rddreg [dreg:$0x1];
	s2 =	simm.s32 $0x0  }
0x3: {  	s3 =	srdreg.scid;
	s1 =	stileid.u32;
	s18 =	simm.s32 $0x4  }
0x4: {  	s19 =	simm.s32 $0x8200;
	s20 =	simm.s32 $0x2;
	s21 =	simm.s32 $0x3  }
0x5: {  	s22 =	simm.s32 $0x5;
	s23 =	simm.s32 $0x6;
	s24 =	simm.s32 $0x0  }
0x6: {  	[smem:$0x7FF] =	sst s2;
	s13 =	sand.u32 $0x1, s3;
	s3 =	sadd.s32 $0x521800, s8  }
0x7: {  	s4 =	sshll.u32 s1, $0x1;
	s14 =	sadd.s32 $0x21C00, s8;
	s15 =	sadd.s32 $0xA03800, s8  }
0x8: {  	s12 =	sadd.s32 $0xA23800, s8;
	s30 =	sshll.u32 s1, $0xD;
	s17 =	sshll.u32 s1, $0x6  }
0x9: {  	_ =	strace $0x8000004D;
	s5 =	ssub.s32 $0x2, s13;
	s7 =	sor.u32 s13, s4  }
0xa: {  	s31 =	sshll.u32 s13, $0xC;
	s13 =	sshll.u32 s13, $0x5;
	s29 =	sshrl.u32 s5, $0x1  }
0xb: {  	s6 =	sshll.u32 s7, $0x5;
	s11 =	sshll.u32 s7, $0xC;
	s9 =	ssub.s32 s5, s29  }
0xc: {  	s4 =	sadd.s32 s14, s6;
	s10 =	sadd.s32 s11, s12;
	s16 =	sor.u32 $0x4C0000, s11  }
0xd: {  	s14 =	sadd.s32 s17, s14;
	s17 =	simm.s32 $0x100;
	s5 =	sadd.s32 $0x400, s4  }
0xe: {  	s6 =	sadd.s32 $0x800, s4;
	s7 =	sadd.s32 $0xC00, s4;
	s8 =	smax.u32 s9, $0x1  }
0xf: {  	s9 =	sadd.s32 s15, s11;
	s11 =	sadd.s32 s15, s16;
	s15 =	sadd.s32 s30, s15  }
0x10: {  	s12 =	sadd.s32 s16, s12;
	s13 =	sadd.s32 s13, s14;
	s15 =	sadd.s32 s31, s15  }
0x11: {  	s16 =	simm.s32 $0x1;
	s14 =	sadd.s32 $0x40000, s15;
	s15 =	simm.s32 $0x8100  }
.LBB2_1:
0x12: {  	[tilespmem:s2], [sflag:$0x1] =	stream.linear.gather [hbm4b:s4+s2], $0x100, $0x38;
	[tilespmem:$0x10200] =	vst v63  }
0x13: {  	_ = 	snop  }
0x14: {  	[tilespmem:s15], [sflag:$0x4] =	stream.linear.gather [hbm4b:s5+s2], $0x100, $0x38;
	[tilespmem:$0x10200] =	vst v63  }
0x15: {  	_ =	swait.ge [sflag:s16], $0x100  }
0x16: {  	[sflag:s16] =	ssyncset.done $0x0  }
0x17: {  	[sflag:s16] =	ssyncadd.s32 $0xFFFFFF00  }
0x18: {  	[tilespmem:s17], [sflag:$0x2] =	stream.indirect.gather [hbm4b:s3+s17], $0x80, s2, s17, $0xb8;
	[tilespmem:$0x10200] =	vst v63  }
0x19: {  	_ =	swait.ge [sflag:s18], $0x100  }
0x1a: {  	[sflag:s18] =	ssyncset.done $0x0  }
0x1b: {  	[sflag:s18] =	ssyncadd.s32 $0xFFFFFF00  }
0x1c: {  	[tilespmem:s19], [sflag:$0x5] =	stream.indirect.gather [hbm4b:s3+s17], $0x80, s15, s17, $0xb8;
	[tilespmem:$0x10200] =	vst v63  }
0x1d: {  	_ =	swait.ge [sflag:s20], $0x8000  }
0x1e: {  	[sflag:s20] =	ssyncset.done $0x0  }
0x1f: {  	[sflag:s20] =	ssyncadd.s32 $0xFFFF8000  }
0x20: {  	[tilespmem:s2], [sflag:$0x1] =	stream.linear.gather [hbm4b:s6+s2], $0x100, $0x38;
	[tilespmem:$0x10200] =	vst v63  }
0x21: {  	_ = 	snop  }
0x22: {  	[hbm4b:s9+s2] =	stream.linear.scatter [tilespmem:s17], [sflag:$0x3], $0x8000, $0x38;
	[tilespmem:$0x10200] =	vst v63  }
0x23: {  	_ =	swait.ge [sflag:s21], $0x8000  }
0x24: {  	[sflag:s21] =	ssyncset.done $0x0  }
0x25: {  	[sflag:s21] =	ssyncadd.s32 $0xFFFF8000  }
0x26: {  	_ =	swait.ge [sflag:s16], $0x100  }
0x27: {  	[sflag:s16] =	ssyncset.done $0x0  }
0x28: {  	[sflag:s16] =	ssyncadd.s32 $0xFFFFFF00  }
0x29: {  	[tilespmem:s17], [sflag:$0x2] =	stream.indirect.gather [hbm4b:s3+s17], $0x80, s2, s17, $0xb8;
	[tilespmem:$0x10200] =	vst v63  }
0x2a: {  	_ =	swait.ge [sflag:s22], $0x8000  }
0x2b: {  	[sflag:s22] =	ssyncset.done $0x0  }
0x2c: {  	[sflag:s22] =	ssyncadd.s32 $0xFFFF8000  }
0x2d: {  	[tilespmem:s15], [sflag:$0x4] =	stream.linear.gather [hbm4b:s7+s2], $0x100, $0x38;
	[tilespmem:$0x10200] =	vst v63  }
0x2e: {  	_ = 	snop  }
0x2f: {  	[hbm4b:s10+s2] =	stream.linear.scatter [tilespmem:s19], [sflag:$0x6], $0x8000, $0x38;
	[tilespmem:$0x10200] =	vst v63  }
0x30: {  	_ =	swait.ge [sflag:s23], $0x8000  }
0x31: {  	[sflag:s23] =	ssyncset.done $0x0  }
0x32: {  	[sflag:s23] =	ssyncadd.s32 $0xFFFF8000  }
0x33: {  	_ =	swait.ge [sflag:s18], $0x100  }
0x34: {  	[sflag:s18] =	ssyncset.done $0x0  }
0x35: {  	[sflag:s18] =	ssyncadd.s32 $0xFFFFFF00  }
0x36: {  	[tilespmem:s19], [sflag:$0x5] =	stream.indirect.gather [hbm4b:s3+s17], $0x80, s15, s17, $0xb8;
	[tilespmem:$0x10200] =	vst v63  }
0x37: {  	_ =	swait.ge [sflag:s20], $0x8000  }
0x38: {  	s25 =	sadd.s32 $0x0, s13;
	[sflag:s20] =	ssyncset.done $0x0  }
0x39: {  	s26 =	sadd.s32 $0x1000, s25;
	[sflag:s20] =	ssyncadd.s32 $0xFFFF8000  }
0x3a: {  	[tilespmem:s2], [sflag:$0x1] =	stream.linear.gather [hbm4b:s26+s2], $0x100, $0x38;
	[tilespmem:$0x10200] =	vst v63  }
0x3b: {  	_ = 	snop  }
0x3c: {  	[hbm4b:s14+s2] =	stream.linear.scatter [tilespmem:s17], [sflag:$0x3], $0x8000, $0x38;
	[tilespmem:$0x10200] =	vst v63  }
0x3d: {  	_ =	swait.ge [sflag:s21], $0x8000  }
0x3e: {  	[sflag:s21] =	ssyncset.done $0x0  }
0x3f: {  	[sflag:s21] =	ssyncadd.s32 $0xFFFF8000  }
0x40: {  	_ =	swait.ge [sflag:s16], $0x100  }
0x41: {  	[sflag:s16] =	ssyncset.done $0x0  }
0x42: {  	[sflag:s16] =	ssyncadd.s32 $0xFFFFFF00  }
0x43: {  	[tilespmem:s17], [sflag:$0x2] =	stream.indirect.gather [hbm4b:s3+s17], $0x80, s2, s17, $0xb8;
	[tilespmem:$0x10200] =	vst v63  }
0x44: {  	_ =	swait.ge [sflag:s22], $0x8000  }
0x45: {  	[sflag:s22] =	ssyncset.done $0x0  }
0x46: {  	s25 =	sadd.s32 $0x1400, s25;
	[sflag:s22] =	ssyncadd.s32 $0xFFFF8000  }
0x47: {  	[tilespmem:s15], [sflag:$0x4] =	stream.linear.gather [hbm4b:s25+s2], $0x100, $0x38;
	[tilespmem:$0x10200] =	vst v63  }
0x48: {  	s28 =	sadd.s32 $0x20000, s14;
	s26 =	sadd.s32 $0x40000, s14;
	s25 =	simm.s32 $0x800  }
.LBB2_2:
0x49: {  	[hbm4b:s28+s2] =	stream.linear.scatter [tilespmem:s19], [sflag:$0x6], $0x8000, $0x38;
	[tilespmem:$0x10200] =	vst v63  }
0x4a: {  	s28 =	smov.u32 s25  }
0x4b: {  	p0 =	sne.s32 s25, $0x8800;
	s25 =	sadd.s32 $0x800, s25;
	_ =	swait.ge [sflag:s23], $0x8000  }
0x4c: {  	[sflag:s23] =	ssyncset.done $0x0  }
0x4d: {  	[sflag:s23] =	ssyncadd.s32 $0xFFFF8000  }
0x4e: {  	_ =	swait.ge [sflag:s18], $0x100  }
0x4f: {  	[sflag:s18] =	ssyncset.done $0x0  }
0x50: {  	[sflag:s18] =	ssyncadd.s32 $0xFFFFFF00  }
0x51: {  	[tilespmem:s19], [sflag:$0x5] =	stream.indirect.gather [hbm4b:s3+s17], $0x80, s15, s17, $0xb8;
	[tilespmem:$0x10200] =	vst v63  }
0x52: {  	_ =	swait.ge [sflag:s20], $0x8000  }
0x53: {  	s28 =	sadd.s32 s28, s13;
	[sflag:s20] =	ssyncset.done $0x0  }
0x54: {  	s29 =	sadd.s32 $0x1000, s28;
	[sflag:s20] =	ssyncadd.s32 $0xFFFF8000  }
0x55: {  	[tilespmem:s2], [sflag:$0x1] =	stream.linear.gather [hbm4b:s29+s2], $0x100, $0x38;
	[tilespmem:$0x10200] =	vst v63  }
0x56: {  	_ = 	snop  }
0x57: {  	[hbm4b:s26+s2] =	stream.linear.scatter [tilespmem:s17], [sflag:$0x3], $0x8000, $0x38;
	[tilespmem:$0x10200] =	vst v63  }
0x58: {  	_ =	swait.ge [sflag:s21], $0x8000  }
0x59: {  	[sflag:s21] =	ssyncset.done $0x0  }
0x5a: {  	[sflag:s21] =	ssyncadd.s32 $0xFFFF8000  }
0x5b: {  	_ =	swait.ge [sflag:s16], $0x100  }
0x5c: {  	[sflag:s16] =	ssyncset.done $0x0  }
0x5d: {  	[sflag:s16] =	ssyncadd.s32 $0xFFFFFF00  }
0x5e: {  	[tilespmem:s17], [sflag:$0x2] =	stream.indirect.gather [hbm4b:s3+s17], $0x80, s2, s17, $0xb8;
	[tilespmem:$0x10200] =	vst v63  }
.Ltmp0:
0x5f: {  	_ =	swait.ge [sflag:s22], $0x8000;
	(pc) =	sbr.rel @p0 .LBB2_2-.Ltmp0, $4  }
0x60: {  	[sflag:s22] =	ssyncset.done $0x0  }
0x61: {  	s28 =	sadd.s32 $0x1400, s28;
	[sflag:s22] =	ssyncadd.s32 $0xFFFF8000  }
0x62: {  	[tilespmem:s15], [sflag:$0x4] =	stream.linear.gather [hbm4b:s28+s2], $0x100, $0x38;
	[tilespmem:$0x10200] =	vst v63  }
0x63: {  	s28 =	sadd.s32 $0x20000, s26;
	s26 =	sadd.s32 $0x40000, s26  }
0x64: {  	[hbm4b:s28+s2] =	stream.linear.scatter [tilespmem:s19], [sflag:$0x6], $0x8000, $0x38;
	[tilespmem:$0x10200] =	vst v63  }
0x65: {  	_ =	swait.ge [sflag:s23], $0x8000  }
0x66: {  	[sflag:s23] =	ssyncset.done $0x0  }
0x67: {  	[sflag:s23] =	ssyncadd.s32 $0xFFFF8000  }
0x68: {  	_ =	swait.ge [sflag:s18], $0x100  }
0x69: {  	[sflag:s18] =	ssyncset.done $0x0  }
0x6a: {  	[sflag:s18] =	ssyncadd.s32 $0xFFFFFF00  }
0x6b: {  	[tilespmem:s19], [sflag:$0x5] =	stream.indirect.gather [hbm4b:s3+s17], $0x80, s15, s17, $0xb8;
	[tilespmem:$0x10200] =	vst v63  }
0x6c: {  	_ =	swait.ge [sflag:s20], $0x8000  }
0x6d: {  	[sflag:s20] =	ssyncset.done $0x0  }
0x6e: {  	[sflag:s20] =	ssyncadd.s32 $0xFFFF8000  }
0x6f: {  	[hbm4b:s11+s2] =	stream.linear.scatter [tilespmem:s17], [sflag:$0x3], $0x8000, $0x38;
	[tilespmem:$0x10200] =	vst v63  }
0x70: {  	_ =	swait.ge [sflag:s22], $0x8000  }
0x71: {  	[sflag:s22] =	ssyncset.done $0x0  }
0x72: {  	s24 =	sadd.s32 $0x1, s24;
	[sflag:s22] =	ssyncadd.s32 $0xFFFF8000  }
0x73: {  	[hbm4b:s12+s2] =	stream.linear.scatter [tilespmem:s19], [sflag:$0x6], $0x8000, $0x38;
	[tilespmem:$0x10200] =	vst v63  }
0x74: {  	p0 =	sne.s32 s24, s8;
	_ =	swait.ge [sflag:s21], $0x8000  }
.Ltmp1:
0x75: {  	[sflag:s21] =	ssyncset.done $0x0;
	(pc) =	sbr.rel @p0 .LBB2_1-.Ltmp1, $4  }
0x76: {  	[sflag:s21] =	ssyncadd.s32 $0xFFFF8000  }
0x77: {  	_ =	swait.ge [sflag:s23], $0x8000  }
0x78: {  	[sflag:s23] =	ssyncset.done $0x0  }
0x79: {  	[sflag:s23] =	ssyncadd.s32 $0xFFFF8000  }
0x7a: {  	_ =	sfence.sel $0x180000  }
0x7b: {  	[bflag:$0x0] =	sbarrier.arrive $0xFFFF  }
0x7c: {  	p0 =	sne.s32 s1, $0x0;
	_ =	strace $0x9000004D  }
0x7d: {  	s0 =	sadd.s32 @!p0 $0x100000, s0;
	[bflag:$0x2] =	sbarrier.arrive $0xFFFF  }
0x7e: {  	[sflag:s0] =	ssyncadd.tile.s32 @!p0 $0x1;
	_ =	shalt  }
.Lfunc_end2:
_tile_overlayer_lowered:
.L_overlay_start_2:
0x7f: {  	(tag) =	ssettag $0x2  }
0x80: {  	s0 =	rddreg [dreg:$0x0];
	s2 =	stileid.u32  }
0x81: {  	s1 =	rddreg [dreg:$0x1];
	p0 =	sne.s32 s2, $0x0  }
0x82: {  	s3 =	rddreg [dreg:$0x2];
	[bflag:$0x3] =	sbarrier.arrive $0xFFFF;
	s2 =	simm.s32 @!p0 $0x1C07  }
0x83: {  	[timem:s3], [sflag:s2] =	dma.local @!p0 [hbm:s0], s1  }
0x84: {  	s0 =	simm.s32 @!p0 $0x7  }
0x85: {  	_ =	swait.ge @!p0 [sflag:s0], s1  }
0x86: {  	s1 =	ssub.s32 @!p0 $0x0, s1;
	[sflag:s0] =	ssyncset.done @!p0 $0x0  }
0x87: {  	[sflag:s0] =	ssyncadd.s32 @!p0 s1  }
0x88: {  	[bflag:$0x3] =	sbarrier.arrive $0xFFFF  }
0x89: {  	_ =	shalt  }

// kernel: kernel.16.cloned.1.call-start
scs
__scs_entry_jumppad:
0x0: {  	(pc) =	sbr.rel $0x88, $3  }
0x1: {  	(tag) =	ssettag $0x0;
	lr =	simm.s32 $0x1  }
0x2: {  	[smem:$0x3F92] =	sst lr;
	_ =	strace $0xD0000000  }
0x3: {  	_ = 	snop  }
0x4: {  	_ = 	snop  }
0x5: {  	_ = 	snop  }
0x6: {  	_ = 	snop  }
0x7: {  	_ = 	snop  }
__scs_overlays_trampoline_lowered:
0x8: {  	[smem:$0x3FA1] =	sst s0  }
0x9: {  	[smem:$0x3FA2] =	sst s1  }
0xa: {  	[smem:$0x3FA3] =	sst s2  }
0xb: {  	[smem:$0x3FA4] =	sst s3  }
0xc: {  	[smem:$0x3FA5] =	sst s4  }
0xd: {  	[smem:$0x3FA6] =	sst s5  }
0xe: {  	[smem:$0x3FA7] =	sst s6  }
0xf: {  	[smem:$0x3FA8] =	sst s7  }
0x10: {  	[smem:$0x3FA9] =	sst s8  }
0x11: {  	[smem:$0x3FAA] =	sst s9;
	s0 =	simm.s32 @!p0 $0x0  }
0x12: {  	s1 =	sld [smem:$0x3F90];
	s0 =	simm.s32 @p0 $0x1  }
0x13: {  	[smem:$0x3FAB] =	sst s0;
	s0 =	simm.s32 @!p1 $0x0  }
0x14: {  	s2 =	sld [smem:$0x3F8F];
	s0 =	simm.s32 @p1 $0x1  }
0x15: {  	[smem:$0x3FAC] =	sst s0;
	s0 =	simm.s32 @!p2 $0x0  }
0x16: {  	s3 =	sld [smem:$0x3FDB];
	s0 =	simm.s32 @p2 $0x1  }
0x17: {  	s4 =	simm.s32 $0x1BF5;
	[smem:$0x3FAE] =	sst s0  }
0x18: {  	s0 =	sld [smem:$0x3F91];
	_ =	swait.ge [sflag:s4], $0x0  }
0x19: {  	s7 =	sld [smem:$0x3F92]  }
0x1a: {  	s8 =	sadd.s32 $0xFFFFE003, lr  }
0x1b: {  	s9 =	sadd.s32 $0xFFFFFEF7, lr;
	s5 =	simm.s32 $0xFFFFFFFF;
	p2 =	slt.u32 s8, $0xFFFFF086  }
0x1c: {  	p1 =	slt.u32 s9, $0xF7A;
	s5 =	simm.s32 @!p2 $0x0  }
0x1d: {  	s5 =	simm.s32 @p1 $0x1;
	p0 =	seq.s32 s7, s2  }
0x1e: {  	s7 =	smul.u32 @!p0 $0xF7A, s2;
	p2 =	seq.s32 @!p0 s5, $0x0  }
0x1f: {  	s9 =	smul.u32 $0xF7A, s1;
	s8 =	simm.s32 @!p0 $0x1BF5;
	p2 =	por !p2, p0  }
0x20: {  	[sflag:s8] =	ssyncset.s32 @!p0 $0xFFFFF086;
	s6 =	sadd.s32 @!p0 s3, s7;
	s7 =	simm.s32 @!p0 $0x108  }
0x21: {  	s3 =	sadd.s32 s3, s9;
	s6 =	sadd.s32 @!p0 $0x88, s6;
	s7 =	simm.s32 @p2 $0x1082  }
0x22: {  	[simem:s7], [sflag:s8] =	dma.local @!p0 [hbm:s6], $0xF7A  }
0x23: {  	s9 =	sor.u32 $0xD0000000, s2;
	s6 =	simm.s32 $0x108;
	_ =	swait.ge @!p0 [sflag:s8], $0x0  }
0x24: {  	s3 =	sadd.s32 $0x88, s3;
	s6 =	simm.s32 @!p1 $0x1082;
	[sflag:s4] =	ssyncset.s32 $0xFFFFF086  }
0x25: {  	[simem:s6], [sflag:s4] =	dma.local [hbm:s3], $0xF7A  }
0x26: {  	[smem:$0x3F92] =	sst s1;
	(tag) =	ssettag s2;
	_ =	strace s9  }
0x27: {  	s1 =	sld [smem:$0x3FA2]  }
0x28: {  	s2 =	sld [smem:$0x3FA3]  }
0x29: {  	s4 =	sld [smem:$0x3FA5]  }
0x2a: {  	p0 =	seq.s32 s5, $0x0;
	s5 =	sld [smem:$0x3FA6]  }
0x2b: {  	s6 =	sld [smem:$0x3FA7]  }
0x2c: {  	s7 =	sld [smem:$0x3FA8]  }
0x2d: {  	s3 =	simm.s32 $0x108;
	s8 =	sld [smem:$0x3FA9]  }
0x2e: {  	s3 =	simm.s32 @!p0 $0x1082;
	s9 =	sld [smem:$0x3FAA]  }
0x2f: {  	lr =	sadd.s32 s0, s3;
	s0 =	sld [smem:$0x3FA1]  }
0x30: {  	s3 =	sld [smem:$0x3FA4]  }
0x31: {  	[smem:$0x3FAD] =	sst s10  }
0x32: {  	s10 =	sld [smem:$0x3FAB];
	_ =	sdelay $0x3  }
0x33: {  	p0 =	seq.s32 s10, $0x1;
	s10 =	sld [smem:$0x3FAD];
	_ =	sdelay $0x3  }
0x34: {  	[smem:$0x3FAD] =	sst s10  }
0x35: {  	s10 =	sld [smem:$0x3FAC];
	_ =	sdelay $0x3  }
0x36: {  	p1 =	seq.s32 s10, $0x1;
	s10 =	sld [smem:$0x3FAD];
	_ =	sdelay $0x3  }
0x37: {  	[smem:$0x3FAD] =	sst s10  }
0x38: {  	s10 =	sld [smem:$0x3FAE]  }
0x39: {  	_ = 	snop;
	(pc) =	sbr.ind lr, $3  }
0x3a: {  	_ = 	snop  }
0x3b: {  	_ = 	snop  }
0x3c: {  	p2 =	seq.s32 s10, $0x1;
	s10 =	sld [smem:$0x3FAD]  }
0x3d: {  	_ =	shalt  }
0x3e: {  	_ =	shalt  }
0x3f: {  	_ =	shalt  }
0x40: {  	_ =	shalt  }
0x41: {  	_ =	shalt  }
0x42: {  	_ =	shalt  }
0x43: {  	_ =	shalt  }
0x44: {  	_ =	shalt  }
0x45: {  	_ =	shalt  }
0x46: {  	_ =	shalt  }
0x47: {  	_ =	shalt  }
0x48: {  	_ =	shalt  }
0x49: {  	_ =	shalt  }
0x4a: {  	_ =	shalt  }
0x4b: {  	_ =	shalt  }
0x4c: {  	_ =	shalt  }
0x4d: {  	_ =	shalt  }
0x4e: {  	_ =	shalt  }
0x4f: {  	_ =	shalt  }
0x50: {  	_ =	shalt  }
0x51: {  	_ =	shalt  }
0x52: {  	_ =	shalt  }
0x53: {  	_ =	shalt  }
0x54: {  	_ =	shalt  }
0x55: {  	_ =	shalt  }
0x56: {  	_ =	shalt  }
0x57: {  	_ =	shalt  }
0x58: {  	_ =	shalt  }
0x59: {  	_ =	shalt  }
0x5a: {  	_ =	shalt  }
0x5b: {  	_ =	shalt  }
0x5c: {  	_ =	shalt  }
0x5d: {  	_ =	shalt  }
0x5e: {  	_ =	shalt  }
0x5f: {  	_ =	shalt  }
0x60: {  	_ =	shalt  }
0x61: {  	_ =	shalt  }
0x62: {  	_ =	shalt  }
0x63: {  	_ =	shalt  }
0x64: {  	_ =	shalt  }
0x65: {  	_ =	shalt  }
0x66: {  	_ =	shalt  }
0x67: {  	_ =	shalt  }
0x68: {  	_ =	shalt  }
0x69: {  	_ =	shalt  }
0x6a: {  	_ =	shalt  }
0x6b: {  	_ =	shalt  }
0x6c: {  	_ =	shalt  }
0x6d: {  	_ =	shalt  }
0x6e: {  	_ =	shalt  }
0x6f: {  	_ =	shalt  }
0x70: {  	_ =	shalt  }
0x71: {  	_ =	shalt  }
0x72: {  	_ =	shalt  }
0x73: {  	_ =	shalt  }
0x74: {  	_ =	shalt  }
0x75: {  	_ =	shalt  }
0x76: {  	_ =	shalt  }
0x77: {  	_ =	shalt  }
0x78: {  	_ =	shalt  }
0x79: {  	_ =	shalt  }
0x7a: {  	_ =	shalt  }
0x7b: {  	_ =	shalt  }
0x7c: {  	_ =	shalt  }
0x7d: {  	_ =	shalt  }
0x7e: {  	_ =	shalt  }
0x7f: {  	_ =	shalt  }
0x80: {  	_ =	shalt  }
0x81: {  	_ =	shalt  }
0x82: {  	_ =	shalt  }
0x83: {  	_ =	shalt  }
0x84: {  	_ =	shalt  }
0x85: {  	_ =	shalt  }
0x86: {  	_ =	shalt  }
0x87: {  	_ =	shalt  }
.Lfunc_end0:
.L_simem_size_0:
called_computation.3_lowered:
.L_overlay_start_0:
0x88: {  	s2 =	sld [smem:$0x3FD9]  }
0x89: {  	s3 =	sld [smem:$0x3FFE];
	_ =	sdelay $0x1  }
0x8a: {  	s1 =	srdreg.scid  }
0x8b: {  	s0 =	sand.u32 $0x1, s1  }
0x8c: {  	s17 =	sshll.u32 s0, $0xA;
	s2 =	sadd.s32 s3, s2  }
0x8d: {  	s2 =	sadd.s32 s2, s17  }
0x8e: {  	[smem:$0x3FB9] =	sst s2  }
0x8f: {  	_ = 	snop  }
0x90: {  	(tm) =	ssettm $0x1  }
0x91: {  	s18 =	sld [smem:$0x3FFB];
	_ =	sdelay $0x3  }
0x92: {  	_ =	strace s18  }
0x93: {  	s2 =	sld [smem:$0x3FFC];
	_ =	sdelay $0x3  }
0x94: {  	_ =	strace s2  }
0x95: {  	s2 =	sld [smem:$0x3FFD];
	_ =	sdelay $0x3  }
0x96: {  	_ =	strace s2  }
0x97: {  	_ =	strace $0x8FFFFFFF  }
0x98: {  	s19 =	sld [smem:$0x3FDB];
	_ =	sdelay $0x1  }
0x99: {  	s20 =	simm.s32 $_scs_section_size  }
0x9a: {  	s4 =	simm.s32 $_size__tile_overlayer_lowered;
	s5 =	simm.s32 $_tile_overlayer_lowered  }
0x9b: {  	s6 =	simm.s32 $0x1BFF;
	s21 =	sshll.u32 s5, $0x1;
	s3 =	sadd.s32 s20, s19  }
0x9c: {  	s22 =	simm.s32 $0x0;
	s4 =	sshll.u32 s4, $0x1;
	s5 =	sadd.s32 s21, s3  }
0x9d: {  	[timem:s22], [sflag:s6] =	dma.local [hbm:s5], s4  }
0x9e: {  	_ =	swait.ge [sflag:s6], s4  }
0x9f: {  	s4 =	ssub.s32 $0x0, s4;
	[sflag:s6] =	ssyncset.done $0x0  }
0xa0: {  	[sflag:s6] =	ssyncadd.s32 s4;
	_ =	sdelay $0x1  }
0xa1: {  	s23 =	simm.s32 $0x1B8B  }
0xa2: {  	_ =	swait.ge [sflag:s23], $0x1  }
0xa3: {  	[sflag:s23] =	ssyncset.done $0x0  }
0xa4: {  	[sflag:s23] =	ssyncadd.s32 $0xFFFFFFFF  }
0xa5: {  	s4 =	sld [smem:$0x0]  }
0xa6: {  	s5 =	sand.u32 $0xFFFFFFFE, s1  }
0xa7: {  	p0 =	sne.s32 s1, s5  }
0xa8: {  	s5 =	sshll.u32 @p0 s5, $0xE  }
0xa9: {  	s5 =	sadd.s32 @p0 $0x11B8D, s5;
	s6 =	sshll.u32 @p0 s4, $0x11  }
0xaa: {  	s5 =	sor.u32 @p0 s6, s5  }
0xab: {  	[sflag:s5] =	ssyncadd.remote.s32 @p0 $0x1;
	_ =	sdelay $0x1  }
0xac: {  	s5 =	simm.s32 @p0 $0x1B8D  }
0xad: {  	_ =	swait.eq @p0 [sflag:s5], $0x1  }
0xae: {  	[sflag:s5] =	ssyncadd.s32 @p0 $0xFFFFFFFF  }
0xaf: {  	s6 =	sshll.u32 @!p0 s1, $0xE  }
0xb0: {  	s6 =	sor.u32 @!p0 $0x4000, s6;
	s5 =	simm.s32 @!p0 $0x1B8D  }
0xb1: {  	s4 =	sshll.u32 @!p0 s4, $0x11;
	s6 =	sadd.s32 @!p0 $0x11B8D, s6;
	_ =	swait.eq @!p0 [sflag:s5], $0x1  }
0xb2: {  	s4 =	sor.u32 @!p0 s4, s6;
	[sflag:s5] =	ssyncadd.s32 @!p0 $0xFFFFFFFF  }
0xb3: {  	s25 =	simm.s32 $0x1B8E;
	s24 =	sld [smem:$0x3FFE];
	[sflag:s4] =	ssyncadd.remote.s32 @!p0 $0x1  }
0xb4: {  	s26 =	simm.s32 $execute0_lowered;
	[smem:$0x3FD2] =	sst s25  }
0xb5: {  	s5 =	sshll.u32 s26, $0x1;
	_ =	strace $0x80000052;
	[dreg:$0x1] =	wrdreg $0xFFFFFFFF  }
0xb6: {  	s28 =	simm.s32 $_size_execute0_lowered;
	s3 =	sadd.s32 s3, s5;
	[dreg:$0x0] =	wrdreg $0x0  }
0xb7: {  	s5 =	sshll.u32 s28, $0x1;
	[dreg:$0x2] =	wrdreg s3  }
0xb8: {  	[dreg:$0x3] =	wrdreg s5  }
0xb9: {  	[dreg:$0x4] =	wrdreg $0xC0  }
0xba: {  	_ =	task [dreg:s22], $0x5FFFF  }
0xbb: {  	[dreg:$0x1] =	wrdreg $0xFFFFFFFF  }
0xbc: {  	[dreg:$0x0] =	wrdreg $0x60  }
0xbd: {  	[dreg:$0x2] =	wrdreg s24  }
0xbe: {  	[dreg:$0x3] =	wrdreg $0xB  }
0xbf: {  	_ =	task.clear_ibuf [dreg:s22], $0x4FFFF;
	_ =	strace $0x90000052  }
0xc0: {  	s29 =	simm.s32 $0xB;
	_ =	strace $0x80000054  }
0xc1: {  	_ =	swait.ge [sflag:s29], $0x1  }
0xc2: {  	[sflag:s29] =	ssyncadd.s32 $0xFFFFFFFF  }
0xc3: {  	_ =	strace $0x90000054  }
0xc4: {  	_ =	sfence  }
0xc5: {  	s30 =	sld [smem:$0x0];
	_ =	sdelay $0x2  }
0xc6: {  	s31 =	sshll.u32 s1, $0xD;
	s1 =	sshrl.u32 s1, $0x2  }
0xc7: {  	s4 =	sand.u32 $0x4000, s31;
	s1 =	sadd.s32 s1, s30  }
0xc8: {  	s0 =	sor.u32 s4, s0;
	s1 =	sshll.u32 s1, $0x11  }
0xc9: {  	s0 =	sor.u32 s1, s0  }
0xca: {  	s0 =	sadd.s32 $0x8F2B, s0  }
0xcb: {  	[sflag:s0] =	ssyncadd.remote.s32 $0x1  }
0xcc: {  	_ =	sfence.sel $0xFFFF  }
0xcd: {  	[dreg:$0x0] =	wrdreg $0xFFFFFFFF;
	(pc) =	sbr.abs _section_cstart, $3  }
0xce: {  	[dreg:$0x1] =	wrdreg $0xFFFFFFFF  }
0xcf: {  	_ =	task.clear_ibuf [dreg:s22], $0x2FFFF;
	_ =	strace $0x9FFFFFFF  }
0xd0: {  	(tm) =	ssettm $0x7FFFFFFF  }
0xd1: {  	_ =	shalt  }
tec
execute0_lowered:
.L_overlay_start_1:
0x0: {  	(tag) =	ssettag $0x1  }
0x1: {  	s8 =	rddreg [dreg:$0x0]  }
0x2: {  	s0 =	rddreg [dreg:$0x1];
	s2 =	simm.s32 $0x0  }
0x3: {  	s3 =	srdreg.scid;
	s1 =	stileid.u32;
	s18 =	simm.s32 $0x4  }
0x4: {  	s19 =	simm.s32 $0x8200;
	s20 =	simm.s32 $0x2;
	s21 =	simm.s32 $0x3  }
0x5: {  	s22 =	simm.s32 $0x5;
	s23 =	simm.s32 $0x6;
	s24 =	simm.s32 $0x0  }
0x6: {  	[smem:$0x7FF] =	sst s2;
	s13 =	sand.u32 $0x1, s3;
	s3 =	sadd.s32 $0x145BC00, s8  }
0x7: {  	s4 =	sshll.u32 s1, $0x1;
	s14 =	sadd.s32 $0x21C00, s8;
	s15 =	sadd.s32 $0x193DC00, s8  }
0x8: {  	s12 =	sadd.s32 $0x195DC00, s8;
	s30 =	sshll.u32 s1, $0xD;
	s17 =	sshll.u32 s1, $0x6  }
0x9: {  	_ =	strace $0x80000053;
	s5 =	ssub.s32 $0x2, s13;
	s7 =	sor.u32 s13, s4  }
0xa: {  	s31 =	sshll.u32 s13, $0xC;
	s13 =	sshll.u32 s13, $0x5;
	s29 =	sshrl.u32 s5, $0x1  }
0xb: {  	s6 =	sshll.u32 s7, $0x5;
	s11 =	sshll.u32 s7, $0xC;
	s9 =	ssub.s32 s5, s29  }
0xc: {  	s4 =	sadd.s32 s14, s6;
	s10 =	sadd.s32 s11, s12;
	s16 =	sor.u32 $0x4C0000, s11  }
0xd: {  	s14 =	sadd.s32 s17, s14;
	s17 =	simm.s32 $0x100;
	s5 =	sadd.s32 $0x400, s4  }
0xe: {  	s6 =	sadd.s32 $0x800, s4;
	s7 =	sadd.s32 $0xC00, s4;
	s8 =	smax.u32 s9, $0x1  }
0xf: {  	s9 =	sadd.s32 s15, s11;
	s11 =	sadd.s32 s15, s16;
	s15 =	sadd.s32 s30, s15  }
0x10: {  	s12 =	sadd.s32 s16, s12;
	s13 =	sadd.s32 s13, s14;
	s15 =	sadd.s32 s31, s15  }
0x11: {  	s16 =	simm.s32 $0x1;
	s14 =	sadd.s32 $0x40000, s15;
	s15 =	simm.s32 $0x8100  }
.LBB2_1:
0x12: {  	[tilespmem:s2], [sflag:$0x1] =	stream.linear.gather [hbm4b:s4+s2], $0x100, $0x38;
	[tilespmem:$0x10200] =	vst v63  }
0x13: {  	_ = 	snop  }
0x14: {  	[tilespmem:s15], [sflag:$0x4] =	stream.linear.gather [hbm4b:s5+s2], $0x100, $0x38;
	[tilespmem:$0x10200] =	vst v63  }
0x15: {  	_ =	swait.ge [sflag:s16], $0x100  }
0x16: {  	[sflag:s16] =	ssyncset.done $0x0  }
0x17: {  	[sflag:s16] =	ssyncadd.s32 $0xFFFFFF00  }
0x18: {  	[tilespmem:s17], [sflag:$0x2] =	stream.indirect.gather [hbm4b:s3+s17], $0x80, s2, s17, $0xb8;
	[tilespmem:$0x10200] =	vst v63  }
0x19: {  	_ =	swait.ge [sflag:s18], $0x100  }
0x1a: {  	[sflag:s18] =	ssyncset.done $0x0  }
0x1b: {  	[sflag:s18] =	ssyncadd.s32 $0xFFFFFF00  }
0x1c: {  	[tilespmem:s19], [sflag:$0x5] =	stream.indirect.gather [hbm4b:s3+s17], $0x80, s15, s17, $0xb8;
	[tilespmem:$0x10200] =	vst v63  }
0x1d: {  	_ =	swait.ge [sflag:s20], $0x8000  }
0x1e: {  	[sflag:s20] =	ssyncset.done $0x0  }
0x1f: {  	[sflag:s20] =	ssyncadd.s32 $0xFFFF8000  }
0x20: {  	[tilespmem:s2], [sflag:$0x1] =	stream.linear.gather [hbm4b:s6+s2], $0x100, $0x38;
	[tilespmem:$0x10200] =	vst v63  }
0x21: {  	_ = 	snop  }
0x22: {  	[hbm4b:s9+s2] =	stream.linear.scatter [tilespmem:s17], [sflag:$0x3], $0x8000, $0x38;
	[tilespmem:$0x10200] =	vst v63  }
0x23: {  	_ =	swait.ge [sflag:s21], $0x8000  }
0x24: {  	[sflag:s21] =	ssyncset.done $0x0  }
0x25: {  	[sflag:s21] =	ssyncadd.s32 $0xFFFF8000  }
0x26: {  	_ =	swait.ge [sflag:s16], $0x100  }
0x27: {  	[sflag:s16] =	ssyncset.done $0x0  }
0x28: {  	[sflag:s16] =	ssyncadd.s32 $0xFFFFFF00  }
0x29: {  	[tilespmem:s17], [sflag:$0x2] =	stream.indirect.gather [hbm4b:s3+s17], $0x80, s2, s17, $0xb8;
	[tilespmem:$0x10200] =	vst v63  }
0x2a: {  	_ =	swait.ge [sflag:s22], $0x8000  }
0x2b: {  	[sflag:s22] =	ssyncset.done $0x0  }
0x2c: {  	[sflag:s22] =	ssyncadd.s32 $0xFFFF8000  }
0x2d: {  	[tilespmem:s15], [sflag:$0x4] =	stream.linear.gather [hbm4b:s7+s2], $0x100, $0x38;
	[tilespmem:$0x10200] =	vst v63  }
0x2e: {  	_ = 	snop  }
0x2f: {  	[hbm4b:s10+s2] =	stream.linear.scatter [tilespmem:s19], [sflag:$0x6], $0x8000, $0x38;
	[tilespmem:$0x10200] =	vst v63  }
0x30: {  	_ =	swait.ge [sflag:s23], $0x8000  }
0x31: {  	[sflag:s23] =	ssyncset.done $0x0  }
0x32: {  	[sflag:s23] =	ssyncadd.s32 $0xFFFF8000  }
0x33: {  	_ =	swait.ge [sflag:s18], $0x100  }
0x34: {  	[sflag:s18] =	ssyncset.done $0x0  }
0x35: {  	[sflag:s18] =	ssyncadd.s32 $0xFFFFFF00  }
0x36: {  	[tilespmem:s19], [sflag:$0x5] =	stream.indirect.gather [hbm4b:s3+s17], $0x80, s15, s17, $0xb8;
	[tilespmem:$0x10200] =	vst v63  }
0x37: {  	_ =	swait.ge [sflag:s20], $0x8000  }
0x38: {  	s25 =	sadd.s32 $0x0, s13;
	[sflag:s20] =	ssyncset.done $0x0  }
0x39: {  	s26 =	sadd.s32 $0x1000, s25;
	[sflag:s20] =	ssyncadd.s32 $0xFFFF8000  }
0x3a: {  	[tilespmem:s2], [sflag:$0x1] =	stream.linear.gather [hbm4b:s26+s2], $0x100, $0x38;
	[tilespmem:$0x10200] =	vst v63  }
0x3b: {  	_ = 	snop  }
0x3c: {  	[hbm4b:s14+s2] =	stream.linear.scatter [tilespmem:s17], [sflag:$0x3], $0x8000, $0x38;
	[tilespmem:$0x10200] =	vst v63  }
0x3d: {  	_ =	swait.ge [sflag:s21], $0x8000  }
0x3e: {  	[sflag:s21] =	ssyncset.done $0x0  }
0x3f: {  	[sflag:s21] =	ssyncadd.s32 $0xFFFF8000  }
0x40: {  	_ =	swait.ge [sflag:s16], $0x100  }
0x41: {  	[sflag:s16] =	ssyncset.done $0x0  }
0x42: {  	[sflag:s16] =	ssyncadd.s32 $0xFFFFFF00  }
0x43: {  	[tilespmem:s17], [sflag:$0x2] =	stream.indirect.gather [hbm4b:s3+s17], $0x80, s2, s17, $0xb8;
	[tilespmem:$0x10200] =	vst v63  }
0x44: {  	_ =	swait.ge [sflag:s22], $0x8000  }
0x45: {  	[sflag:s22] =	ssyncset.done $0x0  }
0x46: {  	s25 =	sadd.s32 $0x1400, s25;
	[sflag:s22] =	ssyncadd.s32 $0xFFFF8000  }
0x47: {  	[tilespmem:s15], [sflag:$0x4] =	stream.linear.gather [hbm4b:s25+s2], $0x100, $0x38;
	[tilespmem:$0x10200] =	vst v63  }
0x48: {  	s28 =	sadd.s32 $0x20000, s14;
	s26 =	sadd.s32 $0x40000, s14;
	s25 =	simm.s32 $0x800  }
.LBB2_2:
0x49: {  	[hbm4b:s28+s2] =	stream.linear.scatter [tilespmem:s19], [sflag:$0x6], $0x8000, $0x38;
	[tilespmem:$0x10200] =	vst v63  }
0x4a: {  	s28 =	smov.u32 s25  }
0x4b: {  	p0 =	sne.s32 s25, $0x8800;
	s25 =	sadd.s32 $0x800, s25;
	_ =	swait.ge [sflag:s23], $0x8000  }
0x4c: {  	[sflag:s23] =	ssyncset.done $0x0  }
0x4d: {  	[sflag:s23] =	ssyncadd.s32 $0xFFFF8000  }
0x4e: {  	_ =	swait.ge [sflag:s18], $0x100  }
0x4f: {  	[sflag:s18] =	ssyncset.done $0x0  }
0x50: {  	[sflag:s18] =	ssyncadd.s32 $0xFFFFFF00  }
0x51: {  	[tilespmem:s19], [sflag:$0x5] =	stream.indirect.gather [hbm4b:s3+s17], $0x80, s15, s17, $0xb8;
	[tilespmem:$0x10200] =	vst v63  }
0x52: {  	_ =	swait.ge [sflag:s20], $0x8000  }
0x53: {  	s28 =	sadd.s32 s28, s13;
	[sflag:s20] =	ssyncset.done $0x0  }
0x54: {  	s29 =	sadd.s32 $0x1000, s28;
	[sflag:s20] =	ssyncadd.s32 $0xFFFF8000  }
0x55: {  	[tilespmem:s2], [sflag:$0x1] =	stream.linear.gather [hbm4b:s29+s2], $0x100, $0x38;
	[tilespmem:$0x10200] =	vst v63  }
0x56: {  	_ = 	snop  }
0x57: {  	[hbm4b:s26+s2] =	stream.linear.scatter [tilespmem:s17], [sflag:$0x3], $0x8000, $0x38;
	[tilespmem:$0x10200] =	vst v63  }
0x58: {  	_ =	swait.ge [sflag:s21], $0x8000  }
0x59: {  	[sflag:s21] =	ssyncset.done $0x0  }
0x5a: {  	[sflag:s21] =	ssyncadd.s32 $0xFFFF8000  }
0x5b: {  	_ =	swait.ge [sflag:s16], $0x100  }
0x5c: {  	[sflag:s16] =	ssyncset.done $0x0  }
0x5d: {  	[sflag:s16] =	ssyncadd.s32 $0xFFFFFF00  }
0x5e: {  	[tilespmem:s17], [sflag:$0x2] =	stream.indirect.gather [hbm4b:s3+s17], $0x80, s2, s17, $0xb8;
	[tilespmem:$0x10200] =	vst v63  }
.Ltmp0:
0x5f: {  	_ =	swait.ge [sflag:s22], $0x8000;
	(pc) =	sbr.rel @p0 .LBB2_2-.Ltmp0, $4  }
0x60: {  	[sflag:s22] =	ssyncset.done $0x0  }
0x61: {  	s28 =	sadd.s32 $0x1400, s28;
	[sflag:s22] =	ssyncadd.s32 $0xFFFF8000  }
0x62: {  	[tilespmem:s15], [sflag:$0x4] =	stream.linear.gather [hbm4b:s28+s2], $0x100, $0x38;
	[tilespmem:$0x10200] =	vst v63  }
0x63: {  	s28 =	sadd.s32 $0x20000, s26;
	s26 =	sadd.s32 $0x40000, s26  }
0x64: {  	[hbm4b:s28+s2] =	stream.linear.scatter [tilespmem:s19], [sflag:$0x6], $0x8000, $0x38;
	[tilespmem:$0x10200] =	vst v63  }
0x65: {  	_ =	swait.ge [sflag:s23], $0x8000  }
0x66: {  	[sflag:s23] =	ssyncset.done $0x0  }
0x67: {  	[sflag:s23] =	ssyncadd.s32 $0xFFFF8000  }
0x68: {  	_ =	swait.ge [sflag:s18], $0x100  }
0x69: {  	[sflag:s18] =	ssyncset.done $0x0  }
0x6a: {  	[sflag:s18] =	ssyncadd.s32 $0xFFFFFF00  }
0x6b: {  	[tilespmem:s19], [sflag:$0x5] =	stream.indirect.gather [hbm4b:s3+s17], $0x80, s15, s17, $0xb8;
	[tilespmem:$0x10200] =	vst v63  }
0x6c: {  	_ =	swait.ge [sflag:s20], $0x8000  }
0x6d: {  	[sflag:s20] =	ssyncset.done $0x0  }
0x6e: {  	[sflag:s20] =	ssyncadd.s32 $0xFFFF8000  }
0x6f: {  	[hbm4b:s11+s2] =	stream.linear.scatter [tilespmem:s17], [sflag:$0x3], $0x8000, $0x38;
	[tilespmem:$0x10200] =	vst v63  }
0x70: {  	_ =	swait.ge [sflag:s22], $0x8000  }
0x71: {  	[sflag:s22] =	ssyncset.done $0x0  }
0x72: {  	s24 =	sadd.s32 $0x1, s24;
	[sflag:s22] =	ssyncadd.s32 $0xFFFF8000  }
0x73: {  	[hbm4b:s12+s2] =	stream.linear.scatter [tilespmem:s19], [sflag:$0x6], $0x8000, $0x38;
	[tilespmem:$0x10200] =	vst v63  }
0x74: {  	p0 =	sne.s32 s24, s8;
	_ =	swait.ge [sflag:s21], $0x8000  }
.Ltmp1:
0x75: {  	[sflag:s21] =	ssyncset.done $0x0;
	(pc) =	sbr.rel @p0 .LBB2_1-.Ltmp1, $4  }
0x76: {  	[sflag:s21] =	ssyncadd.s32 $0xFFFF8000  }
0x77: {  	_ =	swait.ge [sflag:s23], $0x8000  }
0x78: {  	[sflag:s23] =	ssyncset.done $0x0  }
0x79: {  	[sflag:s23] =	ssyncadd.s32 $0xFFFF8000  }
0x7a: {  	_ =	sfence.sel $0x180000  }
0x7b: {  	[bflag:$0x0] =	sbarrier.arrive $0xFFFF  }
0x7c: {  	p0 =	sne.s32 s1, $0x0;
	_ =	strace $0x90000053  }
0x7d: {  	s0 =	sadd.s32 @!p0 $0x100000, s0;
	[bflag:$0x2] =	sbarrier.arrive $0xFFFF  }
0x7e: {  	[sflag:s0] =	ssyncadd.tile.s32 @!p0 $0x1;
	_ =	shalt  }
.Lfunc_end2:
_tile_overlayer_lowered:
.L_overlay_start_2:
0x7f: {  	(tag) =	ssettag $0x2  }
0x80: {  	s0 =	rddreg [dreg:$0x0];
	s2 =	stileid.u32  }
0x81: {  	s1 =	rddreg [dreg:$0x1];
	p0 =	sne.s32 s2, $0x0  }
0x82: {  	s3 =	rddreg [dreg:$0x2];
	[bflag:$0x3] =	sbarrier.arrive $0xFFFF;
	s2 =	simm.s32 @!p0 $0x1C07  }
0x83: {  	[timem:s3], [sflag:s2] =	dma.local @!p0 [hbm:s0], s1  }
0x84: {  	s0 =	simm.s32 @!p0 $0x7  }
0x85: {  	_ =	swait.ge @!p0 [sflag:s0], s1  }
0x86: {  	s1 =	ssub.s32 @!p0 $0x0, s1;
	[sflag:s0] =	ssyncset.done @!p0 $0x0  }
0x87: {  	[sflag:s0] =	ssyncadd.s32 @!p0 s1  }
0x88: {  	[bflag:$0x3] =	sbarrier.arrive $0xFFFF  }
0x89: {  	_ =	shalt  }

// kernel: kernel.19.cloned.1.call-start
scs
__scs_entry_jumppad:
0x0: {  	(pc) =	sbr.rel $0x88, $3  }
0x1: {  	(tag) =	ssettag $0x0;
	lr =	simm.s32 $0x1  }
0x2: {  	[smem:$0x3F92] =	sst lr;
	_ =	strace $0xD0000000  }
0x3: {  	_ = 	snop  }
0x4: {  	_ = 	snop  }
0x5: {  	_ = 	snop  }
0x6: {  	_ = 	snop  }
0x7: {  	_ = 	snop  }
__scs_overlays_trampoline_lowered:
0x8: {  	[smem:$0x3FA1] =	sst s0  }
0x9: {  	[smem:$0x3FA2] =	sst s1  }
0xa: {  	[smem:$0x3FA3] =	sst s2  }
0xb: {  	[smem:$0x3FA4] =	sst s3  }
0xc: {  	[smem:$0x3FA5] =	sst s4  }
0xd: {  	[smem:$0x3FA6] =	sst s5  }
0xe: {  	[smem:$0x3FA7] =	sst s6  }
0xf: {  	[smem:$0x3FA8] =	sst s7  }
0x10: {  	[smem:$0x3FA9] =	sst s8  }
0x11: {  	[smem:$0x3FAA] =	sst s9;
	s0 =	simm.s32 @!p0 $0x0  }
0x12: {  	s1 =	sld [smem:$0x3F90];
	s0 =	simm.s32 @p0 $0x1  }
0x13: {  	[smem:$0x3FAB] =	sst s0;
	s0 =	simm.s32 @!p1 $0x0  }
0x14: {  	s2 =	sld [smem:$0x3F8F];
	s0 =	simm.s32 @p1 $0x1  }
0x15: {  	[smem:$0x3FAC] =	sst s0;
	s0 =	simm.s32 @!p2 $0x0  }
0x16: {  	s3 =	sld [smem:$0x3FDB];
	s0 =	simm.s32 @p2 $0x1  }
0x17: {  	s4 =	simm.s32 $0x1BF5;
	[smem:$0x3FAE] =	sst s0  }
0x18: {  	s0 =	sld [smem:$0x3F91];
	_ =	swait.ge [sflag:s4], $0x0  }
0x19: {  	s7 =	sld [smem:$0x3F92]  }
0x1a: {  	s8 =	sadd.s32 $0xFFFFE003, lr  }
0x1b: {  	s9 =	sadd.s32 $0xFFFFFEF7, lr;
	s5 =	simm.s32 $0xFFFFFFFF;
	p2 =	slt.u32 s8, $0xFFFFF086  }
0x1c: {  	p1 =	slt.u32 s9, $0xF7A;
	s5 =	simm.s32 @!p2 $0x0  }
0x1d: {  	s5 =	simm.s32 @p1 $0x1;
	p0 =	seq.s32 s7, s2  }
0x1e: {  	s7 =	smul.u32 @!p0 $0xF7A, s2;
	p2 =	seq.s32 @!p0 s5, $0x0  }
0x1f: {  	s9 =	smul.u32 $0xF7A, s1;
	s8 =	simm.s32 @!p0 $0x1BF5;
	p2 =	por !p2, p0  }
0x20: {  	[sflag:s8] =	ssyncset.s32 @!p0 $0xFFFFF086;
	s6 =	sadd.s32 @!p0 s3, s7;
	s7 =	simm.s32 @!p0 $0x108  }
0x21: {  	s3 =	sadd.s32 s3, s9;
	s6 =	sadd.s32 @!p0 $0x88, s6;
	s7 =	simm.s32 @p2 $0x1082  }
0x22: {  	[simem:s7], [sflag:s8] =	dma.local @!p0 [hbm:s6], $0xF7A  }
0x23: {  	s9 =	sor.u32 $0xD0000000, s2;
	s6 =	simm.s32 $0x108;
	_ =	swait.ge @!p0 [sflag:s8], $0x0  }
0x24: {  	s3 =	sadd.s32 $0x88, s3;
	s6 =	simm.s32 @!p1 $0x1082;
	[sflag:s4] =	ssyncset.s32 $0xFFFFF086  }
0x25: {  	[simem:s6], [sflag:s4] =	dma.local [hbm:s3], $0xF7A  }
0x26: {  	[smem:$0x3F92] =	sst s1;
	(tag) =	ssettag s2;
	_ =	strace s9  }
0x27: {  	s1 =	sld [smem:$0x3FA2]  }
0x28: {  	s2 =	sld [smem:$0x3FA3]  }
0x29: {  	s4 =	sld [smem:$0x3FA5]  }
0x2a: {  	p0 =	seq.s32 s5, $0x0;
	s5 =	sld [smem:$0x3FA6]  }
0x2b: {  	s6 =	sld [smem:$0x3FA7]  }
0x2c: {  	s7 =	sld [smem:$0x3FA8]  }
0x2d: {  	s3 =	simm.s32 $0x108;
	s8 =	sld [smem:$0x3FA9]  }
0x2e: {  	s3 =	simm.s32 @!p0 $0x1082;
	s9 =	sld [smem:$0x3FAA]  }
0x2f: {  	lr =	sadd.s32 s0, s3;
	s0 =	sld [smem:$0x3FA1]  }
0x30: {  	s3 =	sld [smem:$0x3FA4]  }
0x31: {  	[smem:$0x3FAD] =	sst s10  }
0x32: {  	s10 =	sld [smem:$0x3FAB];
	_ =	sdelay $0x3  }
0x33: {  	p0 =	seq.s32 s10, $0x1;
	s10 =	sld [smem:$0x3FAD];
	_ =	sdelay $0x3  }
0x34: {  	[smem:$0x3FAD] =	sst s10  }
0x35: {  	s10 =	sld [smem:$0x3FAC];
	_ =	sdelay $0x3  }
0x36: {  	p1 =	seq.s32 s10, $0x1;
	s10 =	sld [smem:$0x3FAD];
	_ =	sdelay $0x3  }
0x37: {  	[smem:$0x3FAD] =	sst s10  }
0x38: {  	s10 =	sld [smem:$0x3FAE]  }
0x39: {  	_ = 	snop;
	(pc) =	sbr.ind lr, $3  }
0x3a: {  	_ = 	snop  }
0x3b: {  	_ = 	snop  }
0x3c: {  	p2 =	seq.s32 s10, $0x1;
	s10 =	sld [smem:$0x3FAD]  }
0x3d: {  	_ =	shalt  }
0x3e: {  	_ =	shalt  }
0x3f: {  	_ =	shalt  }
0x40: {  	_ =	shalt  }
0x41: {  	_ =	shalt  }
0x42: {  	_ =	shalt  }
0x43: {  	_ =	shalt  }
0x44: {  	_ =	shalt  }
0x45: {  	_ =	shalt  }
0x46: {  	_ =	shalt  }
0x47: {  	_ =	shalt  }
0x48: {  	_ =	shalt  }
0x49: {  	_ =	shalt  }
0x4a: {  	_ =	shalt  }
0x4b: {  	_ =	shalt  }
0x4c: {  	_ =	shalt  }
0x4d: {  	_ =	shalt  }
0x4e: {  	_ =	shalt  }
0x4f: {  	_ =	shalt  }
0x50: {  	_ =	shalt  }
0x51: {  	_ =	shalt  }
0x52: {  	_ =	shalt  }
0x53: {  	_ =	shalt  }
0x54: {  	_ =	shalt  }
0x55: {  	_ =	shalt  }
0x56: {  	_ =	shalt  }
0x57: {  	_ =	shalt  }
0x58: {  	_ =	shalt  }
0x59: {  	_ =	shalt  }
0x5a: {  	_ =	shalt  }
0x5b: {  	_ =	shalt  }
0x5c: {  	_ =	shalt  }
0x5d: {  	_ =	shalt  }
0x5e: {  	_ =	shalt  }
0x5f: {  	_ =	shalt  }
0x60: {  	_ =	shalt  }
0x61: {  	_ =	shalt  }
0x62: {  	_ =	shalt  }
0x63: {  	_ =	shalt  }
0x64: {  	_ =	shalt  }
0x65: {  	_ =	shalt  }
0x66: {  	_ =	shalt  }
0x67: {  	_ =	shalt  }
0x68: {  	_ =	shalt  }
0x69: {  	_ =	shalt  }
0x6a: {  	_ =	shalt  }
0x6b: {  	_ =	shalt  }
0x6c: {  	_ =	shalt  }
0x6d: {  	_ =	shalt  }
0x6e: {  	_ =	shalt  }
0x6f: {  	_ =	shalt  }
0x70: {  	_ =	shalt  }
0x71: {  	_ =	shalt  }
0x72: {  	_ =	shalt  }
0x73: {  	_ =	shalt  }
0x74: {  	_ =	shalt  }
0x75: {  	_ =	shalt  }
0x76: {  	_ =	shalt  }
0x77: {  	_ =	shalt  }
0x78: {  	_ =	shalt  }
0x79: {  	_ =	shalt  }
0x7a: {  	_ =	shalt  }
0x7b: {  	_ =	shalt  }
0x7c: {  	_ =	shalt  }
0x7d: {  	_ =	shalt  }
0x7e: {  	_ =	shalt  }
0x7f: {  	_ =	shalt  }
0x80: {  	_ =	shalt  }
0x81: {  	_ =	shalt  }
0x82: {  	_ =	shalt  }
0x83: {  	_ =	shalt  }
0x84: {  	_ =	shalt  }
0x85: {  	_ =	shalt  }
0x86: {  	_ =	shalt  }
0x87: {  	_ =	shalt  }
.Lfunc_end0:
.L_simem_size_0:
called_computation.4_lowered:
.L_overlay_start_0:
0x88: {  	s2 =	sld [smem:$0x3FD9]  }
0x89: {  	s3 =	sld [smem:$0x3FFE];
	_ =	sdelay $0x1  }
0x8a: {  	s1 =	srdreg.scid  }
0x8b: {  	s0 =	sand.u32 $0x1, s1  }
0x8c: {  	s17 =	sshll.u32 s0, $0xA;
	s2 =	sadd.s32 s3, s2  }
0x8d: {  	s2 =	sadd.s32 s2, s17  }
0x8e: {  	[smem:$0x3FB9] =	sst s2  }
0x8f: {  	_ = 	snop  }
0x90: {  	(tm) =	ssettm $0x1  }
0x91: {  	s18 =	sld [smem:$0x3FFB];
	_ =	sdelay $0x3  }
0x92: {  	_ =	strace s18  }
0x93: {  	s2 =	sld [smem:$0x3FFC];
	_ =	sdelay $0x3  }
0x94: {  	_ =	strace s2  }
0x95: {  	s2 =	sld [smem:$0x3FFD];
	_ =	sdelay $0x3  }
0x96: {  	_ =	strace s2  }
0x97: {  	_ =	strace $0x8FFFFFFF  }
0x98: {  	s19 =	sld [smem:$0x3FDB];
	_ =	sdelay $0x1  }
0x99: {  	s20 =	simm.s32 $_scs_section_size  }
0x9a: {  	s4 =	simm.s32 $_size__tile_overlayer_lowered;
	s5 =	simm.s32 $_tile_overlayer_lowered  }
0x9b: {  	s6 =	simm.s32 $0x1BFF;
	s21 =	sshll.u32 s5, $0x1;
	s3 =	sadd.s32 s20, s19  }
0x9c: {  	s22 =	simm.s32 $0x0;
	s4 =	sshll.u32 s4, $0x1;
	s5 =	sadd.s32 s21, s3  }
0x9d: {  	[timem:s22], [sflag:s6] =	dma.local [hbm:s5], s4  }
0x9e: {  	_ =	swait.ge [sflag:s6], s4  }
0x9f: {  	s4 =	ssub.s32 $0x0, s4;
	[sflag:s6] =	ssyncset.done $0x0  }
0xa0: {  	[sflag:s6] =	ssyncadd.s32 s4;
	_ =	sdelay $0x1  }
0xa1: {  	s23 =	simm.s32 $0x1B8B  }
0xa2: {  	_ =	swait.ge [sflag:s23], $0x1  }
0xa3: {  	[sflag:s23] =	ssyncset.done $0x0  }
0xa4: {  	[sflag:s23] =	ssyncadd.s32 $0xFFFFFFFF  }
0xa5: {  	s4 =	sld [smem:$0x0]  }
0xa6: {  	s5 =	sand.u32 $0xFFFFFFFE, s1  }
0xa7: {  	p0 =	sne.s32 s1, s5  }
0xa8: {  	s5 =	sshll.u32 @p0 s5, $0xE  }
0xa9: {  	s5 =	sadd.s32 @p0 $0x11B8D, s5;
	s6 =	sshll.u32 @p0 s4, $0x11  }
0xaa: {  	s5 =	sor.u32 @p0 s6, s5  }
0xab: {  	[sflag:s5] =	ssyncadd.remote.s32 @p0 $0x1;
	_ =	sdelay $0x1  }
0xac: {  	s5 =	simm.s32 @p0 $0x1B8D  }
0xad: {  	_ =	swait.eq @p0 [sflag:s5], $0x1  }
0xae: {  	[sflag:s5] =	ssyncadd.s32 @p0 $0xFFFFFFFF  }
0xaf: {  	s6 =	sshll.u32 @!p0 s1, $0xE  }
0xb0: {  	s6 =	sor.u32 @!p0 $0x4000, s6;
	s5 =	simm.s32 @!p0 $0x1B8D  }
0xb1: {  	s4 =	sshll.u32 @!p0 s4, $0x11;
	s6 =	sadd.s32 @!p0 $0x11B8D, s6;
	_ =	swait.eq @!p0 [sflag:s5], $0x1  }
0xb2: {  	s4 =	sor.u32 @!p0 s4, s6;
	[sflag:s5] =	ssyncadd.s32 @!p0 $0xFFFFFFFF  }
0xb3: {  	s25 =	simm.s32 $0x1B8E;
	s24 =	sld [smem:$0x3FFE];
	[sflag:s4] =	ssyncadd.remote.s32 @!p0 $0x1  }
0xb4: {  	s26 =	simm.s32 $execute0_lowered;
	[smem:$0x3FD2] =	sst s25  }
0xb5: {  	s5 =	sshll.u32 s26, $0x1;
	_ =	strace $0x8000004F;
	[dreg:$0x1] =	wrdreg $0xFFFFFFFF  }
0xb6: {  	s28 =	simm.s32 $_size_execute0_lowered;
	s3 =	sadd.s32 s3, s5;
	[dreg:$0x0] =	wrdreg $0x0  }
0xb7: {  	s5 =	sshll.u32 s28, $0x1;
	[dreg:$0x2] =	wrdreg s3  }
0xb8: {  	[dreg:$0x3] =	wrdreg s5  }
0xb9: {  	[dreg:$0x4] =	wrdreg $0xC0  }
0xba: {  	_ =	task [dreg:s22], $0x5FFFF  }
0xbb: {  	[dreg:$0x1] =	wrdreg $0xFFFFFFFF  }
0xbc: {  	[dreg:$0x0] =	wrdreg $0x60  }
0xbd: {  	[dreg:$0x2] =	wrdreg s24  }
0xbe: {  	[dreg:$0x3] =	wrdreg $0xC  }
0xbf: {  	_ =	task.clear_ibuf [dreg:s22], $0x4FFFF;
	_ =	strace $0x9000004F  }
0xc0: {  	s29 =	simm.s32 $0xC;
	_ =	strace $0x80000051  }
0xc1: {  	_ =	swait.ge [sflag:s29], $0x1  }
0xc2: {  	[sflag:s29] =	ssyncadd.s32 $0xFFFFFFFF  }
0xc3: {  	_ =	strace $0x90000051  }
0xc4: {  	_ =	sfence  }
0xc5: {  	s30 =	sld [smem:$0x0];
	_ =	sdelay $0x2  }
0xc6: {  	s31 =	sshll.u32 s1, $0xD;
	s1 =	sshrl.u32 s1, $0x2  }
0xc7: {  	s4 =	sand.u32 $0x4000, s31;
	s1 =	sadd.s32 s1, s30  }
0xc8: {  	s0 =	sor.u32 s4, s0;
	s1 =	sshll.u32 s1, $0x11  }
0xc9: {  	s0 =	sor.u32 s1, s0  }
0xca: {  	s0 =	sadd.s32 $0x8F2B, s0  }
0xcb: {  	[sflag:s0] =	ssyncadd.remote.s32 $0x1  }
0xcc: {  	_ =	sfence.sel $0xFFFF  }
0xcd: {  	[dreg:$0x0] =	wrdreg $0xFFFFFFFF;
	(pc) =	sbr.abs _section_cstart, $3  }
0xce: {  	[dreg:$0x1] =	wrdreg $0xFFFFFFFF  }
0xcf: {  	_ =	task.clear_ibuf [dreg:s22], $0x2FFFF;
	_ =	strace $0x9FFFFFFF  }
0xd0: {  	(tm) =	ssettm $0x7FFFFFFF  }
0xd1: {  	_ =	shalt  }
tec
execute0_lowered:
.L_overlay_start_1:
0x0: {  	(tag) =	ssettag $0x1  }
0x1: {  	s8 =	rddreg [dreg:$0x0]  }
0x2: {  	s0 =	rddreg [dreg:$0x1];
	s2 =	simm.s32 $0x0  }
0x3: {  	s3 =	srdreg.scid;
	s1 =	stileid.u32;
	s18 =	simm.s32 $0x4  }
0x4: {  	s19 =	simm.s32 $0x8200;
	s20 =	simm.s32 $0x2;
	s21 =	simm.s32 $0x3  }
0x5: {  	s22 =	simm.s32 $0x5;
	s23 =	simm.s32 $0x6;
	s24 =	simm.s32 $0x0  }
0x6: {  	[smem:$0x7FF] =	sst s2;
	s13 =	sand.u32 $0x1, s3;
	s3 =	sadd.s32 $0xF03800, s8  }
0x7: {  	s4 =	sshll.u32 s1, $0x1;
	s14 =	sadd.s32 $0xF51C00, s8;
	s15 =	sadd.s32 $0xF5BC00, s8  }
0x8: {  	s12 =	sadd.s32 $0xF7BC00, s8;
	s30 =	sshll.u32 s1, $0xD;
	s17 =	sshll.u32 s1, $0x6  }
0x9: {  	_ =	strace $0x80000050;
	s5 =	ssub.s32 $0x2, s13;
	s7 =	sor.u32 s13, s4  }
0xa: {  	s31 =	sshll.u32 s13, $0xC;
	s13 =	sshll.u32 s13, $0x5;
	s29 =	sshrl.u32 s5, $0x1  }
0xb: {  	s6 =	sshll.u32 s7, $0x5;
	s11 =	sshll.u32 s7, $0xC;
	s9 =	ssub.s32 s5, s29  }
0xc: {  	s4 =	sadd.s32 s14, s6;
	s10 =	sadd.s32 s11, s12;
	s16 =	sor.u32 $0x4C0000, s11  }
0xd: {  	s14 =	sadd.s32 s17, s14;
	s17 =	simm.s32 $0x100;
	s5 =	sadd.s32 $0x400, s4  }
0xe: {  	s6 =	sadd.s32 $0x800, s4;
	s7 =	sadd.s32 $0xC00, s4;
	s8 =	smax.u32 s9, $0x1  }
0xf: {  	s9 =	sadd.s32 s15, s11;
	s11 =	sadd.s32 s15, s16;
	s15 =	sadd.s32 s30, s15  }
0x10: {  	s12 =	sadd.s32 s16, s12;
	s13 =	sadd.s32 s13, s14;
	s15 =	sadd.s32 s31, s15  }
0x11: {  	s16 =	simm.s32 $0x1;
	s14 =	sadd.s32 $0x40000, s15;
	s15 =	simm.s32 $0x8100  }
.LBB2_1:
0x12: {  	[tilespmem:s2], [sflag:$0x1] =	stream.linear.gather [hbm4b:s4+s2], $0x100, $0x38;
	[tilespmem:$0x10200] =	vst v63  }
0x13: {  	_ = 	snop  }
0x14: {  	[tilespmem:s15], [sflag:$0x4] =	stream.linear.gather [hbm4b:s5+s2], $0x100, $0x38;
	[tilespmem:$0x10200] =	vst v63  }
0x15: {  	_ =	swait.ge [sflag:s16], $0x100  }
0x16: {  	[sflag:s16] =	ssyncset.done $0x0  }
0x17: {  	[sflag:s16] =	ssyncadd.s32 $0xFFFFFF00  }
0x18: {  	[tilespmem:s17], [sflag:$0x2] =	stream.indirect.gather [hbm4b:s3+s17], $0x80, s2, s17, $0xb8;
	[tilespmem:$0x10200] =	vst v63  }
0x19: {  	_ =	swait.ge [sflag:s18], $0x100  }
0x1a: {  	[sflag:s18] =	ssyncset.done $0x0  }
0x1b: {  	[sflag:s18] =	ssyncadd.s32 $0xFFFFFF00  }
0x1c: {  	[tilespmem:s19], [sflag:$0x5] =	stream.indirect.gather [hbm4b:s3+s17], $0x80, s15, s17, $0xb8;
	[tilespmem:$0x10200] =	vst v63  }
0x1d: {  	_ =	swait.ge [sflag:s20], $0x8000  }
0x1e: {  	[sflag:s20] =	ssyncset.done $0x0  }
0x1f: {  	[sflag:s20] =	ssyncadd.s32 $0xFFFF8000  }
0x20: {  	[tilespmem:s2], [sflag:$0x1] =	stream.linear.gather [hbm4b:s6+s2], $0x100, $0x38;
	[tilespmem:$0x10200] =	vst v63  }
0x21: {  	_ = 	snop  }
0x22: {  	[hbm4b:s9+s2] =	stream.linear.scatter [tilespmem:s17], [sflag:$0x3], $0x8000, $0x38;
	[tilespmem:$0x10200] =	vst v63  }
0x23: {  	_ =	swait.ge [sflag:s21], $0x8000  }
0x24: {  	[sflag:s21] =	ssyncset.done $0x0  }
0x25: {  	[sflag:s21] =	ssyncadd.s32 $0xFFFF8000  }
0x26: {  	_ =	swait.ge [sflag:s16], $0x100  }
0x27: {  	[sflag:s16] =	ssyncset.done $0x0  }
0x28: {  	[sflag:s16] =	ssyncadd.s32 $0xFFFFFF00  }
0x29: {  	[tilespmem:s17], [sflag:$0x2] =	stream.indirect.gather [hbm4b:s3+s17], $0x80, s2, s17, $0xb8;
	[tilespmem:$0x10200] =	vst v63  }
0x2a: {  	_ =	swait.ge [sflag:s22], $0x8000  }
0x2b: {  	[sflag:s22] =	ssyncset.done $0x0  }
0x2c: {  	[sflag:s22] =	ssyncadd.s32 $0xFFFF8000  }
0x2d: {  	[tilespmem:s15], [sflag:$0x4] =	stream.linear.gather [hbm4b:s7+s2], $0x100, $0x38;
	[tilespmem:$0x10200] =	vst v63  }
0x2e: {  	_ = 	snop  }
0x2f: {  	[hbm4b:s10+s2] =	stream.linear.scatter [tilespmem:s19], [sflag:$0x6], $0x8000, $0x38;
	[tilespmem:$0x10200] =	vst v63  }
0x30: {  	_ =	swait.ge [sflag:s23], $0x8000  }
0x31: {  	[sflag:s23] =	ssyncset.done $0x0  }
0x32: {  	[sflag:s23] =	ssyncadd.s32 $0xFFFF8000  }
0x33: {  	_ =	swait.ge [sflag:s18], $0x100  }
0x34: {  	[sflag:s18] =	ssyncset.done $0x0  }
0x35: {  	[sflag:s18] =	ssyncadd.s32 $0xFFFFFF00  }
0x36: {  	[tilespmem:s19], [sflag:$0x5] =	stream.indirect.gather [hbm4b:s3+s17], $0x80, s15, s17, $0xb8;
	[tilespmem:$0x10200] =	vst v63  }
0x37: {  	_ =	swait.ge [sflag:s20], $0x8000  }
0x38: {  	s25 =	sadd.s32 $0x0, s13;
	[sflag:s20] =	ssyncset.done $0x0  }
0x39: {  	s26 =	sadd.s32 $0x1000, s25;
	[sflag:s20] =	ssyncadd.s32 $0xFFFF8000  }
0x3a: {  	[tilespmem:s2], [sflag:$0x1] =	stream.linear.gather [hbm4b:s26+s2], $0x100, $0x38;
	[tilespmem:$0x10200] =	vst v63  }
0x3b: {  	_ = 	snop  }
0x3c: {  	[hbm4b:s14+s2] =	stream.linear.scatter [tilespmem:s17], [sflag:$0x3], $0x8000, $0x38;
	[tilespmem:$0x10200] =	vst v63  }
0x3d: {  	_ =	swait.ge [sflag:s21], $0x8000  }
0x3e: {  	[sflag:s21] =	ssyncset.done $0x0  }
0x3f: {  	[sflag:s21] =	ssyncadd.s32 $0xFFFF8000  }
0x40: {  	_ =	swait.ge [sflag:s16], $0x100  }
0x41: {  	[sflag:s16] =	ssyncset.done $0x0  }
0x42: {  	[sflag:s16] =	ssyncadd.s32 $0xFFFFFF00  }
0x43: {  	[tilespmem:s17], [sflag:$0x2] =	stream.indirect.gather [hbm4b:s3+s17], $0x80, s2, s17, $0xb8;
	[tilespmem:$0x10200] =	vst v63  }
0x44: {  	_ =	swait.ge [sflag:s22], $0x8000  }
0x45: {  	[sflag:s22] =	ssyncset.done $0x0  }
0x46: {  	s25 =	sadd.s32 $0x1400, s25;
	[sflag:s22] =	ssyncadd.s32 $0xFFFF8000  }
0x47: {  	[tilespmem:s15], [sflag:$0x4] =	stream.linear.gather [hbm4b:s25+s2], $0x100, $0x38;
	[tilespmem:$0x10200] =	vst v63  }
0x48: {  	s28 =	sadd.s32 $0x20000, s14;
	s26 =	sadd.s32 $0x40000, s14;
	s25 =	simm.s32 $0x800  }
.LBB2_2:
0x49: {  	[hbm4b:s28+s2] =	stream.linear.scatter [tilespmem:s19], [sflag:$0x6], $0x8000, $0x38;
	[tilespmem:$0x10200] =	vst v63  }
0x4a: {  	s28 =	smov.u32 s25  }
0x4b: {  	p0 =	sne.s32 s25, $0x8800;
	s25 =	sadd.s32 $0x800, s25;
	_ =	swait.ge [sflag:s23], $0x8000  }
0x4c: {  	[sflag:s23] =	ssyncset.done $0x0  }
0x4d: {  	[sflag:s23] =	ssyncadd.s32 $0xFFFF8000  }
0x4e: {  	_ =	swait.ge [sflag:s18], $0x100  }
0x4f: {  	[sflag:s18] =	ssyncset.done $0x0  }
0x50: {  	[sflag:s18] =	ssyncadd.s32 $0xFFFFFF00  }
0x51: {  	[tilespmem:s19], [sflag:$0x5] =	stream.indirect.gather [hbm4b:s3+s17], $0x80, s15, s17, $0xb8;
	[tilespmem:$0x10200] =	vst v63  }
0x52: {  	_ =	swait.ge [sflag:s20], $0x8000  }
0x53: {  	s28 =	sadd.s32 s28, s13;
	[sflag:s20] =	ssyncset.done $0x0  }
0x54: {  	s29 =	sadd.s32 $0x1000, s28;
	[sflag:s20] =	ssyncadd.s32 $0xFFFF8000  }
0x55: {  	[tilespmem:s2], [sflag:$0x1] =	stream.linear.gather [hbm4b:s29+s2], $0x100, $0x38;
	[tilespmem:$0x10200] =	vst v63  }
0x56: {  	_ = 	snop  }
0x57: {  	[hbm4b:s26+s2] =	stream.linear.scatter [tilespmem:s17], [sflag:$0x3], $0x8000, $0x38;
	[tilespmem:$0x10200] =	vst v63  }
0x58: {  	_ =	swait.ge [sflag:s21], $0x8000  }
0x59: {  	[sflag:s21] =	ssyncset.done $0x0  }
0x5a: {  	[sflag:s21] =	ssyncadd.s32 $0xFFFF8000  }
0x5b: {  	_ =	swait.ge [sflag:s16], $0x100  }
0x5c: {  	[sflag:s16] =	ssyncset.done $0x0  }
0x5d: {  	[sflag:s16] =	ssyncadd.s32 $0xFFFFFF00  }
0x5e: {  	[tilespmem:s17], [sflag:$0x2] =	stream.indirect.gather [hbm4b:s3+s17], $0x80, s2, s17, $0xb8;
	[tilespmem:$0x10200] =	vst v63  }
.Ltmp0:
0x5f: {  	_ =	swait.ge [sflag:s22], $0x8000;
	(pc) =	sbr.rel @p0 .LBB2_2-.Ltmp0, $4  }
0x60: {  	[sflag:s22] =	ssyncset.done $0x0  }
0x61: {  	s28 =	sadd.s32 $0x1400, s28;
	[sflag:s22] =	ssyncadd.s32 $0xFFFF8000  }
0x62: {  	[tilespmem:s15], [sflag:$0x4] =	stream.linear.gather [hbm4b:s28+s2], $0x100, $0x38;
	[tilespmem:$0x10200] =	vst v63  }
0x63: {  	s28 =	sadd.s32 $0x20000, s26;
	s26 =	sadd.s32 $0x40000, s26  }
0x64: {  	[hbm4b:s28+s2] =	stream.linear.scatter [tilespmem:s19], [sflag:$0x6], $0x8000, $0x38;
	[tilespmem:$0x10200] =	vst v63  }
0x65: {  	_ =	swait.ge [sflag:s23], $0x8000  }
0x66: {  	[sflag:s23] =	ssyncset.done $0x0  }
0x67: {  	[sflag:s23] =	ssyncadd.s32 $0xFFFF8000  }
0x68: {  	_ =	swait.ge [sflag:s18], $0x100  }
0x69: {  	[sflag:s18] =	ssyncset.done $0x0  }
0x6a: {  	[sflag:s18] =	ssyncadd.s32 $0xFFFFFF00  }
0x6b: {  	[tilespmem:s19], [sflag:$0x5] =	stream.indirect.gather [hbm4b:s3+s17], $0x80, s15, s17, $0xb8;
	[tilespmem:$0x10200] =	vst v63  }
0x6c: {  	_ =	swait.ge [sflag:s20], $0x8000  }
0x6d: {  	[sflag:s20] =	ssyncset.done $0x0  }
0x6e: {  	[sflag:s20] =	ssyncadd.s32 $0xFFFF8000  }
0x6f: {  	[hbm4b:s11+s2] =	stream.linear.scatter [tilespmem:s17], [sflag:$0x3], $0x8000, $0x38;
	[tilespmem:$0x10200] =	vst v63  }
0x70: {  	_ =	swait.ge [sflag:s22], $0x8000  }
0x71: {  	[sflag:s22] =	ssyncset.done $0x0  }
0x72: {  	s24 =	sadd.s32 $0x1, s24;
	[sflag:s22] =	ssyncadd.s32 $0xFFFF8000  }
0x73: {  	[hbm4b:s12+s2] =	stream.linear.scatter [tilespmem:s19], [sflag:$0x6], $0x8000, $0x38;
	[tilespmem:$0x10200] =	vst v63  }
0x74: {  	p0 =	sne.s32 s24, s8;
	_ =	swait.ge [sflag:s21], $0x8000  }
.Ltmp1:
0x75: {  	[sflag:s21] =	ssyncset.done $0x0;
	(pc) =	sbr.rel @p0 .LBB2_1-.Ltmp1, $4  }
0x76: {  	[sflag:s21] =	ssyncadd.s32 $0xFFFF8000  }
0x77: {  	_ =	swait.ge [sflag:s23], $0x8000  }
0x78: {  	[sflag:s23] =	ssyncset.done $0x0  }
0x79: {  	[sflag:s23] =	ssyncadd.s32 $0xFFFF8000  }
0x7a: {  	_ =	sfence.sel $0x180000  }
0x7b: {  	[bflag:$0x0] =	sbarrier.arrive $0xFFFF  }
0x7c: {  	p0 =	sne.s32 s1, $0x0;
	_ =	strace $0x90000050  }
0x7d: {  	s0 =	sadd.s32 @!p0 $0x100000, s0;
	[bflag:$0x2] =	sbarrier.arrive $0xFFFF  }
0x7e: {  	[sflag:s0] =	ssyncadd.tile.s32 @!p0 $0x1;
	_ =	shalt  }
.Lfunc_end2:
_tile_overlayer_lowered:
.L_overlay_start_2:
0x7f: {  	(tag) =	ssettag $0x2  }
0x80: {  	s0 =	rddreg [dreg:$0x0];
	s2 =	stileid.u32  }
0x81: {  	s1 =	rddreg [dreg:$0x1];
	p0 =	sne.s32 s2, $0x0  }
0x82: {  	s3 =	rddreg [dreg:$0x2];
	[bflag:$0x3] =	sbarrier.arrive $0xFFFF;
	s2 =	simm.s32 @!p0 $0x1C07  }
0x83: {  	[timem:s3], [sflag:s2] =	dma.local @!p0 [hbm:s0], s1  }
0x84: {  	s0 =	simm.s32 @!p0 $0x7  }
0x85: {  	_ =	swait.ge @!p0 [sflag:s0], s1  }
0x86: {  	s1 =	ssub.s32 @!p0 $0x0, s1;
	[sflag:s0] =	ssyncset.done @!p0 $0x0  }
0x87: {  	[sflag:s0] =	ssyncadd.s32 @!p0 s1  }
0x88: {  	[bflag:$0x3] =	sbarrier.arrive $0xFFFF  }
0x89: {  	_ =	shalt  }

// kernel: kernel.22.cloned.1.call-start
scs
__scs_entry_jumppad:
0x0: {  	(pc) =	sbr.rel $0x88, $3  }
0x1: {  	(tag) =	ssettag $0x0;
	lr =	simm.s32 $0x1  }
0x2: {  	[smem:$0x3F92] =	sst lr;
	_ =	strace $0xD0000000  }
0x3: {  	_ = 	snop  }
0x4: {  	_ = 	snop  }
0x5: {  	_ = 	snop  }
0x6: {  	_ = 	snop  }
0x7: {  	_ = 	snop  }
__scs_overlays_trampoline_lowered:
0x8: {  	[smem:$0x3FA1] =	sst s0  }
0x9: {  	[smem:$0x3FA2] =	sst s1  }
0xa: {  	[smem:$0x3FA3] =	sst s2  }
0xb: {  	[smem:$0x3FA4] =	sst s3  }
0xc: {  	[smem:$0x3FA5] =	sst s4  }
0xd: {  	[smem:$0x3FA6] =	sst s5  }
0xe: {  	[smem:$0x3FA7] =	sst s6  }
0xf: {  	[smem:$0x3FA8] =	sst s7  }
0x10: {  	[smem:$0x3FA9] =	sst s8  }
0x11: {  	[smem:$0x3FAA] =	sst s9;
	s0 =	simm.s32 @!p0 $0x0  }
0x12: {  	s1 =	sld [smem:$0x3F90];
	s0 =	simm.s32 @p0 $0x1  }
0x13: {  	[smem:$0x3FAB] =	sst s0;
	s0 =	simm.s32 @!p1 $0x0  }
0x14: {  	s2 =	sld [smem:$0x3F8F];
	s0 =	simm.s32 @p1 $0x1  }
0x15: {  	[smem:$0x3FAC] =	sst s0;
	s0 =	simm.s32 @!p2 $0x0  }
0x16: {  	s3 =	sld [smem:$0x3FDB];
	s0 =	simm.s32 @p2 $0x1  }
0x17: {  	s4 =	simm.s32 $0x1BF5;
	[smem:$0x3FAE] =	sst s0  }
0x18: {  	s0 =	sld [smem:$0x3F91];
	_ =	swait.ge [sflag:s4], $0x0  }
0x19: {  	s7 =	sld [smem:$0x3F92]  }
0x1a: {  	s8 =	sadd.s32 $0xFFFFE003, lr  }
0x1b: {  	s9 =	sadd.s32 $0xFFFFFEF7, lr;
	s5 =	simm.s32 $0xFFFFFFFF;
	p2 =	slt.u32 s8, $0xFFFFF086  }
0x1c: {  	p1 =	slt.u32 s9, $0xF7A;
	s5 =	simm.s32 @!p2 $0x0  }
0x1d: {  	s5 =	simm.s32 @p1 $0x1;
	p0 =	seq.s32 s7, s2  }
0x1e: {  	s7 =	smul.u32 @!p0 $0xF7A, s2;
	p2 =	seq.s32 @!p0 s5, $0x0  }
0x1f: {  	s9 =	smul.u32 $0xF7A, s1;
	s8 =	simm.s32 @!p0 $0x1BF5;
	p2 =	por !p2, p0  }
0x20: {  	[sflag:s8] =	ssyncset.s32 @!p0 $0xFFFFF086;
	s6 =	sadd.s32 @!p0 s3, s7;
	s7 =	simm.s32 @!p0 $0x108  }
0x21: {  	s3 =	sadd.s32 s3, s9;
	s6 =	sadd.s32 @!p0 $0x88, s6;
	s7 =	simm.s32 @p2 $0x1082  }
0x22: {  	[simem:s7], [sflag:s8] =	dma.local @!p0 [hbm:s6], $0xF7A  }
0x23: {  	s9 =	sor.u32 $0xD0000000, s2;
	s6 =	simm.s32 $0x108;
	_ =	swait.ge @!p0 [sflag:s8], $0x0  }
0x24: {  	s3 =	sadd.s32 $0x88, s3;
	s6 =	simm.s32 @!p1 $0x1082;
	[sflag:s4] =	ssyncset.s32 $0xFFFFF086  }
0x25: {  	[simem:s6], [sflag:s4] =	dma.local [hbm:s3], $0xF7A  }
0x26: {  	[smem:$0x3F92] =	sst s1;
	(tag) =	ssettag s2;
	_ =	strace s9  }
0x27: {  	s1 =	sld [smem:$0x3FA2]  }
0x28: {  	s2 =	sld [smem:$0x3FA3]  }
0x29: {  	s4 =	sld [smem:$0x3FA5]  }
0x2a: {  	p0 =	seq.s32 s5, $0x0;
	s5 =	sld [smem:$0x3FA6]  }
0x2b: {  	s6 =	sld [smem:$0x3FA7]  }
0x2c: {  	s7 =	sld [smem:$0x3FA8]  }
0x2d: {  	s3 =	simm.s32 $0x108;
	s8 =	sld [smem:$0x3FA9]  }
0x2e: {  	s3 =	simm.s32 @!p0 $0x1082;
	s9 =	sld [smem:$0x3FAA]  }
0x2f: {  	lr =	sadd.s32 s0, s3;
	s0 =	sld [smem:$0x3FA1]  }
0x30: {  	s3 =	sld [smem:$0x3FA4]  }
0x31: {  	[smem:$0x3FAD] =	sst s10  }
0x32: {  	s10 =	sld [smem:$0x3FAB];
	_ =	sdelay $0x3  }
0x33: {  	p0 =	seq.s32 s10, $0x1;
	s10 =	sld [smem:$0x3FAD];
	_ =	sdelay $0x3  }
0x34: {  	[smem:$0x3FAD] =	sst s10  }
0x35: {  	s10 =	sld [smem:$0x3FAC];
	_ =	sdelay $0x3  }
0x36: {  	p1 =	seq.s32 s10, $0x1;
	s10 =	sld [smem:$0x3FAD];
	_ =	sdelay $0x3  }
0x37: {  	[smem:$0x3FAD] =	sst s10  }
0x38: {  	s10 =	sld [smem:$0x3FAE]  }
0x39: {  	_ = 	snop;
	(pc) =	sbr.ind lr, $3  }
0x3a: {  	_ = 	snop  }
0x3b: {  	_ = 	snop  }
0x3c: {  	p2 =	seq.s32 s10, $0x1;
	s10 =	sld [smem:$0x3FAD]  }
0x3d: {  	_ =	shalt  }
0x3e: {  	_ =	shalt  }
0x3f: {  	_ =	shalt  }
0x40: {  	_ =	shalt  }
0x41: {  	_ =	shalt  }
0x42: {  	_ =	shalt  }
0x43: {  	_ =	shalt  }
0x44: {  	_ =	shalt  }
0x45: {  	_ =	shalt  }
0x46: {  	_ =	shalt  }
0x47: {  	_ =	shalt  }
0x48: {  	_ =	shalt  }
0x49: {  	_ =	shalt  }
0x4a: {  	_ =	shalt  }
0x4b: {  	_ =	shalt  }
0x4c: {  	_ =	shalt  }
0x4d: {  	_ =	shalt  }
0x4e: {  	_ =	shalt  }
0x4f: {  	_ =	shalt  }
0x50: {  	_ =	shalt  }
0x51: {  	_ =	shalt  }
0x52: {  	_ =	shalt  }
0x53: {  	_ =	shalt  }
0x54: {  	_ =	shalt  }
0x55: {  	_ =	shalt  }
0x56: {  	_ =	shalt  }
0x57: {  	_ =	shalt  }
0x58: {  	_ =	shalt  }
0x59: {  	_ =	shalt  }
0x5a: {  	_ =	shalt  }
0x5b: {  	_ =	shalt  }
0x5c: {  	_ =	shalt  }
0x5d: {  	_ =	shalt  }
0x5e: {  	_ =	shalt  }
0x5f: {  	_ =	shalt  }
0x60: {  	_ =	shalt  }
0x61: {  	_ =	shalt  }
0x62: {  	_ =	shalt  }
0x63: {  	_ =	shalt  }
0x64: {  	_ =	shalt  }
0x65: {  	_ =	shalt  }
0x66: {  	_ =	shalt  }
0x67: {  	_ =	shalt  }
0x68: {  	_ =	shalt  }
0x69: {  	_ =	shalt  }
0x6a: {  	_ =	shalt  }
0x6b: {  	_ =	shalt  }
0x6c: {  	_ =	shalt  }
0x6d: {  	_ =	shalt  }
0x6e: {  	_ =	shalt  }
0x6f: {  	_ =	shalt  }
0x70: {  	_ =	shalt  }
0x71: {  	_ =	shalt  }
0x72: {  	_ =	shalt  }
0x73: {  	_ =	shalt  }
0x74: {  	_ =	shalt  }
0x75: {  	_ =	shalt  }
0x76: {  	_ =	shalt  }
0x77: {  	_ =	shalt  }
0x78: {  	_ =	shalt  }
0x79: {  	_ =	shalt  }
0x7a: {  	_ =	shalt  }
0x7b: {  	_ =	shalt  }
0x7c: {  	_ =	shalt  }
0x7d: {  	_ =	shalt  }
0x7e: {  	_ =	shalt  }
0x7f: {  	_ =	shalt  }
0x80: {  	_ =	shalt  }
0x81: {  	_ =	shalt  }
0x82: {  	_ =	shalt  }
0x83: {  	_ =	shalt  }
0x84: {  	_ =	shalt  }
0x85: {  	_ =	shalt  }
0x86: {  	_ =	shalt  }
0x87: {  	_ =	shalt  }
.Lfunc_end0:
.L_simem_size_0:
called_computation.5_lowered:
.L_overlay_start_0:
0x88: {  	s2 =	sld [smem:$0x3FD9]  }
0x89: {  	s3 =	sld [smem:$0x3FFE];
	_ =	sdelay $0x1  }
0x8a: {  	s1 =	srdreg.scid  }
0x8b: {  	s0 =	sand.u32 $0x1, s1  }
0x8c: {  	s17 =	sshll.u32 s0, $0xA;
	s2 =	sadd.s32 s3, s2  }
0x8d: {  	s2 =	sadd.s32 s2, s17  }
0x8e: {  	[smem:$0x3FB9] =	sst s2  }
0x8f: {  	_ = 	snop  }
0x90: {  	(tm) =	ssettm $0x1  }
0x91: {  	s18 =	sld [smem:$0x3FFB];
	_ =	sdelay $0x3  }
0x92: {  	_ =	strace s18  }
0x93: {  	s2 =	sld [smem:$0x3FFC];
	_ =	sdelay $0x3  }
0x94: {  	_ =	strace s2  }
0x95: {  	s2 =	sld [smem:$0x3FFD];
	_ =	sdelay $0x3  }
0x96: {  	_ =	strace s2  }
0x97: {  	_ =	strace $0x8FFFFFFF  }
0x98: {  	s19 =	sld [smem:$0x3FDB];
	_ =	sdelay $0x1  }
0x99: {  	s20 =	simm.s32 $_scs_section_size  }
0x9a: {  	s4 =	simm.s32 $_size__tile_overlayer_lowered;
	s5 =	simm.s32 $_tile_overlayer_lowered  }
0x9b: {  	s6 =	simm.s32 $0x1BFF;
	s21 =	sshll.u32 s5, $0x1;
	s3 =	sadd.s32 s20, s19  }
0x9c: {  	s22 =	simm.s32 $0x0;
	s4 =	sshll.u32 s4, $0x1;
	s5 =	sadd.s32 s21, s3  }
0x9d: {  	[timem:s22], [sflag:s6] =	dma.local [hbm:s5], s4  }
0x9e: {  	_ =	swait.ge [sflag:s6], s4  }
0x9f: {  	s4 =	ssub.s32 $0x0, s4;
	[sflag:s6] =	ssyncset.done $0x0  }
0xa0: {  	[sflag:s6] =	ssyncadd.s32 s4;
	_ =	sdelay $0x1  }
0xa1: {  	s23 =	simm.s32 $0x1B8B  }
0xa2: {  	_ =	swait.ge [sflag:s23], $0x1  }
0xa3: {  	[sflag:s23] =	ssyncset.done $0x0  }
0xa4: {  	[sflag:s23] =	ssyncadd.s32 $0xFFFFFFFF  }
0xa5: {  	s4 =	sld [smem:$0x0]  }
0xa6: {  	s5 =	sand.u32 $0xFFFFFFFE, s1  }
0xa7: {  	p0 =	sne.s32 s1, s5  }
0xa8: {  	s5 =	sshll.u32 @p0 s5, $0xE  }
0xa9: {  	s5 =	sadd.s32 @p0 $0x11B8D, s5;
	s6 =	sshll.u32 @p0 s4, $0x11  }
0xaa: {  	s5 =	sor.u32 @p0 s6, s5  }
0xab: {  	[sflag:s5] =	ssyncadd.remote.s32 @p0 $0x1;
	_ =	sdelay $0x1  }
0xac: {  	s5 =	simm.s32 @p0 $0x1B8D  }
0xad: {  	_ =	swait.eq @p0 [sflag:s5], $0x1  }
0xae: {  	[sflag:s5] =	ssyncadd.s32 @p0 $0xFFFFFFFF  }
0xaf: {  	s6 =	sshll.u32 @!p0 s1, $0xE  }
0xb0: {  	s6 =	sor.u32 @!p0 $0x4000, s6;
	s5 =	simm.s32 @!p0 $0x1B8D  }
0xb1: {  	s4 =	sshll.u32 @!p0 s4, $0x11;
	s6 =	sadd.s32 @!p0 $0x11B8D, s6;
	_ =	swait.eq @!p0 [sflag:s5], $0x1  }
0xb2: {  	s4 =	sor.u32 @!p0 s4, s6;
	[sflag:s5] =	ssyncadd.s32 @!p0 $0xFFFFFFFF  }
0xb3: {  	s25 =	simm.s32 $0x1B8E;
	s24 =	sld [smem:$0x3FFE];
	[sflag:s4] =	ssyncadd.remote.s32 @!p0 $0x1  }
0xb4: {  	s26 =	simm.s32 $execute0_lowered;
	[smem:$0x3FD2] =	sst s25  }
0xb5: {  	s5 =	sshll.u32 s26, $0x1;
	_ =	strace $0x80000055;
	[dreg:$0x1] =	wrdreg $0xFFFFFFFF  }
0xb6: {  	s28 =	simm.s32 $_size_execute0_lowered;
	s3 =	sadd.s32 s3, s5;
	[dreg:$0x0] =	wrdreg $0x0  }
0xb7: {  	s5 =	sshll.u32 s28, $0x1;
	[dreg:$0x2] =	wrdreg s3  }
0xb8: {  	[dreg:$0x3] =	wrdreg s5  }
0xb9: {  	[dreg:$0x4] =	wrdreg $0xC0  }
0xba: {  	_ =	task [dreg:s22], $0x5FFFF  }
0xbb: {  	[dreg:$0x1] =	wrdreg $0xFFFFFFFF  }
0xbc: {  	[dreg:$0x0] =	wrdreg $0x60  }
0xbd: {  	[dreg:$0x2] =	wrdreg s24  }
0xbe: {  	[dreg:$0x3] =	wrdreg $0x9  }
0xbf: {  	_ =	task.clear_ibuf [dreg:s22], $0x4FFFF;
	_ =	strace $0x90000055  }
0xc0: {  	s29 =	simm.s32 $0x9;
	_ =	strace $0x80000057  }
0xc1: {  	_ =	swait.ge [sflag:s29], $0x1  }
0xc2: {  	[sflag:s29] =	ssyncadd.s32 $0xFFFFFFFF  }
0xc3: {  	_ =	strace $0x90000057  }
0xc4: {  	_ =	sfence  }
0xc5: {  	s30 =	sld [smem:$0x0];
	_ =	sdelay $0x2  }
0xc6: {  	s31 =	sshll.u32 s1, $0xD;
	s1 =	sshrl.u32 s1, $0x2  }
0xc7: {  	s4 =	sand.u32 $0x4000, s31;
	s1 =	sadd.s32 s1, s30  }
0xc8: {  	s0 =	sor.u32 s4, s0;
	s1 =	sshll.u32 s1, $0x11  }
0xc9: {  	s0 =	sor.u32 s1, s0  }
0xca: {  	s0 =	sadd.s32 $0x8F2B, s0  }
0xcb: {  	[sflag:s0] =	ssyncadd.remote.s32 $0x1  }
0xcc: {  	_ =	sfence.sel $0xFFFF  }
0xcd: {  	[dreg:$0x0] =	wrdreg $0xFFFFFFFF;
	(pc) =	sbr.abs _section_cstart, $3  }
0xce: {  	[dreg:$0x1] =	wrdreg $0xFFFFFFFF  }
0xcf: {  	_ =	task.clear_ibuf [dreg:s22], $0x2FFFF;
	_ =	strace $0x9FFFFFFF  }
0xd0: {  	(tm) =	ssettm $0x7FFFFFFF  }
0xd1: {  	_ =	shalt  }
tec
execute0_lowered:
.L_overlay_start_1:
0x0: {  	(tag) =	ssettag $0x1  }
0x1: {  	s8 =	rddreg [dreg:$0x0]  }
0x2: {  	s0 =	rddreg [dreg:$0x1];
	s2 =	simm.s32 $0x0  }
0x3: {  	s3 =	srdreg.scid;
	s1 =	stileid.u32;
	s18 =	simm.s32 $0x4  }
0x4: {  	s19 =	simm.s32 $0x8200;
	s20 =	simm.s32 $0x2;
	s21 =	simm.s32 $0x3  }
0x5: {  	s22 =	simm.s32 $0x5;
	s23 =	simm.s32 $0x6;
	s24 =	simm.s32 $0x0  }
0x6: {  	[smem:$0x7FF] =	sst s2;
	s13 =	sand.u32 $0x1, s3;
	s4 =	sshll.u32 s1, $0x1  }
0x7: {  	s3 =	sadd.s32 $0xFD1000, s8;
	s14 =	sadd.s32 $0xF51C00, s8;
	s15 =	sadd.s32 $0x2BC00, s8  }
0x8: {  	s12 =	sadd.s32 $0x4BC00, s8;
	s30 =	sshll.u32 s1, $0xD;
	s17 =	sshll.u32 s1, $0x6  }
0x9: {  	_ =	strace $0x80000056;
	s5 =	ssub.s32 $0x2, s13;
	s7 =	sor.u32 s13, s4  }
0xa: {  	s31 =	sshll.u32 s13, $0xC;
	s13 =	sshll.u32 s13, $0x5;
	s29 =	sshrl.u32 s5, $0x1  }
0xb: {  	s6 =	sshll.u32 s7, $0x5;
	s11 =	sshll.u32 s7, $0xC;
	s9 =	ssub.s32 s5, s29  }
0xc: {  	s4 =	sadd.s32 s14, s6;
	s10 =	sadd.s32 s11, s12;
	s16 =	sor.u32 $0x4C0000, s11  }
0xd: {  	s14 =	sadd.s32 s17, s14;
	s17 =	simm.s32 $0x100;
	s5 =	sadd.s32 $0x400, s4  }
0xe: {  	s6 =	sadd.s32 $0x800, s4;
	s7 =	sadd.s32 $0xC00, s4;
	s8 =	smax.u32 s9, $0x1  }
0xf: {  	s9 =	sadd.s32 s15, s11;
	s11 =	sadd.s32 s15, s16;
	s15 =	sadd.s32 s30, s15  }
0x10: {  	s12 =	sadd.s32 s16, s12;
	s13 =	sadd.s32 s13, s14;
	s15 =	sadd.s32 s31, s15  }
0x11: {  	s16 =	simm.s32 $0x1;
	s14 =	sadd.s32 $0x40000, s15;
	s15 =	simm.s32 $0x8100  }
.LBB2_1:
0x12: {  	[tilespmem:s2], [sflag:$0x1] =	stream.linear.gather [hbm4b:s4+s2], $0x100, $0x38;
	[tilespmem:$0x10200] =	vst v63  }
0x13: {  	_ = 	snop  }
0x14: {  	[tilespmem:s15], [sflag:$0x4] =	stream.linear.gather [hbm4b:s5+s2], $0x100, $0x38;
	[tilespmem:$0x10200] =	vst v63  }
0x15: {  	_ =	swait.ge [sflag:s16], $0x100  }
0x16: {  	[sflag:s16] =	ssyncset.done $0x0  }
0x17: {  	[sflag:s16] =	ssyncadd.s32 $0xFFFFFF00  }
0x18: {  	[tilespmem:s17], [sflag:$0x2] =	stream.indirect.gather [hbm4b:s3+s17], $0x80, s2, s17, $0xb8;
	[tilespmem:$0x10200] =	vst v63  }
0x19: {  	_ =	swait.ge [sflag:s18], $0x100  }
0x1a: {  	[sflag:s18] =	ssyncset.done $0x0  }
0x1b: {  	[sflag:s18] =	ssyncadd.s32 $0xFFFFFF00  }
0x1c: {  	[tilespmem:s19], [sflag:$0x5] =	stream.indirect.gather [hbm4b:s3+s17], $0x80, s15, s17, $0xb8;
	[tilespmem:$0x10200] =	vst v63  }
0x1d: {  	_ =	swait.ge [sflag:s20], $0x8000  }
0x1e: {  	[sflag:s20] =	ssyncset.done $0x0  }
0x1f: {  	[sflag:s20] =	ssyncadd.s32 $0xFFFF8000  }
0x20: {  	[tilespmem:s2], [sflag:$0x1] =	stream.linear.gather [hbm4b:s6+s2], $0x100, $0x38;
	[tilespmem:$0x10200] =	vst v63  }
0x21: {  	_ = 	snop  }
0x22: {  	[hbm4b:s9+s2] =	stream.linear.scatter [tilespmem:s17], [sflag:$0x3], $0x8000, $0x38;
	[tilespmem:$0x10200] =	vst v63  }
0x23: {  	_ =	swait.ge [sflag:s21], $0x8000  }
0x24: {  	[sflag:s21] =	ssyncset.done $0x0  }
0x25: {  	[sflag:s21] =	ssyncadd.s32 $0xFFFF8000  }
0x26: {  	_ =	swait.ge [sflag:s16], $0x100  }
0x27: {  	[sflag:s16] =	ssyncset.done $0x0  }
0x28: {  	[sflag:s16] =	ssyncadd.s32 $0xFFFFFF00  }
0x29: {  	[tilespmem:s17], [sflag:$0x2] =	stream.indirect.gather [hbm4b:s3+s17], $0x80, s2, s17, $0xb8;
	[tilespmem:$0x10200] =	vst v63  }
0x2a: {  	_ =	swait.ge [sflag:s22], $0x8000  }
0x2b: {  	[sflag:s22] =	ssyncset.done $0x0  }
0x2c: {  	[sflag:s22] =	ssyncadd.s32 $0xFFFF8000  }
0x2d: {  	[tilespmem:s15], [sflag:$0x4] =	stream.linear.gather [hbm4b:s7+s2], $0x100, $0x38;
	[tilespmem:$0x10200] =	vst v63  }
0x2e: {  	_ = 	snop  }
0x2f: {  	[hbm4b:s10+s2] =	stream.linear.scatter [tilespmem:s19], [sflag:$0x6], $0x8000, $0x38;
	[tilespmem:$0x10200] =	vst v63  }
0x30: {  	_ =	swait.ge [sflag:s23], $0x8000  }
0x31: {  	[sflag:s23] =	ssyncset.done $0x0  }
0x32: {  	[sflag:s23] =	ssyncadd.s32 $0xFFFF8000  }
0x33: {  	_ =	swait.ge [sflag:s18], $0x100  }
0x34: {  	[sflag:s18] =	ssyncset.done $0x0  }
0x35: {  	[sflag:s18] =	ssyncadd.s32 $0xFFFFFF00  }
0x36: {  	[tilespmem:s19], [sflag:$0x5] =	stream.indirect.gather [hbm4b:s3+s17], $0x80, s15, s17, $0xb8;
	[tilespmem:$0x10200] =	vst v63  }
0x37: {  	_ =	swait.ge [sflag:s20], $0x8000  }
0x38: {  	s25 =	sadd.s32 $0x0, s13;
	[sflag:s20] =	ssyncset.done $0x0  }
0x39: {  	s26 =	sadd.s32 $0x1000, s25;
	[sflag:s20] =	ssyncadd.s32 $0xFFFF8000  }
0x3a: {  	[tilespmem:s2], [sflag:$0x1] =	stream.linear.gather [hbm4b:s26+s2], $0x100, $0x38;
	[tilespmem:$0x10200] =	vst v63  }
0x3b: {  	_ = 	snop  }
0x3c: {  	[hbm4b:s14+s2] =	stream.linear.scatter [tilespmem:s17], [sflag:$0x3], $0x8000, $0x38;
	[tilespmem:$0x10200] =	vst v63  }
0x3d: {  	_ =	swait.ge [sflag:s21], $0x8000  }
0x3e: {  	[sflag:s21] =	ssyncset.done $0x0  }
0x3f: {  	[sflag:s21] =	ssyncadd.s32 $0xFFFF8000  }
0x40: {  	_ =	swait.ge [sflag:s16], $0x100  }
0x41: {  	[sflag:s16] =	ssyncset.done $0x0  }
0x42: {  	[sflag:s16] =	ssyncadd.s32 $0xFFFFFF00  }
0x43: {  	[tilespmem:s17], [sflag:$0x2] =	stream.indirect.gather [hbm4b:s3+s17], $0x80, s2, s17, $0xb8;
	[tilespmem:$0x10200] =	vst v63  }
0x44: {  	_ =	swait.ge [sflag:s22], $0x8000  }
0x45: {  	[sflag:s22] =	ssyncset.done $0x0  }
0x46: {  	s25 =	sadd.s32 $0x1400, s25;
	[sflag:s22] =	ssyncadd.s32 $0xFFFF8000  }
0x47: {  	[tilespmem:s15], [sflag:$0x4] =	stream.linear.gather [hbm4b:s25+s2], $0x100, $0x38;
	[tilespmem:$0x10200] =	vst v63  }
0x48: {  	s28 =	sadd.s32 $0x20000, s14;
	s26 =	sadd.s32 $0x40000, s14;
	s25 =	simm.s32 $0x800  }
.LBB2_2:
0x49: {  	[hbm4b:s28+s2] =	stream.linear.scatter [tilespmem:s19], [sflag:$0x6], $0x8000, $0x38;
	[tilespmem:$0x10200] =	vst v63  }
0x4a: {  	s28 =	smov.u32 s25  }
0x4b: {  	p0 =	sne.s32 s25, $0x8800;
	s25 =	sadd.s32 $0x800, s25;
	_ =	swait.ge [sflag:s23], $0x8000  }
0x4c: {  	[sflag:s23] =	ssyncset.done $0x0  }
0x4d: {  	[sflag:s23] =	ssyncadd.s32 $0xFFFF8000  }
0x4e: {  	_ =	swait.ge [sflag:s18], $0x100  }
0x4f: {  	[sflag:s18] =	ssyncset.done $0x0  }
0x50: {  	[sflag:s18] =	ssyncadd.s32 $0xFFFFFF00  }
0x51: {  	[tilespmem:s19], [sflag:$0x5] =	stream.indirect.gather [hbm4b:s3+s17], $0x80, s15, s17, $0xb8;
	[tilespmem:$0x10200] =	vst v63  }
0x52: {  	_ =	swait.ge [sflag:s20], $0x8000  }
0x53: {  	s28 =	sadd.s32 s28, s13;
	[sflag:s20] =	ssyncset.done $0x0  }
0x54: {  	s29 =	sadd.s32 $0x1000, s28;
	[sflag:s20] =	ssyncadd.s32 $0xFFFF8000  }
0x55: {  	[tilespmem:s2], [sflag:$0x1] =	stream.linear.gather [hbm4b:s29+s2], $0x100, $0x38;
	[tilespmem:$0x10200] =	vst v63  }
0x56: {  	_ = 	snop  }
0x57: {  	[hbm4b:s26+s2] =	stream.linear.scatter [tilespmem:s17], [sflag:$0x3], $0x8000, $0x38;
	[tilespmem:$0x10200] =	vst v63  }
0x58: {  	_ =	swait.ge [sflag:s21], $0x8000  }
0x59: {  	[sflag:s21] =	ssyncset.done $0x0  }
0x5a: {  	[sflag:s21] =	ssyncadd.s32 $0xFFFF8000  }
0x5b: {  	_ =	swait.ge [sflag:s16], $0x100  }
0x5c: {  	[sflag:s16] =	ssyncset.done $0x0  }
0x5d: {  	[sflag:s16] =	ssyncadd.s32 $0xFFFFFF00  }
0x5e: {  	[tilespmem:s17], [sflag:$0x2] =	stream.indirect.gather [hbm4b:s3+s17], $0x80, s2, s17, $0xb8;
	[tilespmem:$0x10200] =	vst v63  }
.Ltmp0:
0x5f: {  	_ =	swait.ge [sflag:s22], $0x8000;
	(pc) =	sbr.rel @p0 .LBB2_2-.Ltmp0, $4  }
0x60: {  	[sflag:s22] =	ssyncset.done $0x0  }
0x61: {  	s28 =	sadd.s32 $0x1400, s28;
	[sflag:s22] =	ssyncadd.s32 $0xFFFF8000  }
0x62: {  	[tilespmem:s15], [sflag:$0x4] =	stream.linear.gather [hbm4b:s28+s2], $0x100, $0x38;
	[tilespmem:$0x10200] =	vst v63  }
0x63: {  	s28 =	sadd.s32 $0x20000, s26;
	s26 =	sadd.s32 $0x40000, s26  }
0x64: {  	[hbm4b:s28+s2] =	stream.linear.scatter [tilespmem:s19], [sflag:$0x6], $0x8000, $0x38;
	[tilespmem:$0x10200] =	vst v63  }
0x65: {  	_ =	swait.ge [sflag:s23], $0x8000  }
0x66: {  	[sflag:s23] =	ssyncset.done $0x0  }
0x67: {  	[sflag:s23] =	ssyncadd.s32 $0xFFFF8000  }
0x68: {  	_ =	swait.ge [sflag:s18], $0x100  }
0x69: {  	[sflag:s18] =	ssyncset.done $0x0  }
0x6a: {  	[sflag:s18] =	ssyncadd.s32 $0xFFFFFF00  }
0x6b: {  	[tilespmem:s19], [sflag:$0x5] =	stream.indirect.gather [hbm4b:s3+s17], $0x80, s15, s17, $0xb8;
	[tilespmem:$0x10200] =	vst v63  }
0x6c: {  	_ =	swait.ge [sflag:s20], $0x8000  }
0x6d: {  	[sflag:s20] =	ssyncset.done $0x0  }
0x6e: {  	[sflag:s20] =	ssyncadd.s32 $0xFFFF8000  }
0x6f: {  	[hbm4b:s11+s2] =	stream.linear.scatter [tilespmem:s17], [sflag:$0x3], $0x8000, $0x38;
	[tilespmem:$0x10200] =	vst v63  }
0x70: {  	_ =	swait.ge [sflag:s22], $0x8000  }
0x71: {  	[sflag:s22] =	ssyncset.done $0x0  }
0x72: {  	s24 =	sadd.s32 $0x1, s24;
	[sflag:s22] =	ssyncadd.s32 $0xFFFF8000  }
0x73: {  	[hbm4b:s12+s2] =	stream.linear.scatter [tilespmem:s19], [sflag:$0x6], $0x8000, $0x38;
	[tilespmem:$0x10200] =	vst v63  }
0x74: {  	p0 =	sne.s32 s24, s8;
	_ =	swait.ge [sflag:s21], $0x8000  }
.Ltmp1:
0x75: {  	[sflag:s21] =	ssyncset.done $0x0;
	(pc) =	sbr.rel @p0 .LBB2_1-.Ltmp1, $4  }
0x76: {  	[sflag:s21] =	ssyncadd.s32 $0xFFFF8000  }
0x77: {  	_ =	swait.ge [sflag:s23], $0x8000  }
0x78: {  	[sflag:s23] =	ssyncset.done $0x0  }
0x79: {  	[sflag:s23] =	ssyncadd.s32 $0xFFFF8000  }
0x7a: {  	_ =	sfence.sel $0x180000  }
0x7b: {  	[bflag:$0x0] =	sbarrier.arrive $0xFFFF  }
0x7c: {  	p0 =	sne.s32 s1, $0x0;
	_ =	strace $0x90000056  }
0x7d: {  	s0 =	sadd.s32 @!p0 $0x100000, s0;
	[bflag:$0x2] =	sbarrier.arrive $0xFFFF  }
0x7e: {  	[sflag:s0] =	ssyncadd.tile.s32 @!p0 $0x1;
	_ =	shalt  }
.Lfunc_end2:
_tile_overlayer_lowered:
.L_overlay_start_2:
0x7f: {  	(tag) =	ssettag $0x2  }
0x80: {  	s0 =	rddreg [dreg:$0x0];
	s2 =	stileid.u32  }
0x81: {  	s1 =	rddreg [dreg:$0x1];
	p0 =	sne.s32 s2, $0x0  }
0x82: {  	s3 =	rddreg [dreg:$0x2];
	[bflag:$0x3] =	sbarrier.arrive $0xFFFF;
	s2 =	simm.s32 @!p0 $0x1C07  }
0x83: {  	[timem:s3], [sflag:s2] =	dma.local @!p0 [hbm:s0], s1  }
0x84: {  	s0 =	simm.s32 @!p0 $0x7  }
0x85: {  	_ =	swait.ge @!p0 [sflag:s0], s1  }
0x86: {  	s1 =	ssub.s32 @!p0 $0x0, s1;
	[sflag:s0] =	ssyncset.done @!p0 $0x0  }
0x87: {  	[sflag:s0] =	ssyncadd.s32 @!p0 s1  }
0x88: {  	[bflag:$0x3] =	sbarrier.arrive $0xFFFF  }
0x89: {  	_ =	shalt  }

</sc_bundles>
